<compile_context>
chip_gen: v7x
topology: tpu7x:2x2x1
jax: 0.10.2.dev20260603
libtpu: 0.0.44.dev20260713+nightly
codegen_flags: <defaults>
</compile_context>

<pallas_src>
import functools

import jax
import jax.numpy as jnp
from jax import lax
from jax.experimental import pallas as pl
from jax.experimental.pallas import tpu as pltpu
from jax.experimental.pallas import tpu_sc as plsc

N_NODES = 10000
N_PAD = 10240
N_EDGES = 320000
NCORES = 2
NSUB = 16
CHUNK = 128
RPS = N_PAD // NSUB

_MESH = dict(core_axis_name="c", subcore_axis_name="s",
             num_cores=NCORES, num_subcores=NSUB)

_E_TILE = N_EDGES // (NCORES * NSUB)
_ET_FULL = _E_TILE // CHUNK
_ET_TAIL = _E_TILE - _ET_FULL * CHUNK

_E_SUB = N_EDGES // NSUB
_ES_FULL = _E_SUB // CHUNK
_ES_TAIL = _E_SUB - _ES_FULL * CHUNK


_NB1 = 2
_ET_STEPS = _ET_FULL // _NB1


@functools.partial(
    pl.kernel,
    out_type=(jax.ShapeDtypeStruct((2 * N_PAD, 128), jnp.float32),
              jax.ShapeDtypeStruct((2 * N_PAD,), jnp.float32)),
    mesh=plsc.VectorSubcoreMesh(**_MESH),
    scratch_types=[
        [pltpu.VMEM((CHUNK,), jnp.int32)] * _NB1,
        [pltpu.VMEM((CHUNK,), jnp.int32)] * _NB1,
        [pltpu.VMEM((CHUNK, 128), jnp.float32)] * _NB1,
        pltpu.VMEM((_ET_TAIL,), jnp.int32),
        pltpu.VMEM((_ET_TAIL,), jnp.int32),
        pltpu.VMEM((_ET_TAIL, 128), jnp.float32),
        pltpu.VMEM((CHUNK,), jnp.float32),
        pltpu.VMEM((RPS,), jnp.float32),
        pltpu.VMEM_SHARED((N_PAD, 128), jnp.float32),
        pltpu.VMEM_SHARED((N_PAD,), jnp.float32),
        [pltpu.SemaphoreType.DMA] * _NB1,
        [pltpu.SemaphoreType.DMA] * _NB1,
        [pltpu.SemaphoreType.DMA] * _NB1,
    ],
)
def _agg_edge(tab, src_h, dst_h, z_h, out, dout,
              src_v, dst_v, rows_v, srct_v, dstt_v, rowst_v, ones_v, z1_v,
              acc, dacc, gsem, ssem, dsem):
    core = lax.axis_index("c")
    sub = lax.axis_index("s")
    wid = core * NSUB + sub
    zvec = jnp.zeros((16,), jnp.float32)
    ovec = jnp.ones((16,), jnp.float32)
    for j in range(CHUNK // 16):
        ones_v[pl.ds(j * 16, 16)] = ovec
    for j in range(RPS // 16):
        z1_v[pl.ds(j * 16, 16)] = zvec
    pltpu.sync_copy(z_h, acc.at[pl.ds(sub * RPS, RPS)])
    pltpu.sync_copy(z1_v, dacc.at[pl.ds(sub * RPS, RPS)])
    plsc.subcore_barrier()

    def load_and_gather(c, b):
        base = wid * _E_TILE + c * CHUNK
        pltpu.sync_copy(src_h.at[pl.ds(base, CHUNK)], src_v[b])
        pltpu.sync_copy(dst_h.at[pl.ds(base, CHUNK)], dst_v[b])
        pltpu.async_copy(tab.at[src_v[b]], rows_v[b], gsem[b])

    for b in range(_NB1):
        load_and_gather(b, b)

    def step(p, carry):
        for b in range(_NB1):
            c = p * _NB1 + b
            pltpu.make_async_copy(tab.at[src_v[b]], rows_v[b], gsem[b]).wait()
            pltpu.async_copy(rows_v[b], acc.at[dst_v[b]], ssem[b], add=True)
            pltpu.async_copy(ones_v, dacc.at[dst_v[b]], dsem[b], add=True)

            @pl.when(p < _ET_STEPS - 1)
            def _prep():
                pltpu.make_async_copy(
                    ones_v, dacc.at[dst_v[b]], dsem[b]).wait()
                pltpu.make_async_copy(
                    rows_v[b], acc.at[dst_v[b]], ssem[b]).wait()
                load_and_gather(c + _NB1, b)

        return carry

    lax.fori_loop(0, _ET_STEPS, step, 0)
    base = wid * _E_TILE + _ET_FULL * CHUNK
    pltpu.sync_copy(src_h.at[pl.ds(base, _ET_TAIL)], srct_v)
    pltpu.sync_copy(dst_h.at[pl.ds(base, _ET_TAIL)], dstt_v)
    pltpu.async_copy(tab.at[srct_v], rowst_v, gsem[0]).wait()
    pltpu.sync_copy(rowst_v, acc.at[dstt_v], add=True)
    pltpu.sync_copy(ones_v.at[pl.ds(0, _ET_TAIL)], dacc.at[dstt_v], add=True)
    for b in range(_NB1):
        pltpu.make_async_copy(ones_v, dacc.at[dst_v[b]], dsem[b]).wait()
        pltpu.make_async_copy(rows_v[b], acc.at[dst_v[b]], ssem[b]).wait()
    plsc.subcore_barrier()
    pltpu.sync_copy(acc.at[pl.ds(sub * RPS, RPS)],
                    out.at[pl.ds(core * N_PAD + sub * RPS, RPS)])
    pltpu.sync_copy(dacc.at[pl.ds(sub * RPS, RPS)],
                    dout.at[pl.ds(core * N_PAD + sub * RPS, RPS)])


_NB2 = 2
_ES_STEPS = _ES_FULL // _NB2


@functools.partial(
    pl.kernel,
    out_type=jax.ShapeDtypeStruct((2 * N_PAD, 128), jnp.float32),
    mesh=plsc.VectorSubcoreMesh(**_MESH),
    scratch_types=[
        [pltpu.VMEM((CHUNK,), jnp.int32)] * _NB2,
        [pltpu.VMEM((CHUNK,), jnp.int32)] * _NB2,
        [pltpu.VMEM((CHUNK, 128), jnp.float32)] * _NB2,
        pltpu.VMEM((_ES_TAIL,), jnp.int32),
        pltpu.VMEM((_ES_TAIL,), jnp.int32),
        pltpu.VMEM((_ES_TAIL, 128), jnp.float32),
        pltpu.VMEM_SHARED((N_PAD, 128), jnp.float32),
        [pltpu.SemaphoreType.DMA] * _NB2,
        [pltpu.SemaphoreType.DMA] * _NB2,
    ],
)
def _agg_col(tab, src_h, dst_h, z_h, out,
             src_v, dst_v, rows_v, srct_v, dstt_v, rowst_v, acc, gsem, ssem):
    core = lax.axis_index("c")
    sub = lax.axis_index("s")
    toff = core * N_PAD
    pltpu.sync_copy(z_h, acc.at[pl.ds(sub * RPS, RPS)])
    plsc.subcore_barrier()

    def load_and_gather(c, b):
        base = sub * _E_SUB + c * CHUNK
        pltpu.sync_copy(src_h.at[pl.ds(base, CHUNK)], src_v[b])
        pltpu.sync_copy(dst_h.at[pl.ds(base, CHUNK)], dst_v[b])
        for j in range(CHUNK // 16):
            sl = pl.ds(j * 16, 16)
            src_v[b][sl] = src_v[b][sl] + toff
        pltpu.async_copy(tab.at[src_v[b]], rows_v[b], gsem[b])

    for b in range(_NB2):
        load_and_gather(b, b)

    def step(p, carry):
        for b in range(_NB2):
            c = p * _NB2 + b
            pltpu.make_async_copy(tab.at[src_v[b]], rows_v[b], gsem[b]).wait()
            pltpu.async_copy(rows_v[b], acc.at[dst_v[b]], ssem[b], add=True)

            @pl.when(p < _ES_STEPS - 1)
            def _prep():
                pltpu.make_async_copy(
                    rows_v[b], acc.at[dst_v[b]], ssem[b]).wait()
                load_and_gather(c + _NB2, b)

        return carry

    lax.fori_loop(0, _ES_STEPS, step, 0)
    base = sub * _E_SUB + _ES_FULL * CHUNK
    pltpu.sync_copy(src_h.at[pl.ds(base, _ES_TAIL)], srct_v)
    pltpu.sync_copy(dst_h.at[pl.ds(base, _ES_TAIL)], dstt_v)
    for j in range(_ES_TAIL // 16):
        sl = pl.ds(j * 16, 16)
        srct_v[sl] = srct_v[sl] + toff
    pltpu.async_copy(tab.at[srct_v], rowst_v, gsem[0]).wait()
    pltpu.sync_copy(rowst_v, acc.at[dstt_v], add=True)
    for b in range(_NB2):
        pltpu.make_async_copy(rows_v[b], acc.at[dst_v[b]], ssem[b]).wait()
    plsc.subcore_barrier()
    pltpu.sync_copy(acc.at[pl.ds(sub * RPS, RPS)],
                    out.at[pl.ds(core * N_PAD + sub * RPS, RPS)])


_BLK = 2560
_GRID = N_PAD // _BLK


def _dense(x, nmean, Ws_ref, Wn_ref, sc_ref, sh_ref):
    y = (jnp.dot(x, Ws_ref[...], preferred_element_type=jnp.float32)
         + jnp.dot(nmean, Wn_ref[...], preferred_element_type=jnp.float32))
    y = y * sc_ref[...] + sh_ref[...]
    return jnp.where(y >= 0, y, 0.01 * y)


def _rdeg(dg_ref):
    deg = dg_ref[0, :] + dg_ref[1, :]
    return 1.0 / jnp.maximum(deg, 1.0)


def _layer1_body(x_ref, ss_ref, dg_ref, Ws_ref, Wn_ref,
                 sc_ref, sh_ref, out_ref):
    nmean = (ss_ref[0] + ss_ref[1]) * _rdeg(dg_ref)[:, None]
    act = _dense(x_ref[...], nmean, Ws_ref, Wn_ref, sc_ref, sh_ref)
    out_ref[0] = act[:, :128]
    out_ref[1] = act[:, 128:]


def _layer2_body(x_ref, ss_ref, dg_ref, Ws_ref, Wn_ref,
                 sc_ref, sh_ref, out_ref):
    x = jnp.concatenate([x_ref[0], x_ref[1]], axis=1)
    ss = jnp.concatenate([ss_ref[0], ss_ref[1]], axis=1)
    nmean = ss * _rdeg(dg_ref)[:, None]
    act = _dense(x, nmean, Ws_ref, Wn_ref, sc_ref, sh_ref)
    out_ref[0] = act[:, :128]
    out_ref[1] = act[:, 128:]


def _layer3_body(x_ref, ss_ref, dg_ref, Ws_ref, Wn_ref,
                 sc_ref, sh_ref, out_ref):
    i = pl.program_id(0)
    x = jnp.concatenate([x_ref[0], x_ref[1]], axis=1)
    ss = jnp.concatenate([ss_ref[0], ss_ref[1]], axis=1)
    nmean = ss * _rdeg(dg_ref)[:, None]
    act = _dense(x, nmean, Ws_ref, Wn_ref, sc_ref, sh_ref)
    valid = (i * _BLK + lax.broadcasted_iota(jnp.int32, (_BLK, 1), 0)) < N_NODES
    act = jnp.where(valid, act, 0.0)

    @pl.when(i == 0)
    def _init():
        out_ref[...] = jnp.zeros_like(out_ref)

    out_ref[...] += jnp.sum(act, axis=0, keepdims=True)


def _stk_spec(c):
    return pl.BlockSpec((2, _BLK, c), lambda i: (0, i, 0))


def _wspecs(hin, hout):
    return [
        pl.BlockSpec((2, _BLK), lambda i: (0, i)),
        pl.BlockSpec((hin, hout), lambda i: (0, 0)),
        pl.BlockSpec((hin, hout), lambda i: (0, 0)),
        pl.BlockSpec((1, hout), lambda i: (0, 0)),
        pl.BlockSpec((1, hout), lambda i: (0, 0)),
    ]


_OUT3 = jax.ShapeDtypeStruct((2, N_PAD, 128), jnp.float32)


def _tc_layer1(x, ss, deg, Ws, Wn, scale, shift):
    return pl.pallas_call(
        _layer1_body,
        grid=(_GRID,),
        in_specs=[pl.BlockSpec((_BLK, 128), lambda i: (i, 0)), _stk_spec(128)]
        + _wspecs(128, 256),
        out_specs=_stk_spec(128),
        out_shape=_OUT3,
    )(x, ss, deg, Ws, Wn, scale, shift)


def _tc_layer2(x, ss, deg, Ws, Wn, scale, shift):
    return pl.pallas_call(
        _layer2_body,
        grid=(_GRID,),
        in_specs=[_stk_spec(128), _stk_spec(128)] + _wspecs(256, 256),
        out_specs=_stk_spec(128),
        out_shape=_OUT3,
    )(x, ss, deg, Ws, Wn, scale, shift)


def _tc_layer3(x, ss, deg, Ws, Wn, scale, shift):
    return pl.pallas_call(
        _layer3_body,
        grid=(_GRID,),
        in_specs=[_stk_spec(128), _stk_spec(128)] + _wspecs(256, 256),
        out_specs=pl.BlockSpec((1, 256), lambda i: (0, 0)),
        out_shape=jax.ShapeDtypeStruct((1, 256), jnp.float32),
    )(x, ss, deg, Ws, Wn, scale, shift)


def _head_body(cs_ref, w1_ref, b1_ref, w2_ref, b2_ref, w3_ref, b3_ref, o_ref):
    hg = cs_ref[...] * (1.0 / N_NODES)
    y = jnp.dot(hg, w1_ref[...], preferred_element_type=jnp.float32) + b1_ref[...]
    y = jnp.where(y >= 0, y, 0.01 * y)
    y = jnp.dot(y, w2_ref[...], preferred_element_type=jnp.float32) + b2_ref[...]
    y = jnp.where(y >= 0, y, 0.01 * y)
    o_ref[...] = jnp.dot(y, w3_ref[...], preferred_element_type=jnp.float32) + b3_ref[...]


def _head(colsum, fc1W, fc1b, fc2W, fc2b, fc3W, fc3b):
    nc = fc3W.shape[1]
    return pl.pallas_call(
        _head_body,
        out_shape=jax.ShapeDtypeStruct((1, nc), jnp.float32),
    )(colsum, fc1W, fc1b[None, :], fc2W, fc2b[None, :], fc3W, fc3b[None, :])


def _fold_bn(b, g, bb, m, v):
    scale = g / jnp.sqrt(v + 1e-5)
    shift = (b - m) * scale + bb
    return scale[None, :], shift[None, :]


def kernel(h, edge_index, Ws1, Wn1, b1, Ws2, Wn2, b2, Ws3, Wn3, b3,
           bn1g, bn1b, bn1m, bn1v, bn2g, bn2b, bn2m, bn2v,
           bn3g, bn3b, bn3m, bn3v, fc1W, fc1b, fc2W, fc2b, fc3W, fc3b):
    src = edge_index[0]
    dst = edge_index[1]
    z128 = jnp.zeros((RPS, 128), jnp.float32)

    sc1, sh1 = _fold_bn(b1, bn1g, bn1b, bn1m, bn1v)
    sc2, sh2 = _fold_bn(b2, bn2g, bn2b, bn2m, bn2v)
    sc3, sh3 = _fold_bn(b3, bn3g, bn3b, bn3m, bn3v)

    ss1f, deg1d = _agg_edge(h, src, dst, z128)
    deg = deg1d.reshape(2, N_PAD)
    ss1 = ss1f.reshape(2, N_PAD, 128)
    x1 = _tc_layer1(h, ss1, deg, Ws1, Wn1, sc1, sh1)
    ss2 = _agg_col(x1.reshape(2 * N_PAD, 128), src, dst,
                   z128).reshape(2, N_PAD, 128)
    x2 = _tc_layer2(x1, ss2, deg, Ws2, Wn2, sc2, sh2)
    ss3 = _agg_col(x2.reshape(2 * N_PAD, 128), src, dst,
                   z128).reshape(2, N_PAD, 128)
    colsum = _tc_layer3(x2, ss3, deg, Ws3, Wn3, sc3, sh3)
    return _head(colsum, fc1W, fc1b, fc2W, fc2b, fc3W, fc3b)

# --- scband reference (transcript-rebuilt; emitter-appended) ---
"""Pipeline reference for scband-gcnclassifier-25907242730199 (READ-ONLY COPY).

The authoritative reference and input builder live on the scoring server;
editing this copy changes nothing except your own understanding.
"""

import jax, jax.numpy as jnp
import numpy as np

N = 10000
E = 320000
IN = 128
H = 256
NC = 18

def _w(k, shape):
    return jax.random.normal(k, shape, dtype=jnp.float32) * 0.05

def setup_inputs(seed: int = 0):
    key = jax.random.key(seed)
    ks = jax.random.split(key, 16)
    d = {}
    d["h"] = jax.random.normal(ks[0], (N, IN), dtype=jnp.float32)
    d["edge_index"] = jax.random.randint(ks[1], (2, E), 0, N, dtype=jnp.int32)
    d["Ws1"] = _w(ks[2], (IN, H)); d["Wn1"] = _w(ks[3], (IN, H)); d["b1"] = jnp.zeros((H,), jnp.float32)
    d["Ws2"] = _w(ks[4], (H, H)); d["Wn2"] = _w(ks[5], (H, H)); d["b2"] = jnp.zeros((H,), jnp.float32)
    d["Ws3"] = _w(ks[6], (H, H)); d["Wn3"] = _w(ks[7], (H, H)); d["b3"] = jnp.zeros((H,), jnp.float32)
    for i in (1, 2, 3):
        d["bn%dg" % i] = jnp.ones((H,), jnp.float32)
        d["bn%db" % i] = jnp.zeros((H,), jnp.float32)
        d["bn%dm" % i] = jnp.zeros((H,), jnp.float32)
        d["bn%dv" % i] = jnp.ones((H,), jnp.float32)
    d["fc1W"] = _w(ks[8], (H, H)); d["fc1b"] = jnp.zeros((H,), jnp.float32)
    d["fc2W"] = _w(ks[9], (H, 1024)); d["fc2b"] = jnp.zeros((1024,), jnp.float32)
    d["fc3W"] = _w(ks[10], (1024, NC)); d["fc3b"] = jnp.zeros((NC,), jnp.float32)
    return d

def _sage(h, src, dst, Ws, Wn, b):
    # DGL SAGEConv(aggregator_type='mean'): rst = fc_self(h) + fc_neigh(mean_{src->dst}(h_src)) + bias
    msg = jnp.take(h, src, axis=0)
    ssum = jax.ops.segment_sum(msg, dst, num_segments=N)
    deg = jax.ops.segment_sum(jnp.ones((src.shape[0], 1), jnp.float32), dst, num_segments=N)
    h_neigh = ssum / jnp.maximum(deg, 1.0)
    return h @ Ws + h_neigh @ Wn + b

def _bn(x, g, b, m, v):
    # eval-mode BatchNorm1d with running stats
    return (x - m) / jnp.sqrt(v + 1e-5) * g + b

def _lrelu(x):
    return jnp.where(x >= 0, x, 0.01 * x)

def reference(h, edge_index, Ws1, Wn1, b1, Ws2, Wn2, b2, Ws3, Wn3, b3, bn1g, bn1b, bn1m, bn1v, bn2g, bn2b, bn2m, bn2v, bn3g, bn3b, bn3m, bn3v, fc1W, fc1b, fc2W, fc2b, fc3W, fc3b):
    src = edge_index[0]
    dst = edge_index[1]
    x = _lrelu(_bn(_sage(h, src, dst, Ws1, Wn1, b1), bn1g, bn1b, bn1m, bn1v))
    x = _lrelu(_bn(_sage(x, src, dst, Ws2, Wn2, b2), bn2g, bn2b, bn2m, bn2v))
    x = _lrelu(_bn(_sage(x, src, dst, Ws3, Wn3, b3), bn3g, bn3b, bn3m, bn3v))
    hg = jnp.mean(x, axis=0, keepdims=True)  # AvgPooling over single graph -> [1, H]
    # dropout is identity in eval mode
    y = _lrelu(hg @ fc1W + fc1b)
    y = _lrelu(y @ fc2W + fc2b)
    y = y @ fc3W + fc3b
    return y

if __name__ == "__main__":
    import jax
    _d = setup_inputs()
    print(jax.jit(kernel)(*tuple(_d.values())))

</pallas_src>

<mosaic_0001>
#map = affine_map<(d0, d1) -> (0, 0)>
#map1 = affine_map<(d0, d1) -> (0)>
module attributes {stable_mosaic.version = 14 : i64} {
  func.func @_agg_edge(%arg0: i32, %arg1: i32, %arg2: memref<10000x128xf32, #tpu.memory_space<hbm>>, %arg3: memref<320000xi32, #tpu.memory_space<hbm>>, %arg4: memref<320000xi32, #tpu.memory_space<hbm>>, %arg5: memref<640x128xf32, #tpu.memory_space<hbm>>, %arg6: memref<20480x128xf32, #tpu.memory_space<hbm>>, %arg7: memref<20480xf32, #tpu.memory_space<hbm>>, %arg8: memref<128xi32, #tpu.memory_space<vmem>>, %arg9: memref<128xi32, #tpu.memory_space<vmem>>, %arg10: memref<128xi32, #tpu.memory_space<vmem>>, %arg11: memref<128xi32, #tpu.memory_space<vmem>>, %arg12: memref<128x128xf32, #tpu.memory_space<vmem>>, %arg13: memref<128x128xf32, #tpu.memory_space<vmem>>, %arg14: memref<16xi32, #tpu.memory_space<vmem>>, %arg15: memref<16xi32, #tpu.memory_space<vmem>>, %arg16: memref<16x128xf32, #tpu.memory_space<vmem>>, %arg17: memref<128xf32, #tpu.memory_space<vmem>>, %arg18: memref<640xf32, #tpu.memory_space<vmem>>, %arg19: memref<10240x128xf32, #tpu.memory_space<vmem_shared>>, %arg20: memref<10240xf32, #tpu.memory_space<vmem_shared>>, %arg21: memref<!tpu.dma_semaphore, #tpu.memory_space<semaphore_mem>>, %arg22: memref<!tpu.dma_semaphore, #tpu.memory_space<semaphore_mem>>, %arg23: memref<!tpu.dma_semaphore, #tpu.memory_space<semaphore_mem>>, %arg24: memref<!tpu.dma_semaphore, #tpu.memory_space<semaphore_mem>>, %arg25: memref<!tpu.dma_semaphore, #tpu.memory_space<semaphore_mem>>, %arg26: memref<!tpu.dma_semaphore, #tpu.memory_space<semaphore_mem>>) attributes {dimension_semantics = [#tpu.dimension_semantics<core_parallel>, #tpu.dimension_semantics<subcore_parallel>], iteration_bounds = array<i64: 2, 16>, scalar_prefetch = 0 : i64, scratch_operands = 19 : i64, tpu.core_type = #tpu.core_type<sc_vector_subcore>, window_params = [{transform_indices = #map}, {transform_indices = #map1}, {transform_indices = #map1}, {transform_indices = #map}, {transform_indices = #map}, {transform_indices = #map1}]} {
    %mul3A = arith.constant 16 : i32
    %mul3A_0 = arith.muli %arg0, %mul3A : i32
    %add3A = arith.addi %mul3A_0, %arg1 : i32
    %broadcast_in_dim3A = arith.constant 0.000000e+00 : f32
    %broadcast_in_dim3A_1 = vector.broadcast %broadcast_in_dim3A : f32 to vector<16xf32>
    %broadcast_in_dim3A_2 = arith.constant 1.000000e+00 : f32
    %broadcast_in_dim3A_3 = vector.broadcast %broadcast_in_dim3A_2 : f32 to vector<16xf32>
    %swap3A = arith.constant 0 : index
    %swap3A_4 = tpu.vector_load %arg17[%swap3A] {strides = array<i32>} : memref<128xf32, #tpu.memory_space<vmem>>, vector<16xf32>,
    %swap3A_5 = vector.shape_cast %swap3A_4 : vector<16xf32> to vector<16xf32>
    %swap3A_6 = vector.shape_cast %broadcast_in_dim3A_3 : vector<16xf32> to vector<16xf32>
    tpu.vector_store %arg17[%swap3A], %swap3A_6 {strides = array<i32>} : memref<128xf32, #tpu.memory_space<vmem>>, vector<16xf32>,
    %swap3A_7 = arith.constant 16 : index
    %swap3A_8 = tpu.vector_load %arg17[%swap3A_7] {strides = array<i32>} : memref<128xf32, #tpu.memory_space<vmem>>, vector<16xf32>,
    %swap3A_9 = vector.shape_cast %swap3A_8 : vector<16xf32> to vector<16xf32>
    %swap3A_10 = vector.shape_cast %broadcast_in_dim3A_3 : vector<16xf32> to vector<16xf32>
    tpu.vector_store %arg17[%swap3A_7], %swap3A_10 {strides = array<i32>} : memref<128xf32, #tpu.memory_space<vmem>>, vector<16xf32>,
    %swap3A_11 = arith.constant 32 : index
    %swap3A_12 = tpu.vector_load %arg17[%swap3A_11] {strides = array<i32>} : memref<128xf32, #tpu.memory_space<vmem>>, vector<16xf32>,
    %swap3A_13 = vector.shape_cast %swap3A_12 : vector<16xf32> to vector<16xf32>
    %swap3A_14 = vector.shape_cast %broadcast_in_dim3A_3 : vector<16xf32> to vector<16xf32>
    tpu.vector_store %arg17[%swap3A_11], %swap3A_14 {strides = array<i32>} : memref<128xf32, #tpu.memory_space<vmem>>, vector<16xf32>,
    %swap3A_15 = arith.constant 48 : index
    %swap3A_16 = tpu.vector_load %arg17[%swap3A_15] {strides = array<i32>} : memref<128xf32, #tpu.memory_space<vmem>>, vector<16xf32>,
    %swap3A_17 = vector.shape_cast %swap3A_16 : vector<16xf32> to vector<16xf32>
    %swap3A_18 = vector.shape_cast %broadcast_in_dim3A_3 : vector<16xf32> to vector<16xf32>
    tpu.vector_store %arg17[%swap3A_15], %swap3A_18 {strides = array<i32>} : memref<128xf32, #tpu.memory_space<vmem>>, vector<16xf32>,
    %swap3A_19 = arith.constant 64 : index
    %swap3A_20 = tpu.vector_load %arg17[%swap3A_19] {strides = array<i32>} : memref<128xf32, #tpu.memory_space<vmem>>, vector<16xf32>,
    %swap3A_21 = vector.shape_cast %swap3A_20 : vector<16xf32> to vector<16xf32>
    %swap3A_22 = vector.shape_cast %broadcast_in_dim3A_3 : vector<16xf32> to vector<16xf32>
    tpu.vector_store %arg17[%swap3A_19], %swap3A_22 {strides = array<i32>} : memref<128xf32, #tpu.memory_space<vmem>>, vector<16xf32>,
    %swap3A_23 = arith.constant 80 : index
    %swap3A_24 = tpu.vector_load %arg17[%swap3A_23] {strides = array<i32>} : memref<128xf32, #tpu.memory_space<vmem>>, vector<16xf32>,
    %swap3A_25 = vector.shape_cast %swap3A_24 : vector<16xf32> to vector<16xf32>
    %swap3A_26 = vector.shape_cast %broadcast_in_dim3A_3 : vector<16xf32> to vector<16xf32>
    tpu.vector_store %arg17[%swap3A_23], %swap3A_26 {strides = array<i32>} : memref<128xf32, #tpu.memory_space<vmem>>, vector<16xf32>,
    %swap3A_27 = arith.constant 96 : index
    %swap3A_28 = tpu.vector_load %arg17[%swap3A_27] {strides = array<i32>} : memref<128xf32, #tpu.memory_space<vmem>>, vector<16xf32>,
    %swap3A_29 = vector.shape_cast %swap3A_28 : vector<16xf32> to vector<16xf32>
    %swap3A_30 = vector.shape_cast %broadcast_in_dim3A_3 : vector<16xf32> to vector<16xf32>
    tpu.vector_store %arg17[%swap3A_27], %swap3A_30 {strides = array<i32>} : memref<128xf32, #tpu.memory_space<vmem>>, vector<16xf32>,
    %swap3A_31 = arith.constant 112 : index
    %swap3A_32 = tpu.vector_load %arg17[%swap3A_31] {strides = array<i32>} : memref<128xf32, #tpu.memory_space<vmem>>, vector<16xf32>,
    %swap3A_33 = vector.shape_cast %swap3A_32 : vector<16xf32> to vector<16xf32>
    %swap3A_34 = vector.shape_cast %broadcast_in_dim3A_3 : vector<16xf32> to vector<16xf32>
    tpu.vector_store %arg17[%swap3A_31], %swap3A_34 {strides = array<i32>} : memref<128xf32, #tpu.memory_space<vmem>>, vector<16xf32>,
    %swap3A_35 = arith.constant 0 : index
    %swap3A_36 = tpu.vector_load %arg18[%swap3A_35] {strides = array<i32>} : memref<640xf32, #tpu.memory_space<vmem>>, vector<16xf32>,
    %swap3A_37 = vector.shape_cast %swap3A_36 : vector<16xf32> to vector<16xf32>
    %swap3A_38 = vector.shape_cast %broadcast_in_dim3A_1 : vector<16xf32> to vector<16xf32>
    tpu.vector_store %arg18[%swap3A_35], %swap3A_38 {strides = array<i32>} : memref<640xf32, #tpu.memory_space<vmem>>, vector<16xf32>,
    %swap3A_39 = arith.constant 16 : index
    %swap3A_40 = tpu.vector_load %arg18[%swap3A_39] {strides = array<i32>} : memref<640xf32, #tpu.memory_space<vmem>>, vector<16xf32>,
    %swap3A_41 = vector.shape_cast %swap3A_40 : vector<16xf32> to vector<16xf32>
    %swap3A_42 = vector.shape_cast %broadcast_in_dim3A_1 : vector<16xf32> to vector<16xf32>
    tpu.vector_store %arg18[%swap3A_39], %swap3A_42 {strides = array<i32>} : memref<640xf32, #tpu.memory_space<vmem>>, vector<16xf32>,
    %swap3A_43 = arith.constant 32 : index
    %swap3A_44 = tpu.vector_load %arg18[%swap3A_43] {strides = array<i32>} : memref<640xf32, #tpu.memory_space<vmem>>, vector<16xf32>,
    %swap3A_45 = vector.shape_cast %swap3A_44 : vector<16xf32> to vector<16xf32>
    %swap3A_46 = vector.shape_cast %broadcast_in_dim3A_1 : vector<16xf32> to vector<16xf32>
    tpu.vector_store %arg18[%swap3A_43], %swap3A_46 {strides = array<i32>} : memref<640xf32, #tpu.memory_space<vmem>>, vector<16xf32>,
    %swap3A_47 = arith.constant 48 : index
    %swap3A_48 = tpu.vector_load %arg18[%swap3A_47] {strides = array<i32>} : memref<640xf32, #tpu.memory_space<vmem>>, vector<16xf32>,
    %swap3A_49 = vector.shape_cast %swap3A_48 : vector<16xf32> to vector<16xf32>
    %swap3A_50 = vector.shape_cast %broadcast_in_dim3A_1 : vector<16xf32> to vector<16xf32>
    tpu.vector_store %arg18[%swap3A_47], %swap3A_50 {strides = array<i32>} : memref<640xf32, #tpu.memory_space<vmem>>, vector<16xf32>,
    %swap3A_51 = arith.constant 64 : index
    %swap3A_52 = tpu.vector_load %arg18[%swap3A_51] {strides = array<i32>} : memref<640xf32, #tpu.memory_space<vmem>>, vector<16xf32>,
    %swap3A_53 = vector.shape_cast %swap3A_52 : vector<16xf32> to vector<16xf32>
    %swap3A_54 = vector.shape_cast %broadcast_in_dim3A_1 : vector<16xf32> to vector<16xf32>
    tpu.vector_store %arg18[%swap3A_51], %swap3A_54 {strides = array<i32>} : memref<640xf32, #tpu.memory_space<vmem>>, vector<16xf32>,
    %swap3A_55 = arith.constant 80 : index
    %swap3A_56 = tpu.vector_load %arg18[%swap3A_55] {strides = array<i32>} : memref<640xf32, #tpu.memory_space<vmem>>, vector<16xf32>,
    %swap3A_57 = vector.shape_cast %swap3A_56 : vector<16xf32> to vector<16xf32>
    %swap3A_58 = vector.shape_cast %broadcast_in_dim3A_1 : vector<16xf32> to vector<16xf32>
    tpu.vector_store %arg18[%swap3A_55], %swap3A_58 {strides = array<i32>} : memref<640xf32, #tpu.memory_space<vmem>>, vector<16xf32>,
    %swap3A_59 = arith.constant 96 : index
    %swap3A_60 = tpu.vector_load %arg18[%swap3A_59] {strides = array<i32>} : memref<640xf32, #tpu.memory_space<vmem>>, vector<16xf32>,
    %swap3A_61 = vector.shape_cast %swap3A_60 : vector<16xf32> to vector<16xf32>
    %swap3A_62 = vector.shape_cast %broadcast_in_dim3A_1 : vector<16xf32> to vector<16xf32>
    tpu.vector_store %arg18[%swap3A_59], %swap3A_62 {strides = array<i32>} : memref<640xf32, #tpu.memory_space<vmem>>, vector<16xf32>,
    %swap3A_63 = arith.constant 112 : index
    %swap3A_64 = tpu.vector_load %arg18[%swap3A_63] {strides = array<i32>} : memref<640xf32, #tpu.memory_space<vmem>>, vector<16xf32>,
    %swap3A_65 = vector.shape_cast %swap3A_64 : vector<16xf32> to vector<16xf32>
    %swap3A_66 = vector.shape_cast %broadcast_in_dim3A_1 : vector<16xf32> to vector<16xf32>
    tpu.vector_store %arg18[%swap3A_63], %swap3A_66 {strides = array<i32>} : memref<640xf32, #tpu.memory_space<vmem>>, vector<16xf32>,
    %swap3A_67 = arith.constant 128 : index
    %swap3A_68 = tpu.vector_load %arg18[%swap3A_67] {strides = array<i32>} : memref<640xf32, #tpu.memory_space<vmem>>, vector<16xf32>,
    %swap3A_69 = vector.shape_cast %swap3A_68 : vector<16xf32> to vector<16xf32>
    %swap3A_70 = vector.shape_cast %broadcast_in_dim3A_1 : vector<16xf32> to vector<16xf32>
    tpu.vector_store %arg18[%swap3A_67], %swap3A_70 {strides = array<i32>} : memref<640xf32, #tpu.memory_space<vmem>>, vector<16xf32>,
    %swap3A_71 = arith.constant 144 : index
    %swap3A_72 = tpu.vector_load %arg18[%swap3A_71] {strides = array<i32>} : memref<640xf32, #tpu.memory_space<vmem>>, vector<16xf32>,
    %swap3A_73 = vector.shape_cast %swap3A_72 : vector<16xf32> to vector<16xf32>
    %swap3A_74 = vector.shape_cast %broadcast_in_dim3A_1 : vector<16xf32> to vector<16xf32>
    tpu.vector_store %arg18[%swap3A_71], %swap3A_74 {strides = array<i32>} : memref<640xf32, #tpu.memory_space<vmem>>, vector<16xf32>,
    %swap3A_75 = arith.constant 160 : index
    %swap3A_76 = tpu.vector_load %arg18[%swap3A_75] {strides = array<i32>} : memref<640xf32, #tpu.memory_space<vmem>>, vector<16xf32>,
    %swap3A_77 = vector.shape_cast %swap3A_76 : vector<16xf32> to vector<16xf32>
    %swap3A_78 = vector.shape_cast %broadcast_in_dim3A_1 : vector<16xf32> to vector<16xf32>
    tpu.vector_store %arg18[%swap3A_75], %swap3A_78 {strides = array<i32>} : memref<640xf32, #tpu.memory_space<vmem>>, vector<16xf32>,
    %swap3A_79 = arith.constant 176 : index
    %swap3A_80 = tpu.vector_load %arg18[%swap3A_79] {strides = array<i32>} : memref<640xf32, #tpu.memory_space<vmem>>, vector<16xf32>,
    %swap3A_81 = vector.shape_cast %swap3A_80 : vector<16xf32> to vector<16xf32>
    %swap3A_82 = vector.shape_cast %broadcast_in_dim3A_1 : vector<16xf32> to vector<16xf32>
    tpu.vector_store %arg18[%swap3A_79], %swap3A_82 {strides = array<i32>} : memref<640xf32, #tpu.memory_space<vmem>>, vector<16xf32>,
    %swap3A_83 = arith.constant 192 : index
    %swap3A_84 = tpu.vector_load %arg18[%swap3A_83] {strides = array<i32>} : memref<640xf32, #tpu.memory_space<vmem>>, vector<16xf32>,
    %swap3A_85 = vector.shape_cast %swap3A_84 : vector<16xf32> to vector<16xf32>
    %swap3A_86 = vector.shape_cast %broadcast_in_dim3A_1 : vector<16xf32> to vector<16xf32>
    tpu.vector_store %arg18[%swap3A_83], %swap3A_86 {strides = array<i32>} : memref<640xf32, #tpu.memory_space<vmem>>, vector<16xf32>,
    %swap3A_87 = arith.constant 208 : index
    %swap3A_88 = tpu.vector_load %arg18[%swap3A_87] {strides = array<i32>} : memref<640xf32, #tpu.memory_space<vmem>>, vector<16xf32>,
    %swap3A_89 = vector.shape_cast %swap3A_88 : vector<16xf32> to vector<16xf32>
    %swap3A_90 = vector.shape_cast %broadcast_in_dim3A_1 : vector<16xf32> to vector<16xf32>
    tpu.vector_store %arg18[%swap3A_87], %swap3A_90 {strides = array<i32>} : memref<640xf32, #tpu.memory_space<vmem>>, vector<16xf32>,
    %swap3A_91 = arith.constant 224 : index
    %swap3A_92 = tpu.vector_load %arg18[%swap3A_91] {strides = array<i32>} : memref<640xf32, #tpu.memory_space<vmem>>, vector<16xf32>,
    %swap3A_93 = vector.shape_cast %swap3A_92 : vector<16xf32> to vector<16xf32>
    %swap3A_94 = vector.shape_cast %broadcast_in_dim3A_1 : vector<16xf32> to vector<16xf32>
    tpu.vector_store %arg18[%swap3A_91], %swap3A_94 {strides = array<i32>} : memref<640xf32, #tpu.memory_space<vmem>>, vector<16xf32>,
    %swap3A_95 = arith.constant 240 : index
    %swap3A_96 = tpu.vector_load %arg18[%swap3A_95] {strides = array<i32>} : memref<640xf32, #tpu.memory_space<vmem>>, vector<16xf32>,
    %swap3A_97 = vector.shape_cast %swap3A_96 : vector<16xf32> to vector<16xf32>
    %swap3A_98 = vector.shape_cast %broadcast_in_dim3A_1 : vector<16xf32> to vector<16xf32>
    tpu.vector_store %arg18[%swap3A_95], %swap3A_98 {strides = array<i32>} : memref<640xf32, #tpu.memory_space<vmem>>, vector<16xf32>,
    %swap3A_99 = arith.constant 256 : index
    %swap3A_100 = tpu.vector_load %arg18[%swap3A_99] {strides = array<i32>} : memref<640xf32, #tpu.memory_space<vmem>>, vector<16xf32>,
    %swap3A_101 = vector.shape_cast %swap3A_100 : vector<16xf32> to vector<16xf32>
    %swap3A_102 = vector.shape_cast %broadcast_in_dim3A_1 : vector<16xf32> to vector<16xf32>
    tpu.vector_store %arg18[%swap3A_99], %swap3A_102 {strides = array<i32>} : memref<640xf32, #tpu.memory_space<vmem>>, vector<16xf32>,
    %swap3A_103 = arith.constant 272 : index
    %swap3A_104 = tpu.vector_load %arg18[%swap3A_103] {strides = array<i32>} : memref<640xf32, #tpu.memory_space<vmem>>, vector<16xf32>,
    %swap3A_105 = vector.shape_cast %swap3A_104 : vector<16xf32> to vector<16xf32>
    %swap3A_106 = vector.shape_cast %broadcast_in_dim3A_1 : vector<16xf32> to vector<16xf32>
    tpu.vector_store %arg18[%swap3A_103], %swap3A_106 {strides = array<i32>} : memref<640xf32, #tpu.memory_space<vmem>>, vector<16xf32>,
    %swap3A_107 = arith.constant 288 : index
    %swap3A_108 = tpu.vector_load %arg18[%swap3A_107] {strides = array<i32>} : memref<640xf32, #tpu.memory_space<vmem>>, vector<16xf32>,
    %swap3A_109 = vector.shape_cast %swap3A_108 : vector<16xf32> to vector<16xf32>
    %swap3A_110 = vector.shape_cast %broadcast_in_dim3A_1 : vector<16xf32> to vector<16xf32>
    tpu.vector_store %arg18[%swap3A_107], %swap3A_110 {strides = array<i32>} : memref<640xf32, #tpu.memory_space<vmem>>, vector<16xf32>,
    %swap3A_111 = arith.constant 304 : index
    %swap3A_112 = tpu.vector_load %arg18[%swap3A_111] {strides = array<i32>} : memref<640xf32, #tpu.memory_space<vmem>>, vector<16xf32>,
    %swap3A_113 = vector.shape_cast %swap3A_112 : vector<16xf32> to vector<16xf32>
    %swap3A_114 = vector.shape_cast %broadcast_in_dim3A_1 : vector<16xf32> to vector<16xf32>
    tpu.vector_store %arg18[%swap3A_111], %swap3A_114 {strides = array<i32>} : memref<640xf32, #tpu.memory_space<vmem>>, vector<16xf32>,
    %swap3A_115 = arith.constant 320 : index
    %swap3A_116 = tpu.vector_load %arg18[%swap3A_115] {strides = array<i32>} : memref<640xf32, #tpu.memory_space<vmem>>, vector<16xf32>,
    %swap3A_117 = vector.shape_cast %swap3A_116 : vector<16xf32> to vector<16xf32>
    %swap3A_118 = vector.shape_cast %broadcast_in_dim3A_1 : vector<16xf32> to vector<16xf32>
    tpu.vector_store %arg18[%swap3A_115], %swap3A_118 {strides = array<i32>} : memref<640xf32, #tpu.memory_space<vmem>>, vector<16xf32>,
    %swap3A_119 = arith.constant 336 : index
    %swap3A_120 = tpu.vector_load %arg18[%swap3A_119] {strides = array<i32>} : memref<640xf32, #tpu.memory_space<vmem>>, vector<16xf32>,
    %swap3A_121 = vector.shape_cast %swap3A_120 : vector<16xf32> to vector<16xf32>
    %swap3A_122 = vector.shape_cast %broadcast_in_dim3A_1 : vector<16xf32> to vector<16xf32>
    tpu.vector_store %arg18[%swap3A_119], %swap3A_122 {strides = array<i32>} : memref<640xf32, #tpu.memory_space<vmem>>, vector<16xf32>,
    %swap3A_123 = arith.constant 352 : index
    %swap3A_124 = tpu.vector_load %arg18[%swap3A_123] {strides = array<i32>} : memref<640xf32, #tpu.memory_space<vmem>>, vector<16xf32>,
    %swap3A_125 = vector.shape_cast %swap3A_124 : vector<16xf32> to vector<16xf32>
    %swap3A_126 = vector.shape_cast %broadcast_in_dim3A_1 : vector<16xf32> to vector<16xf32>
    tpu.vector_store %arg18[%swap3A_123], %swap3A_126 {strides = array<i32>} : memref<640xf32, #tpu.memory_space<vmem>>, vector<16xf32>,
    %swap3A_127 = arith.constant 368 : index
    %swap3A_128 = tpu.vector_load %arg18[%swap3A_127] {strides = array<i32>} : memref<640xf32, #tpu.memory_space<vmem>>, vector<16xf32>,
    %swap3A_129 = vector.shape_cast %swap3A_128 : vector<16xf32> to vector<16xf32>
    %swap3A_130 = vector.shape_cast %broadcast_in_dim3A_1 : vector<16xf32> to vector<16xf32>
    tpu.vector_store %arg18[%swap3A_127], %swap3A_130 {strides = array<i32>} : memref<640xf32, #tpu.memory_space<vmem>>, vector<16xf32>,
    %swap3A_131 = arith.constant 384 : index
    %swap3A_132 = tpu.vector_load %arg18[%swap3A_131] {strides = array<i32>} : memref<640xf32, #tpu.memory_space<vmem>>, vector<16xf32>,
    %swap3A_133 = vector.shape_cast %swap3A_132 : vector<16xf32> to vector<16xf32>
    %swap3A_134 = vector.shape_cast %broadcast_in_dim3A_1 : vector<16xf32> to vector<16xf32>
    tpu.vector_store %arg18[%swap3A_131], %swap3A_134 {strides = array<i32>} : memref<640xf32, #tpu.memory_space<vmem>>, vector<16xf32>,
    %swap3A_135 = arith.constant 400 : index
    %swap3A_136 = tpu.vector_load %arg18[%swap3A_135] {strides = array<i32>} : memref<640xf32, #tpu.memory_space<vmem>>, vector<16xf32>,
    %swap3A_137 = vector.shape_cast %swap3A_136 : vector<16xf32> to vector<16xf32>
    %swap3A_138 = vector.shape_cast %broadcast_in_dim3A_1 : vector<16xf32> to vector<16xf32>
    tpu.vector_store %arg18[%swap3A_135], %swap3A_138 {strides = array<i32>} : memref<640xf32, #tpu.memory_space<vmem>>, vector<16xf32>,
    %swap3A_139 = arith.constant 416 : index
    %swap3A_140 = tpu.vector_load %arg18[%swap3A_139] {strides = array<i32>} : memref<640xf32, #tpu.memory_space<vmem>>, vector<16xf32>,
    %swap3A_141 = vector.shape_cast %swap3A_140 : vector<16xf32> to vector<16xf32>
    %swap3A_142 = vector.shape_cast %broadcast_in_dim3A_1 : vector<16xf32> to vector<16xf32>
    tpu.vector_store %arg18[%swap3A_139], %swap3A_142 {strides = array<i32>} : memref<640xf32, #tpu.memory_space<vmem>>, vector<16xf32>,
    %swap3A_143 = arith.constant 432 : index
    %swap3A_144 = tpu.vector_load %arg18[%swap3A_143] {strides = array<i32>} : memref<640xf32, #tpu.memory_space<vmem>>, vector<16xf32>,
    %swap3A_145 = vector.shape_cast %swap3A_144 : vector<16xf32> to vector<16xf32>
    %swap3A_146 = vector.shape_cast %broadcast_in_dim3A_1 : vector<16xf32> to vector<16xf32>
    tpu.vector_store %arg18[%swap3A_143], %swap3A_146 {strides = array<i32>} : memref<640xf32, #tpu.memory_space<vmem>>, vector<16xf32>,
    %swap3A_147 = arith.constant 448 : index
    %swap3A_148 = tpu.vector_load %arg18[%swap3A_147] {strides = array<i32>} : memref<640xf32, #tpu.memory_space<vmem>>, vector<16xf32>,
    %swap3A_149 = vector.shape_cast %swap3A_148 : vector<16xf32> to vector<16xf32>
    %swap3A_150 = vector.shape_cast %broadcast_in_dim3A_1 : vector<16xf32> to vector<16xf32>
    tpu.vector_store %arg18[%swap3A_147], %swap3A_150 {strides = array<i32>} : memref<640xf32, #tpu.memory_space<vmem>>, vector<16xf32>,
    %swap3A_151 = arith.constant 464 : index
    %swap3A_152 = tpu.vector_load %arg18[%swap3A_151] {strides = array<i32>} : memref<640xf32, #tpu.memory_space<vmem>>, vector<16xf32>,
    %swap3A_153 = vector.shape_cast %swap3A_152 : vector<16xf32> to vector<16xf32>
    %swap3A_154 = vector.shape_cast %broadcast_in_dim3A_1 : vector<16xf32> to vector<16xf32>
    tpu.vector_store %arg18[%swap3A_151], %swap3A_154 {strides = array<i32>} : memref<640xf32, #tpu.memory_space<vmem>>, vector<16xf32>,
    %swap3A_155 = arith.constant 480 : index
    %swap3A_156 = tpu.vector_load %arg18[%swap3A_155] {strides = array<i32>} : memref<640xf32, #tpu.memory_space<vmem>>, vector<16xf32>,
    %swap3A_157 = vector.shape_cast %swap3A_156 : vector<16xf32> to vector<16xf32>
    %swap3A_158 = vector.shape_cast %broadcast_in_dim3A_1 : vector<16xf32> to vector<16xf32>
    tpu.vector_store %arg18[%swap3A_155], %swap3A_158 {strides = array<i32>} : memref<640xf32, #tpu.memory_space<vmem>>, vector<16xf32>,
    %swap3A_159 = arith.constant 496 : index
    %swap3A_160 = tpu.vector_load %arg18[%swap3A_159] {strides = array<i32>} : memref<640xf32, #tpu.memory_space<vmem>>, vector<16xf32>,
    %swap3A_161 = vector.shape_cast %swap3A_160 : vector<16xf32> to vector<16xf32>
    %swap3A_162 = vector.shape_cast %broadcast_in_dim3A_1 : vector<16xf32> to vector<16xf32>
    tpu.vector_store %arg18[%swap3A_159], %swap3A_162 {strides = array<i32>} : memref<640xf32, #tpu.memory_space<vmem>>, vector<16xf32>,
    %swap3A_163 = arith.constant 512 : index
    %swap3A_164 = tpu.vector_load %arg18[%swap3A_163] {strides = array<i32>} : memref<640xf32, #tpu.memory_space<vmem>>, vector<16xf32>,
    %swap3A_165 = vector.shape_cast %swap3A_164 : vector<16xf32> to vector<16xf32>
    %swap3A_166 = vector.shape_cast %broadcast_in_dim3A_1 : vector<16xf32> to vector<16xf32>
    tpu.vector_store %arg18[%swap3A_163], %swap3A_166 {strides = array<i32>} : memref<640xf32, #tpu.memory_space<vmem>>, vector<16xf32>,
    %swap3A_167 = arith.constant 528 : index
    %swap3A_168 = tpu.vector_load %arg18[%swap3A_167] {strides = array<i32>} : memref<640xf32, #tpu.memory_space<vmem>>, vector<16xf32>,
    %swap3A_169 = vector.shape_cast %swap3A_168 : vector<16xf32> to vector<16xf32>
    %swap3A_170 = vector.shape_cast %broadcast_in_dim3A_1 : vector<16xf32> to vector<16xf32>
    tpu.vector_store %arg18[%swap3A_167], %swap3A_170 {strides = array<i32>} : memref<640xf32, #tpu.memory_space<vmem>>, vector<16xf32>,
    %swap3A_171 = arith.constant 544 : index
    %swap3A_172 = tpu.vector_load %arg18[%swap3A_171] {strides = array<i32>} : memref<640xf32, #tpu.memory_space<vmem>>, vector<16xf32>,
    %swap3A_173 = vector.shape_cast %swap3A_172 : vector<16xf32> to vector<16xf32>
    %swap3A_174 = vector.shape_cast %broadcast_in_dim3A_1 : vector<16xf32> to vector<16xf32>
    tpu.vector_store %arg18[%swap3A_171], %swap3A_174 {strides = array<i32>} : memref<640xf32, #tpu.memory_space<vmem>>, vector<16xf32>,
    %swap3A_175 = arith.constant 560 : index
    %swap3A_176 = tpu.vector_load %arg18[%swap3A_175] {strides = array<i32>} : memref<640xf32, #tpu.memory_space<vmem>>, vector<16xf32>,
    %swap3A_177 = vector.shape_cast %swap3A_176 : vector<16xf32> to vector<16xf32>
    %swap3A_178 = vector.shape_cast %broadcast_in_dim3A_1 : vector<16xf32> to vector<16xf32>
    tpu.vector_store %arg18[%swap3A_175], %swap3A_178 {strides = array<i32>} : memref<640xf32, #tpu.memory_space<vmem>>, vector<16xf32>,
    %swap3A_179 = arith.constant 576 : index
    %swap3A_180 = tpu.vector_load %arg18[%swap3A_179] {strides = array<i32>} : memref<640xf32, #tpu.memory_space<vmem>>, vector<16xf32>,
    %swap3A_181 = vector.shape_cast %swap3A_180 : vector<16xf32> to vector<16xf32>
    %swap3A_182 = vector.shape_cast %broadcast_in_dim3A_1 : vector<16xf32> to vector<16xf32>
    tpu.vector_store %arg18[%swap3A_179], %swap3A_182 {strides = array<i32>} : memref<640xf32, #tpu.memory_space<vmem>>, vector<16xf32>,
    %swap3A_183 = arith.constant 592 : index
    %swap3A_184 = tpu.vector_load %arg18[%swap3A_183] {strides = array<i32>} : memref<640xf32, #tpu.memory_space<vmem>>, vector<16xf32>,
    %swap3A_185 = vector.shape_cast %swap3A_184 : vector<16xf32> to vector<16xf32>
    %swap3A_186 = vector.shape_cast %broadcast_in_dim3A_1 : vector<16xf32> to vector<16xf32>
    tpu.vector_store %arg18[%swap3A_183], %swap3A_186 {strides = array<i32>} : memref<640xf32, #tpu.memory_space<vmem>>, vector<16xf32>,
    %swap3A_187 = arith.constant 608 : index
    %swap3A_188 = tpu.vector_load %arg18[%swap3A_187] {strides = array<i32>} : memref<640xf32, #tpu.memory_space<vmem>>, vector<16xf32>,
    %swap3A_189 = vector.shape_cast %swap3A_188 : vector<16xf32> to vector<16xf32>
    %swap3A_190 = vector.shape_cast %broadcast_in_dim3A_1 : vector<16xf32> to vector<16xf32>
    tpu.vector_store %arg18[%swap3A_187], %swap3A_190 {strides = array<i32>} : memref<640xf32, #tpu.memory_space<vmem>>, vector<16xf32>,
    %swap3A_191 = arith.constant 624 : index
    %swap3A_192 = tpu.vector_load %arg18[%swap3A_191] {strides = array<i32>} : memref<640xf32, #tpu.memory_space<vmem>>, vector<16xf32>,
    %swap3A_193 = vector.shape_cast %swap3A_192 : vector<16xf32> to vector<16xf32>
    %swap3A_194 = vector.shape_cast %broadcast_in_dim3A_1 : vector<16xf32> to vector<16xf32>
    tpu.vector_store %arg18[%swap3A_191], %swap3A_194 {strides = array<i32>} : memref<640xf32, #tpu.memory_space<vmem>>, vector<16xf32>,
    %mul3A_195 = arith.constant 640 : i32
    %mul3A_196 = arith.muli %arg1, %mul3A_195 : i32
    "tpu.region"() ({
      %run_scoped3A = tpu.sem_alloc : memref<!tpu.dma_semaphore, #tpu.memory_space<semaphore_mem>>
      %dma_start3A_251 = arith.constant 0 : i32
      %dma_start3A_252 = tpu.memref_slice %arg19[%mul3A_196, %dma_start3A_251] : memref<10240x128xf32, #tpu.memory_space<vmem_shared>> -> memref<640x128xf32, #tpu.memory_space<vmem_shared>>
      tpu.enqueue_dma source(%arg5 : memref<640x128xf32, #tpu.memory_space<hbm>>) target(%dma_start3A_252 : memref<640x128xf32, #tpu.memory_space<vmem_shared>>) target_semaphore(%run_scoped3A : memref<!tpu.dma_semaphore, #tpu.memory_space<semaphore_mem>>)
      %dma_wait3A_253 = arith.constant 0 : i32
      %dma_wait3A_254 = tpu.memref_slice %arg19[%mul3A_196, %dma_wait3A_253] : memref<10240x128xf32, #tpu.memory_space<vmem_shared>> -> memref<640x128xf32, #tpu.memory_space<vmem_shared>>
      tpu.wait_dma2 semaphore(%run_scoped3A : memref<!tpu.dma_semaphore, #tpu.memory_space<semaphore_mem>>) src(%arg5 : memref<640x128xf32, #tpu.memory_space<hbm>>) dst(%dma_wait3A_254 : memref<640x128xf32, #tpu.memory_space<vmem_shared>>)
      tpu.yield
    }) : () -> ()
    %mul3A_197 = arith.constant 640 : i32
    %mul3A_198 = arith.muli %arg1, %mul3A_197 : i32
    "tpu.region"() ({
      %run_scoped3A = tpu.sem_alloc : memref<!tpu.dma_semaphore, #tpu.memory_space<semaphore_mem>>
      %dma_start3A_251 = tpu.memref_slice %arg20[%mul3A_198] : memref<10240xf32, #tpu.memory_space<vmem_shared>> -> memref<640xf32, #tpu.memory_space<vmem_shared>>
      %dma_start3A_252 = tpu.memref_slice %arg20[%mul3A_198] : memref<10240xf32, #tpu.memory_space<vmem_shared>> -> memref<640xf32, #tpu.memory_space<vmem_shared>>
      tpu.enqueue_dma source(%arg18 : memref<640xf32, #tpu.memory_space<vmem>>) target(%dma_start3A_252 : memref<640xf32, #tpu.memory_space<vmem_shared>>) target_semaphore(%run_scoped3A : memref<!tpu.dma_semaphore, #tpu.memory_space<semaphore_mem>>)
      %dma_wait3A_253 = tpu.memref_slice %arg20[%mul3A_198] : memref<10240xf32, #tpu.memory_space<vmem_shared>> -> memref<640xf32, #tpu.memory_space<vmem_shared>>
      %dma_wait3A_254 = tpu.memref_slice %arg20[%mul3A_198] : memref<10240xf32, #tpu.memory_space<vmem_shared>> -> memref<640xf32, #tpu.memory_space<vmem_shared>>
      tpu.wait_dma2 semaphore(%run_scoped3A : memref<!tpu.dma_semaphore, #tpu.memory_space<semaphore_mem>>) src(%arg18 : memref<640xf32, #tpu.memory_space<vmem>>) dst(%dma_wait3A_254 : memref<640xf32, #tpu.memory_space<vmem_shared>>)
      tpu.yield
    }) : () -> ()
    %barrier3A = arith.constant 0 : index
    tpu.barrier barrier_id(%barrier3A)
    %mul3A_199 = arith.constant 10000 : i32
    %mul3A_200 = arith.muli %add3A, %mul3A_199 : i32
    %add3A_201 = arith.constant 0 : i32
    %add3A_202 = arith.addi %mul3A_200, %add3A_201 : i32
    "tpu.region"() ({
      %run_scoped3A = tpu.sem_alloc : memref<!tpu.dma_semaphore, #tpu.memory_space<semaphore_mem>>
      %dma_start3A_251 = tpu.memref_slice %arg3[%add3A_202] : memref<320000xi32, #tpu.memory_space<hbm>> -> memref<128xi32, #tpu.memory_space<hbm>>
      %dma_start3A_252 = tpu.memref_slice %arg3[%add3A_202] : memref<320000xi32, #tpu.memory_space<hbm>> -> memref<128xi32, #tpu.memory_space<hbm>>
      tpu.enqueue_dma source(%dma_start3A_252 : memref<128xi32, #tpu.memory_space<hbm>>) target(%arg8 : memref<128xi32, #tpu.memory_space<vmem>>) target_semaphore(%run_scoped3A : memref<!tpu.dma_semaphore, #tpu.memory_space<semaphore_mem>>)
      %dma_wait3A_253 = tpu.memref_slice %arg3[%add3A_202] : memref<320000xi32, #tpu.memory_space<hbm>> -> memref<128xi32, #tpu.memory_space<hbm>>
      %dma_wait3A_254 = tpu.memref_slice %arg3[%add3A_202] : memref<320000xi32, #tpu.memory_space<hbm>> -> memref<128xi32, #tpu.memory_space<hbm>>
      tpu.wait_dma2 semaphore(%run_scoped3A : memref<!tpu.dma_semaphore, #tpu.memory_space<semaphore_mem>>) src(%dma_wait3A_254 : memref<128xi32, #tpu.memory_space<hbm>>) dst(%arg8 : memref<128xi32, #tpu.memory_space<vmem>>)
      tpu.yield
    }) : () -> ()
    "tpu.region"() ({
      %run_scoped3A = tpu.sem_alloc : memref<!tpu.dma_semaphore, #tpu.memory_space<semaphore_mem>>
      %dma_start3A_251 = tpu.memref_slice %arg4[%add3A_202] : memref<320000xi32, #tpu.memory_space<hbm>> -> memref<128xi32, #tpu.memory_space<hbm>>
      %dma_start3A_252 = tpu.memref_slice %arg4[%add3A_202] : memref<320000xi32, #tpu.memory_space<hbm>> -> memref<128xi32, #tpu.memory_space<hbm>>
      tpu.enqueue_dma source(%dma_start3A_252 : memref<128xi32, #tpu.memory_space<hbm>>) target(%arg10 : memref<128xi32, #tpu.memory_space<vmem>>) target_semaphore(%run_scoped3A : memref<!tpu.dma_semaphore, #tpu.memory_space<semaphore_mem>>)
      %dma_wait3A_253 = tpu.memref_slice %arg4[%add3A_202] : memref<320000xi32, #tpu.memory_space<hbm>> -> memref<128xi32, #tpu.memory_space<hbm>>
      %dma_wait3A_254 = tpu.memref_slice %arg4[%add3A_202] : memref<320000xi32, #tpu.memory_space<hbm>> -> memref<128xi32, #tpu.memory_space<hbm>>
      tpu.wait_dma2 semaphore(%run_scoped3A : memref<!tpu.dma_semaphore, #tpu.memory_space<semaphore_mem>>) src(%dma_wait3A_254 : memref<128xi32, #tpu.memory_space<hbm>>) dst(%arg10 : memref<128xi32, #tpu.memory_space<vmem>>)
      tpu.yield
    }) : () -> ()
    %dma_start3A = arith.constant 0 : i32
    %dma_start3A_203 = arith.constant 0 : i32
    %dma_start3A_204 = tpu.memref_slice %arg2[%dma_start3A, %dma_start3A_203] : memref<10000x128xf32, #tpu.memory_space<hbm>> -> memref<10000x128xf32, #tpu.memory_space<hbm>>
    tpu.enqueue_indirect_dma source(%dma_start3A_204 : memref<10000x128xf32, #tpu.memory_space<hbm>>) target(%arg12 : memref<128x128xf32, #tpu.memory_space<vmem>>) offsets(%arg8 : memref<128xi32, #tpu.memory_space<vmem>>) semaphore(%arg21 : memref<!tpu.dma_semaphore, #tpu.memory_space<semaphore_mem>>)
    %mul3A_205 = arith.constant 10000 : i32
    %mul3A_206 = arith.muli %add3A, %mul3A_205 : i32
    %add3A_207 = arith.constant 128 : i32
    %add3A_208 = arith.addi %mul3A_206, %add3A_207 : i32
    "tpu.region"() ({
      %run_scoped3A = tpu.sem_alloc : memref<!tpu.dma_semaphore, #tpu.memory_space<semaphore_mem>>
      %dma_start3A_251 = tpu.memref_slice %arg3[%add3A_208] : memref<320000xi32, #tpu.memory_space<hbm>> -> memref<128xi32, #tpu.memory_space<hbm>>
      %dma_start3A_252 = tpu.memref_slice %arg3[%add3A_208] : memref<320000xi32, #tpu.memory_space<hbm>> -> memref<128xi32, #tpu.memory_space<hbm>>
      tpu.enqueue_dma source(%dma_start3A_252 : memref<128xi32, #tpu.memory_space<hbm>>) target(%arg9 : memref<128xi32, #tpu.memory_space<vmem>>) target_semaphore(%run_scoped3A : memref<!tpu.dma_semaphore, #tpu.memory_space<semaphore_mem>>)
      %dma_wait3A_253 = tpu.memref_slice %arg3[%add3A_208] : memref<320000xi32, #tpu.memory_space<hbm>> -> memref<128xi32, #tpu.memory_space<hbm>>
      %dma_wait3A_254 = tpu.memref_slice %arg3[%add3A_208] : memref<320000xi32, #tpu.memory_space<hbm>> -> memref<128xi32, #tpu.memory_space<hbm>>
      tpu.wait_dma2 semaphore(%run_scoped3A : memref<!tpu.dma_semaphore, #tpu.memory_space<semaphore_mem>>) src(%dma_wait3A_254 : memref<128xi32, #tpu.memory_space<hbm>>) dst(%arg9 : memref<128xi32, #tpu.memory_space<vmem>>)
      tpu.yield
    }) : () -> ()
    "tpu.region"() ({
      %run_scoped3A = tpu.sem_alloc : memref<!tpu.dma_semaphore, #tpu.memory_space<semaphore_mem>>
      %dma_start3A_251 = tpu.memref_slice %arg4[%add3A_208] : memref<320000xi32, #tpu.memory_space<hbm>> -> memref<128xi32, #tpu.memory_space<hbm>>
      %dma_start3A_252 = tpu.memref_slice %arg4[%add3A_208] : memref<320000xi32, #tpu.memory_space<hbm>> -> memref<128xi32, #tpu.memory_space<hbm>>
      tpu.enqueue_dma source(%dma_start3A_252 : memref<128xi32, #tpu.memory_space<hbm>>) target(%arg11 : memref<128xi32, #tpu.memory_space<vmem>>) target_semaphore(%run_scoped3A : memref<!tpu.dma_semaphore, #tpu.memory_space<semaphore_mem>>)
      %dma_wait3A_253 = tpu.memref_slice %arg4[%add3A_208] : memref<320000xi32, #tpu.memory_space<hbm>> -> memref<128xi32, #tpu.memory_space<hbm>>
      %dma_wait3A_254 = tpu.memref_slice %arg4[%add3A_208] : memref<320000xi32, #tpu.memory_space<hbm>> -> memref<128xi32, #tpu.memory_space<hbm>>
      tpu.wait_dma2 semaphore(%run_scoped3A : memref<!tpu.dma_semaphore, #tpu.memory_space<semaphore_mem>>) src(%dma_wait3A_254 : memref<128xi32, #tpu.memory_space<hbm>>) dst(%arg11 : memref<128xi32, #tpu.memory_space<vmem>>)
      tpu.yield
    }) : () -> ()
    %dma_start3A_209 = arith.constant 0 : i32
    %dma_start3A_210 = arith.constant 0 : i32
    %dma_start3A_211 = tpu.memref_slice %arg2[%dma_start3A_209, %dma_start3A_210] : memref<10000x128xf32, #tpu.memory_space<hbm>> -> memref<10000x128xf32, #tpu.memory_space<hbm>>
    tpu.enqueue_indirect_dma source(%dma_start3A_211 : memref<10000x128xf32, #tpu.memory_space<hbm>>) target(%arg13 : memref<128x128xf32, #tpu.memory_space<vmem>>) offsets(%arg9 : memref<128xi32, #tpu.memory_space<vmem>>) semaphore(%arg22 : memref<!tpu.dma_semaphore, #tpu.memory_space<semaphore_mem>>)
    %scan3A = arith.constant 0 : i32
    %scan3A_212 = arith.constant 0 : i32
    %scan3A_213 = arith.constant 39 : i32
    %scan3A_214 = arith.addi %scan3A_212, %scan3A_213 : i32
    %scan3A_215 = arith.constant 1 : i32
    scf.for %scan3A_251 = %scan3A_212 to %scan3A_214 step %scan3A_215  : i32 {
      %mul3A_252 = arith.constant 2 : i32
      %mul3A_253 = arith.muli %scan3A_251, %mul3A_252 : i32
      %add3A_254 = arith.constant 0 : i32
      %add3A_255 = arith.addi %mul3A_253, %add3A_254 : i32
      %dma_wait3A_256 = arith.constant 0 : i32
      %dma_wait3A_257 = arith.constant 0 : i32
      %dma_wait3A_258 = tpu.memref_slice %arg2[%dma_wait3A_256, %dma_wait3A_257] : memref<10000x128xf32, #tpu.memory_space<hbm>> -> memref<10000x128xf32, #tpu.memory_space<hbm>>
      tpu.wait_indirect_dma semaphore(%arg21 : memref<!tpu.dma_semaphore, #tpu.memory_space<semaphore_mem>>) src(%dma_wait3A_258 : memref<10000x128xf32, #tpu.memory_space<hbm>>) dst(%arg12 : memref<128x128xf32, #tpu.memory_space<vmem>>)
      %dma_start3A_259 = arith.constant 0 : i32
      %dma_start3A_260 = arith.constant 0 : i32
      %dma_start3A_261 = tpu.memref_slice %arg19[%dma_start3A_259, %dma_start3A_260] : memref<10240x128xf32, #tpu.memory_space<vmem_shared>> -> memref<10240x128xf32, #tpu.memory_space<vmem_shared>>
      tpu.enqueue_indirect_dma source(%arg12 : memref<128x128xf32, #tpu.memory_space<vmem>>) target(%dma_start3A_261 : memref<10240x128xf32, #tpu.memory_space<vmem_shared>>) offsets(%arg10 : memref<128xi32, #tpu.memory_space<vmem>>) semaphore(%arg23 : memref<!tpu.dma_semaphore, #tpu.memory_space<semaphore_mem>>) {add = true}
      %dma_start3A_262 = arith.constant 0 : i32
      %dma_start3A_263 = tpu.memref_slice %arg20[%dma_start3A_262] : memref<10240xf32, #tpu.memory_space<vmem_shared>> -> memref<10240xf32, #tpu.memory_space<vmem_shared>>
      tpu.enqueue_indirect_dma source(%arg17 : memref<128xf32, #tpu.memory_space<vmem>>) target(%dma_start3A_263 : memref<10240xf32, #tpu.memory_space<vmem_shared>>) offsets(%arg10 : memref<128xi32, #tpu.memory_space<vmem>>) semaphore(%arg25 : memref<!tpu.dma_semaphore, #tpu.memory_space<semaphore_mem>>) {add = true}
      %lt3A = arith.constant 38 : i32
      %lt3A_264 = arith.cmpi slt, %scan3A_251, %lt3A : i32
      %convert_element_type3A = arith.extui %lt3A_264 : i1 to i32
      %cond3A = arith.constant 0 : i32
      %cond3A_265 = arith.cmpi ne, %convert_element_type3A, %cond3A : i32
      scf.if %cond3A_265 {
        %dma_wait3A_283 = arith.constant 0 : i32
        %dma_wait3A_284 = tpu.memref_slice %arg20[%dma_wait3A_283] : memref<10240xf32, #tpu.memory_space<vmem_shared>> -> memref<10240xf32, #tpu.memory_space<vmem_shared>>
        tpu.wait_indirect_dma semaphore(%arg25 : memref<!tpu.dma_semaphore, #tpu.memory_space<semaphore_mem>>) src(%arg17 : memref<128xf32, #tpu.memory_space<vmem>>) dst(%dma_wait3A_284 : memref<10240xf32, #tpu.memory_space<vmem_shared>>)
        %dma_wait3A_285 = arith.constant 0 : i32
        %dma_wait3A_286 = arith.constant 0 : i32
        %dma_wait3A_287 = tpu.memref_slice %arg19[%dma_wait3A_285, %dma_wait3A_286] : memref<10240x128xf32, #tpu.memory_space<vmem_shared>> -> memref<10240x128xf32, #tpu.memory_space<vmem_shared>>
        tpu.wait_indirect_dma semaphore(%arg23 : memref<!tpu.dma_semaphore, #tpu.memory_space<semaphore_mem>>) src(%arg12 : memref<128x128xf32, #tpu.memory_space<vmem>>) dst(%dma_wait3A_287 : memref<10240x128xf32, #tpu.memory_space<vmem_shared>>)
        %add3A_288 = arith.constant 2 : i32
        %add3A_289 = arith.addi %add3A_255, %add3A_288 : i32
        %mul3A_290 = arith.constant 10000 : i32
        %mul3A_291 = arith.muli %add3A, %mul3A_290 : i32
        %mul3A_292 = arith.constant 128 : i32
        %mul3A_293 = arith.muli %add3A_289, %mul3A_292 : i32
        %add3A_294 = arith.addi %mul3A_291, %mul3A_293 : i32
        "tpu.region"() ({
          %run_scoped3A = tpu.sem_alloc : memref<!tpu.dma_semaphore, #tpu.memory_space<semaphore_mem>>
          %dma_start3A_298 = tpu.memref_slice %arg3[%add3A_294] : memref<320000xi32, #tpu.memory_space<hbm>> -> memref<128xi32, #tpu.memory_space<hbm>>
          %dma_start3A_299 = tpu.memref_slice %arg3[%add3A_294] : memref<320000xi32, #tpu.memory_space<hbm>> -> memref<128xi32, #tpu.memory_space<hbm>>
          tpu.enqueue_dma source(%dma_start3A_299 : memref<128xi32, #tpu.memory_space<hbm>>) target(%arg8 : memref<128xi32, #tpu.memory_space<vmem>>) target_semaphore(%run_scoped3A : memref<!tpu.dma_semaphore, #tpu.memory_space<semaphore_mem>>)
          %dma_wait3A_300 = tpu.memref_slice %arg3[%add3A_294] : memref<320000xi32, #tpu.memory_space<hbm>> -> memref<128xi32, #tpu.memory_space<hbm>>
          %dma_wait3A_301 = tpu.memref_slice %arg3[%add3A_294] : memref<320000xi32, #tpu.memory_space<hbm>> -> memref<128xi32, #tpu.memory_space<hbm>>
          tpu.wait_dma2 semaphore(%run_scoped3A : memref<!tpu.dma_semaphore, #tpu.memory_space<semaphore_mem>>) src(%dma_wait3A_301 : memref<128xi32, #tpu.memory_space<hbm>>) dst(%arg8 : memref<128xi32, #tpu.memory_space<vmem>>)
          tpu.yield
        }) : () -> ()
        "tpu.region"() ({
          %run_scoped3A = tpu.sem_alloc : memref<!tpu.dma_semaphore, #tpu.memory_space<semaphore_mem>>
          %dma_start3A_298 = tpu.memref_slice %arg4[%add3A_294] : memref<320000xi32, #tpu.memory_space<hbm>> -> memref<128xi32, #tpu.memory_space<hbm>>
          %dma_start3A_299 = tpu.memref_slice %arg4[%add3A_294] : memref<320000xi32, #tpu.memory_space<hbm>> -> memref<128xi32, #tpu.memory_space<hbm>>
          tpu.enqueue_dma source(%dma_start3A_299 : memref<128xi32, #tpu.memory_space<hbm>>) target(%arg10 : memref<128xi32, #tpu.memory_space<vmem>>) target_semaphore(%run_scoped3A : memref<!tpu.dma_semaphore, #tpu.memory_space<semaphore_mem>>)
          %dma_wait3A_300 = tpu.memref_slice %arg4[%add3A_294] : memref<320000xi32, #tpu.memory_space<hbm>> -> memref<128xi32, #tpu.memory_space<hbm>>
          %dma_wait3A_301 = tpu.memref_slice %arg4[%add3A_294] : memref<320000xi32, #tpu.memory_space<hbm>> -> memref<128xi32, #tpu.memory_space<hbm>>
          tpu.wait_dma2 semaphore(%run_scoped3A : memref<!tpu.dma_semaphore, #tpu.memory_space<semaphore_mem>>) src(%dma_wait3A_301 : memref<128xi32, #tpu.memory_space<hbm>>) dst(%arg10 : memref<128xi32, #tpu.memory_space<vmem>>)
          tpu.yield
        }) : () -> ()
        %dma_start3A_295 = arith.constant 0 : i32
        %dma_start3A_296 = arith.constant 0 : i32
        %dma_start3A_297 = tpu.memref_slice %arg2[%dma_start3A_295, %dma_start3A_296] : memref<10000x128xf32, #tpu.memory_space<hbm>> -> memref<10000x128xf32, #tpu.memory_space<hbm>>
        tpu.enqueue_indirect_dma source(%dma_start3A_297 : memref<10000x128xf32, #tpu.memory_space<hbm>>) target(%arg12 : memref<128x128xf32, #tpu.memory_space<vmem>>) offsets(%arg8 : memref<128xi32, #tpu.memory_space<vmem>>) semaphore(%arg21 : memref<!tpu.dma_semaphore, #tpu.memory_space<semaphore_mem>>)
      } else {
      }
      %mul3A_266 = arith.constant 2 : i32
      %mul3A_267 = arith.muli %scan3A_251, %mul3A_266 : i32
      %add3A_268 = arith.constant 1 : i32
      %add3A_269 = arith.addi %mul3A_267, %add3A_268 : i32
      %dma_wait3A_270 = arith.constant 0 : i32
      %dma_wait3A_271 = arith.constant 0 : i32
      %dma_wait3A_272 = tpu.memref_slice %arg2[%dma_wait3A_270, %dma_wait3A_271] : memref<10000x128xf32, #tpu.memory_space<hbm>> -> memref<10000x128xf32, #tpu.memory_space<hbm>>
      tpu.wait_indirect_dma semaphore(%arg22 : memref<!tpu.dma_semaphore, #tpu.memory_space<semaphore_mem>>) src(%dma_wait3A_272 : memref<10000x128xf32, #tpu.memory_space<hbm>>) dst(%arg13 : memref<128x128xf32, #tpu.memory_space<vmem>>)
      %dma_start3A_273 = arith.constant 0 : i32
      %dma_start3A_274 = arith.constant 0 : i32
      %dma_start3A_275 = tpu.memref_slice %arg19[%dma_start3A_273, %dma_start3A_274] : memref<10240x128xf32, #tpu.memory_space<vmem_shared>> -> memref<10240x128xf32, #tpu.memory_space<vmem_shared>>
      tpu.enqueue_indirect_dma source(%arg13 : memref<128x128xf32, #tpu.memory_space<vmem>>) target(%dma_start3A_275 : memref<10240x128xf32, #tpu.memory_space<vmem_shared>>) offsets(%arg11 : memref<128xi32, #tpu.memory_space<vmem>>) semaphore(%arg24 : memref<!tpu.dma_semaphore, #tpu.memory_space<semaphore_mem>>) {add = true}
      %dma_start3A_276 = arith.constant 0 : i32
      %dma_start3A_277 = tpu.memref_slice %arg20[%dma_start3A_276] : memref<10240xf32, #tpu.memory_space<vmem_shared>> -> memref<10240xf32, #tpu.memory_space<vmem_shared>>
      tpu.enqueue_indirect_dma source(%arg17 : memref<128xf32, #tpu.memory_space<vmem>>) target(%dma_start3A_277 : memref<10240xf32, #tpu.memory_space<vmem_shared>>) offsets(%arg11 : memref<128xi32, #tpu.memory_space<vmem>>) semaphore(%arg26 : memref<!tpu.dma_semaphore, #tpu.memory_space<semaphore_mem>>) {add = true}
      %lt3A_278 = arith.constant 38 : i32
      %lt3A_279 = arith.cmpi slt, %scan3A_251, %lt3A_278 : i32
      %convert_element_type3A_280 = arith.extui %lt3A_279 : i1 to i32
      %cond3A_281 = arith.constant 0 : i32
      %cond3A_282 = arith.cmpi ne, %convert_element_type3A_280, %cond3A_281 : i32
      scf.if %cond3A_282 {
        %dma_wait3A_283 = arith.constant 0 : i32
        %dma_wait3A_284 = tpu.memref_slice %arg20[%dma_wait3A_283] : memref<10240xf32, #tpu.memory_space<vmem_shared>> -> memref<10240xf32, #tpu.memory_space<vmem_shared>>
        tpu.wait_indirect_dma semaphore(%arg26 : memref<!tpu.dma_semaphore, #tpu.memory_space<semaphore_mem>>) src(%arg17 : memref<128xf32, #tpu.memory_space<vmem>>) dst(%dma_wait3A_284 : memref<10240xf32, #tpu.memory_space<vmem_shared>>)
        %dma_wait3A_285 = arith.constant 0 : i32
        %dma_wait3A_286 = arith.constant 0 : i32
        %dma_wait3A_287 = tpu.memref_slice %arg19[%dma_wait3A_285, %dma_wait3A_286] : memref<10240x128xf32, #tpu.memory_space<vmem_shared>> -> memref<10240x128xf32, #tpu.memory_space<vmem_shared>>
        tpu.wait_indirect_dma semaphore(%arg24 : memref<!tpu.dma_semaphore, #tpu.memory_space<semaphore_mem>>) src(%arg13 : memref<128x128xf32, #tpu.memory_space<vmem>>) dst(%dma_wait3A_287 : memref<10240x128xf32, #tpu.memory_space<vmem_shared>>)
        %add3A_288 = arith.constant 2 : i32
        %add3A_289 = arith.addi %add3A_269, %add3A_288 : i32
        %mul3A_290 = arith.constant 10000 : i32
        %mul3A_291 = arith.muli %add3A, %mul3A_290 : i32
        %mul3A_292 = arith.constant 128 : i32
        %mul3A_293 = arith.muli %add3A_289, %mul3A_292 : i32
        %add3A_294 = arith.addi %mul3A_291, %mul3A_293 : i32
        "tpu.region"() ({
          %run_scoped3A = tpu.sem_alloc : memref<!tpu.dma_semaphore, #tpu.memory_space<semaphore_mem>>
          %dma_start3A_298 = tpu.memref_slice %arg3[%add3A_294] : memref<320000xi32, #tpu.memory_space<hbm>> -> memref<128xi32, #tpu.memory_space<hbm>>
          %dma_start3A_299 = tpu.memref_slice %arg3[%add3A_294] : memref<320000xi32, #tpu.memory_space<hbm>> -> memref<128xi32, #tpu.memory_space<hbm>>
          tpu.enqueue_dma source(%dma_start3A_299 : memref<128xi32, #tpu.memory_space<hbm>>) target(%arg9 : memref<128xi32, #tpu.memory_space<vmem>>) target_semaphore(%run_scoped3A : memref<!tpu.dma_semaphore, #tpu.memory_space<semaphore_mem>>)
          %dma_wait3A_300 = tpu.memref_slice %arg3[%add3A_294] : memref<320000xi32, #tpu.memory_space<hbm>> -> memref<128xi32, #tpu.memory_space<hbm>>
          %dma_wait3A_301 = tpu.memref_slice %arg3[%add3A_294] : memref<320000xi32, #tpu.memory_space<hbm>> -> memref<128xi32, #tpu.memory_space<hbm>>
          tpu.wait_dma2 semaphore(%run_scoped3A : memref<!tpu.dma_semaphore, #tpu.memory_space<semaphore_mem>>) src(%dma_wait3A_301 : memref<128xi32, #tpu.memory_space<hbm>>) dst(%arg9 : memref<128xi32, #tpu.memory_space<vmem>>)
          tpu.yield
        }) : () -> ()
        "tpu.region"() ({
          %run_scoped3A = tpu.sem_alloc : memref<!tpu.dma_semaphore, #tpu.memory_space<semaphore_mem>>
          %dma_start3A_298 = tpu.memref_slice %arg4[%add3A_294] : memref<320000xi32, #tpu.memory_space<hbm>> -> memref<128xi32, #tpu.memory_space<hbm>>
          %dma_start3A_299 = tpu.memref_slice %arg4[%add3A_294] : memref<320000xi32, #tpu.memory_space<hbm>> -> memref<128xi32, #tpu.memory_space<hbm>>
          tpu.enqueue_dma source(%dma_start3A_299 : memref<128xi32, #tpu.memory_space<hbm>>) target(%arg11 : memref<128xi32, #tpu.memory_space<vmem>>) target_semaphore(%run_scoped3A : memref<!tpu.dma_semaphore, #tpu.memory_space<semaphore_mem>>)
          %dma_wait3A_300 = tpu.memref_slice %arg4[%add3A_294] : memref<320000xi32, #tpu.memory_space<hbm>> -> memref<128xi32, #tpu.memory_space<hbm>>
          %dma_wait3A_301 = tpu.memref_slice %arg4[%add3A_294] : memref<320000xi32, #tpu.memory_space<hbm>> -> memref<128xi32, #tpu.memory_space<hbm>>
          tpu.wait_dma2 semaphore(%run_scoped3A : memref<!tpu.dma_semaphore, #tpu.memory_space<semaphore_mem>>) src(%dma_wait3A_301 : memref<128xi32, #tpu.memory_space<hbm>>) dst(%arg11 : memref<128xi32, #tpu.memory_space<vmem>>)
          tpu.yield
        }) : () -> ()
        %dma_start3A_295 = arith.constant 0 : i32
        %dma_start3A_296 = arith.constant 0 : i32
        %dma_start3A_297 = tpu.memref_slice %arg2[%dma_start3A_295, %dma_start3A_296] : memref<10000x128xf32, #tpu.memory_space<hbm>> -> memref<10000x128xf32, #tpu.memory_space<hbm>>
        tpu.enqueue_indirect_dma source(%dma_start3A_297 : memref<10000x128xf32, #tpu.memory_space<hbm>>) target(%arg13 : memref<128x128xf32, #tpu.memory_space<vmem>>) offsets(%arg9 : memref<128xi32, #tpu.memory_space<vmem>>) semaphore(%arg22 : memref<!tpu.dma_semaphore, #tpu.memory_space<semaphore_mem>>)
      } else {
      }
    }
    %scan3A_216 = arith.constant 39 : i32
    %mul3A_217 = arith.constant 10000 : i32
    %mul3A_218 = arith.muli %add3A, %mul3A_217 : i32
    %add3A_219 = arith.constant 9984 : i32
    %add3A_220 = arith.addi %mul3A_218, %add3A_219 : i32
    "tpu.region"() ({
      %run_scoped3A = tpu.sem_alloc : memref<!tpu.dma_semaphore, #tpu.memory_space<semaphore_mem>>
      %dma_start3A_251 = tpu.memref_slice %arg3[%add3A_220] : memref<320000xi32, #tpu.memory_space<hbm>> -> memref<16xi32, #tpu.memory_space<hbm>>
      %dma_start3A_252 = tpu.memref_slice %arg3[%add3A_220] : memref<320000xi32, #tpu.memory_space<hbm>> -> memref<16xi32, #tpu.memory_space<hbm>>
      tpu.enqueue_dma source(%dma_start3A_252 : memref<16xi32, #tpu.memory_space<hbm>>) target(%arg14 : memref<16xi32, #tpu.memory_space<vmem>>) target_semaphore(%run_scoped3A : memref<!tpu.dma_semaphore, #tpu.memory_space<semaphore_mem>>)
      %dma_wait3A_253 = tpu.memref_slice %arg3[%add3A_220] : memref<320000xi32, #tpu.memory_space<hbm>> -> memref<16xi32, #tpu.memory_space<hbm>>
      %dma_wait3A_254 = tpu.memref_slice %arg3[%add3A_220] : memref<320000xi32, #tpu.memory_space<hbm>> -> memref<16xi32, #tpu.memory_space<hbm>>
      tpu.wait_dma2 semaphore(%run_scoped3A : memref<!tpu.dma_semaphore, #tpu.memory_space<semaphore_mem>>) src(%dma_wait3A_254 : memref<16xi32, #tpu.memory_space<hbm>>) dst(%arg14 : memref<16xi32, #tpu.memory_space<vmem>>)
      tpu.yield
    }) : () -> ()
    "tpu.region"() ({
      %run_scoped3A = tpu.sem_alloc : memref<!tpu.dma_semaphore, #tpu.memory_space<semaphore_mem>>
      %dma_start3A_251 = tpu.memref_slice %arg4[%add3A_220] : memref<320000xi32, #tpu.memory_space<hbm>> -> memref<16xi32, #tpu.memory_space<hbm>>
      %dma_start3A_252 = tpu.memref_slice %arg4[%add3A_220] : memref<320000xi32, #tpu.memory_space<hbm>> -> memref<16xi32, #tpu.memory_space<hbm>>
      tpu.enqueue_dma source(%dma_start3A_252 : memref<16xi32, #tpu.memory_space<hbm>>) target(%arg15 : memref<16xi32, #tpu.memory_space<vmem>>) target_semaphore(%run_scoped3A : memref<!tpu.dma_semaphore, #tpu.memory_space<semaphore_mem>>)
      %dma_wait3A_253 = tpu.memref_slice %arg4[%add3A_220] : memref<320000xi32, #tpu.memory_space<hbm>> -> memref<16xi32, #tpu.memory_space<hbm>>
      %dma_wait3A_254 = tpu.memref_slice %arg4[%add3A_220] : memref<320000xi32, #tpu.memory_space<hbm>> -> memref<16xi32, #tpu.memory_space<hbm>>
      tpu.wait_dma2 semaphore(%run_scoped3A : memref<!tpu.dma_semaphore, #tpu.memory_space<semaphore_mem>>) src(%dma_wait3A_254 : memref<16xi32, #tpu.memory_space<hbm>>) dst(%arg15 : memref<16xi32, #tpu.memory_space<vmem>>)
      tpu.yield
    }) : () -> ()
    %dma_start3A_221 = arith.constant 0 : i32
    %dma_start3A_222 = arith.constant 0 : i32
    %dma_start3A_223 = tpu.memref_slice %arg2[%dma_start3A_221, %dma_start3A_222] : memref<10000x128xf32, #tpu.memory_space<hbm>> -> memref<10000x128xf32, #tpu.memory_space<hbm>>
    tpu.enqueue_indirect_dma source(%dma_start3A_223 : memref<10000x128xf32, #tpu.memory_space<hbm>>) target(%arg16 : memref<16x128xf32, #tpu.memory_space<vmem>>) offsets(%arg14 : memref<16xi32, #tpu.memory_space<vmem>>) semaphore(%arg21 : memref<!tpu.dma_semaphore, #tpu.memory_space<semaphore_mem>>)
    %dma_wait3A = arith.constant 0 : i32
    %dma_wait3A_224 = arith.constant 0 : i32
    %dma_wait3A_225 = tpu.memref_slice %arg2[%dma_wait3A, %dma_wait3A_224] : memref<10000x128xf32, #tpu.memory_space<hbm>> -> memref<10000x128xf32, #tpu.memory_space<hbm>>
    tpu.wait_indirect_dma semaphore(%arg21 : memref<!tpu.dma_semaphore, #tpu.memory_space<semaphore_mem>>) src(%dma_wait3A_225 : memref<10000x128xf32, #tpu.memory_space<hbm>>) dst(%arg16 : memref<16x128xf32, #tpu.memory_space<vmem>>)
    "tpu.region"() ({
      %run_scoped3A = tpu.sem_alloc : memref<!tpu.dma_semaphore, #tpu.memory_space<semaphore_mem>>
      %dma_start3A_251 = arith.constant 0 : i32
      %dma_start3A_252 = arith.constant 0 : i32
      %dma_start3A_253 = tpu.memref_slice %arg19[%dma_start3A_251, %dma_start3A_252] : memref<10240x128xf32, #tpu.memory_space<vmem_shared>> -> memref<10240x128xf32, #tpu.memory_space<vmem_shared>>
      tpu.enqueue_indirect_dma source(%arg16 : memref<16x128xf32, #tpu.memory_space<vmem>>) target(%dma_start3A_253 : memref<10240x128xf32, #tpu.memory_space<vmem_shared>>) offsets(%arg15 : memref<16xi32, #tpu.memory_space<vmem>>) semaphore(%run_scoped3A : memref<!tpu.dma_semaphore, #tpu.memory_space<semaphore_mem>>) {add = true}
      %dma_wait3A_254 = arith.constant 0 : i32
      %dma_wait3A_255 = arith.constant 0 : i32
      %dma_wait3A_256 = tpu.memref_slice %arg19[%dma_wait3A_254, %dma_wait3A_255] : memref<10240x128xf32, #tpu.memory_space<vmem_shared>> -> memref<10240x128xf32, #tpu.memory_space<vmem_shared>>
      tpu.wait_indirect_dma semaphore(%run_scoped3A : memref<!tpu.dma_semaphore, #tpu.memory_space<semaphore_mem>>) src(%arg16 : memref<16x128xf32, #tpu.memory_space<vmem>>) dst(%dma_wait3A_256 : memref<10240x128xf32, #tpu.memory_space<vmem_shared>>)
      tpu.yield
    }) : () -> ()
    "tpu.region"() ({
      %run_scoped3A = tpu.sem_alloc : memref<!tpu.dma_semaphore, #tpu.memory_space<semaphore_mem>>
      %dma_start3A_251 = arith.constant 0 : i32
      %dma_start3A_252 = tpu.memref_slice %arg17[%dma_start3A_251] : memref<128xf32, #tpu.memory_space<vmem>> -> memref<16xf32, #tpu.memory_space<vmem>>
      %dma_start3A_253 = arith.constant 0 : i32
      %dma_start3A_254 = tpu.memref_slice %arg20[%dma_start3A_253] : memref<10240xf32, #tpu.memory_space<vmem_shared>> -> memref<10240xf32, #tpu.memory_space<vmem_shared>>
      tpu.enqueue_indirect_dma source(%dma_start3A_252 : memref<16xf32, #tpu.memory_space<vmem>>) target(%dma_start3A_254 : memref<10240xf32, #tpu.memory_space<vmem_shared>>) offsets(%arg15 : memref<16xi32, #tpu.memory_space<vmem>>) semaphore(%run_scoped3A : memref<!tpu.dma_semaphore, #tpu.memory_space<semaphore_mem>>) {add = true}
      %dma_wait3A_255 = arith.constant 0 : i32
      %dma_wait3A_256 = tpu.memref_slice %arg17[%dma_wait3A_255] : memref<128xf32, #tpu.memory_space<vmem>> -> memref<16xf32, #tpu.memory_space<vmem>>
      %dma_wait3A_257 = arith.constant 0 : i32
      %dma_wait3A_258 = tpu.memref_slice %arg20[%dma_wait3A_257] : memref<10240xf32, #tpu.memory_space<vmem_shared>> -> memref<10240xf32, #tpu.memory_space<vmem_shared>>
      tpu.wait_indirect_dma semaphore(%run_scoped3A : memref<!tpu.dma_semaphore, #tpu.memory_space<semaphore_mem>>) src(%dma_wait3A_256 : memref<16xf32, #tpu.memory_space<vmem>>) dst(%dma_wait3A_258 : memref<10240xf32, #tpu.memory_space<vmem_shared>>)
      tpu.yield
    }) : () -> ()
    %dma_wait3A_226 = arith.constant 0 : i32
    %dma_wait3A_227 = tpu.memref_slice %arg20[%dma_wait3A_226] : memref<10240xf32, #tpu.memory_space<vmem_shared>> -> memref<10240xf32, #tpu.memory_space<vmem_shared>>
    tpu.wait_indirect_dma semaphore(%arg25 : memref<!tpu.dma_semaphore, #tpu.memory_space<semaphore_mem>>) src(%arg17 : memref<128xf32, #tpu.memory_space<vmem>>) dst(%dma_wait3A_227 : memref<10240xf32, #tpu.memory_space<vmem_shared>>)
    %dma_wait3A_228 = arith.constant 0 : i32
    %dma_wait3A_229 = arith.constant 0 : i32
    %dma_wait3A_230 = tpu.memref_slice %arg19[%dma_wait3A_228, %dma_wait3A_229] : memref<10240x128xf32, #tpu.memory_space<vmem_shared>> -> memref<10240x128xf32, #tpu.memory_space<vmem_shared>>
    tpu.wait_indirect_dma semaphore(%arg23 : memref<!tpu.dma_semaphore, #tpu.memory_space<semaphore_mem>>) src(%arg12 : memref<128x128xf32, #tpu.memory_space<vmem>>) dst(%dma_wait3A_230 : memref<10240x128xf32, #tpu.memory_space<vmem_shared>>)
    %dma_wait3A_231 = arith.constant 0 : i32
    %dma_wait3A_232 = tpu.memref_slice %arg20[%dma_wait3A_231] : memref<10240xf32, #tpu.memory_space<vmem_shared>> -> memref<10240xf32, #tpu.memory_space<vmem_shared>>
    tpu.wait_indirect_dma semaphore(%arg26 : memref<!tpu.dma_semaphore, #tpu.memory_space<semaphore_mem>>) src(%arg17 : memref<128xf32, #tpu.memory_space<vmem>>) dst(%dma_wait3A_232 : memref<10240xf32, #tpu.memory_space<vmem_shared>>)
    %dma_wait3A_233 = arith.constant 0 : i32
    %dma_wait3A_234 = arith.constant 0 : i32
    %dma_wait3A_235 = tpu.memref_slice %arg19[%dma_wait3A_233, %dma_wait3A_234] : memref<10240x128xf32, #tpu.memory_space<vmem_shared>> -> memref<10240x128xf32, #tpu.memory_space<vmem_shared>>
    tpu.wait_indirect_dma semaphore(%arg24 : memref<!tpu.dma_semaphore, #tpu.memory_space<semaphore_mem>>) src(%arg13 : memref<128x128xf32, #tpu.memory_space<vmem>>) dst(%dma_wait3A_235 : memref<10240x128xf32, #tpu.memory_space<vmem_shared>>)
    %barrier3A_236 = arith.constant 0 : index
    tpu.barrier barrier_id(%barrier3A_236)
    %mul3A_237 = arith.constant 640 : i32
    %mul3A_238 = arith.muli %arg1, %mul3A_237 : i32
    %mul3A_239 = arith.constant 10240 : i32
    %mul3A_240 = arith.muli %arg0, %mul3A_239 : i32
    %mul3A_241 = arith.constant 640 : i32
    %mul3A_242 = arith.muli %arg1, %mul3A_241 : i32
    %add3A_243 = arith.addi %mul3A_240, %mul3A_242 : i32
    "tpu.region"() ({
      %run_scoped3A = tpu.sem_alloc : memref<!tpu.dma_semaphore, #tpu.memory_space<semaphore_mem>>
      %dma_start3A_251 = arith.constant 0 : i32
      %dma_start3A_252 = tpu.memref_slice %arg6[%add3A_243, %dma_start3A_251] : memref<20480x128xf32, #tpu.memory_space<hbm>> -> memref<640x128xf32, #tpu.memory_space<hbm>>
      %dma_start3A_253 = arith.constant 0 : i32
      %dma_start3A_254 = tpu.memref_slice %arg19[%mul3A_238, %dma_start3A_253] : memref<10240x128xf32, #tpu.memory_space<vmem_shared>> -> memref<640x128xf32, #tpu.memory_space<vmem_shared>>
      tpu.enqueue_dma source(%dma_start3A_254 : memref<640x128xf32, #tpu.memory_space<vmem_shared>>) target(%dma_start3A_252 : memref<640x128xf32, #tpu.memory_space<hbm>>) target_semaphore(%run_scoped3A : memref<!tpu.dma_semaphore, #tpu.memory_space<semaphore_mem>>)
      %dma_wait3A_255 = arith.constant 0 : i32
      %dma_wait3A_256 = tpu.memref_slice %arg6[%add3A_243, %dma_wait3A_255] : memref<20480x128xf32, #tpu.memory_space<hbm>> -> memref<640x128xf32, #tpu.memory_space<hbm>>
      %dma_wait3A_257 = arith.constant 0 : i32
      %dma_wait3A_258 = tpu.memref_slice %arg19[%mul3A_238, %dma_wait3A_257] : memref<10240x128xf32, #tpu.memory_space<vmem_shared>> -> memref<640x128xf32, #tpu.memory_space<vmem_shared>>
      tpu.wait_dma2 semaphore(%run_scoped3A : memref<!tpu.dma_semaphore, #tpu.memory_space<semaphore_mem>>) src(%dma_wait3A_258 : memref<640x128xf32, #tpu.memory_space<vmem_shared>>) dst(%dma_wait3A_256 : memref<640x128xf32, #tpu.memory_space<hbm>>)
      tpu.yield
    }) : () -> ()
    %mul3A_244 = arith.constant 640 : i32
    %mul3A_245 = arith.muli %arg1, %mul3A_244 : i32
    %mul3A_246 = arith.constant 10240 : i32
    %mul3A_247 = arith.muli %arg0, %mul3A_246 : i32
    %mul3A_248 = arith.constant 640 : i32
    %mul3A_249 = arith.muli %arg1, %mul3A_248 : i32
    %add3A_250 = arith.addi %mul3A_247, %mul3A_249 : i32
    "tpu.region"() ({
      %run_scoped3A = tpu.sem_alloc : memref<!tpu.dma_semaphore, #tpu.memory_space<semaphore_mem>>
      %dma_start3A_251 = tpu.memref_slice %arg7[%add3A_250] : memref<20480xf32, #tpu.memory_space<hbm>> -> memref<640xf32, #tpu.memory_space<hbm>>
      %dma_start3A_252 = tpu.memref_slice %arg20[%mul3A_245] : memref<10240xf32, #tpu.memory_space<vmem_shared>> -> memref<640xf32, #tpu.memory_space<vmem_shared>>
      tpu.enqueue_dma source(%dma_start3A_252 : memref<640xf32, #tpu.memory_space<vmem_shared>>) target(%dma_start3A_251 : memref<640xf32, #tpu.memory_space<hbm>>) target_semaphore(%run_scoped3A : memref<!tpu.dma_semaphore, #tpu.memory_space<semaphore_mem>>)
      %dma_wait3A_253 = tpu.memref_slice %arg7[%add3A_250] : memref<20480xf32, #tpu.memory_space<hbm>> -> memref<640xf32, #tpu.memory_space<hbm>>
      %dma_wait3A_254 = tpu.memref_slice %arg20[%mul3A_245] : memref<10240xf32, #tpu.memory_space<vmem_shared>> -> memref<640xf32, #tpu.memory_space<vmem_shared>>
      tpu.wait_dma2 semaphore(%run_scoped3A : memref<!tpu.dma_semaphore, #tpu.memory_space<semaphore_mem>>) src(%dma_wait3A_254 : memref<640xf32, #tpu.memory_space<vmem_shared>>) dst(%dma_wait3A_253 : memref<640xf32, #tpu.memory_space<hbm>>)
      tpu.yield
    }) : () -> ()
    return
  }
}

#map = affine_map<(d0, d1) -> (0, 0)>
#map1 = affine_map<(d0, d1) -> (0)>
module attributes {stable_mosaic.version = 14 : i64} {
  func.func @_agg_col(%arg0: i32, %arg1: i32, %arg2: memref<20480x128xf32, #tpu.memory_space<hbm>>, %arg3: memref<320000xi32, #tpu.memory_space<hbm>>, %arg4: memref<320000xi32, #tpu.memory_space<hbm>>, %arg5: memref<640x128xf32, #tpu.memory_space<hbm>>, %arg6: memref<20480x128xf32, #tpu.memory_space<hbm>>, %arg7: memref<128xi32, #tpu.memory_space<vmem>>, %arg8: memref<128xi32, #tpu.memory_space<vmem>>, %arg9: memref<128xi32, #tpu.memory_space<vmem>>, %arg10: memref<128xi32, #tpu.memory_space<vmem>>, %arg11: memref<128x128xf32, #tpu.memory_space<vmem>>, %arg12: memref<128x128xf32, #tpu.memory_space<vmem>>, %arg13: memref<32xi32, #tpu.memory_space<vmem>>, %arg14: memref<32xi32, #tpu.memory_space<vmem>>, %arg15: memref<32x128xf32, #tpu.memory_space<vmem>>, %arg16: memref<10240x128xf32, #tpu.memory_space<vmem_shared>>, %arg17: memref<!tpu.dma_semaphore, #tpu.memory_space<semaphore_mem>>, %arg18: memref<!tpu.dma_semaphore, #tpu.memory_space<semaphore_mem>>, %arg19: memref<!tpu.dma_semaphore, #tpu.memory_space<semaphore_mem>>, %arg20: memref<!tpu.dma_semaphore, #tpu.memory_space<semaphore_mem>>) attributes {dimension_semantics = [#tpu.dimension_semantics<core_parallel>, #tpu.dimension_semantics<subcore_parallel>], iteration_bounds = array<i64: 2, 16>, scalar_prefetch = 0 : i64, scratch_operands = 14 : i64, tpu.core_type = #tpu.core_type<sc_vector_subcore>, window_params = [{transform_indices = #map}, {transform_indices = #map1}, {transform_indices = #map1}, {transform_indices = #map}, {transform_indices = #map}]} {
    %mul3A = arith.constant 10240 : i32
    %mul3A_0 = arith.muli %arg0, %mul3A : i32
    %mul3A_1 = arith.constant 640 : i32
    %mul3A_2 = arith.muli %arg1, %mul3A_1 : i32
    "tpu.region"() ({
      %run_scoped3A = tpu.sem_alloc : memref<!tpu.dma_semaphore, #tpu.memory_space<semaphore_mem>>
      %dma_start3A_203 = arith.constant 0 : i32
      %dma_start3A_204 = tpu.memref_slice %arg16[%mul3A_2, %dma_start3A_203] : memref<10240x128xf32, #tpu.memory_space<vmem_shared>> -> memref<640x128xf32, #tpu.memory_space<vmem_shared>>
      tpu.enqueue_dma source(%arg5 : memref<640x128xf32, #tpu.memory_space<hbm>>) target(%dma_start3A_204 : memref<640x128xf32, #tpu.memory_space<vmem_shared>>) target_semaphore(%run_scoped3A : memref<!tpu.dma_semaphore, #tpu.memory_space<semaphore_mem>>)
      %dma_wait3A_205 = arith.constant 0 : i32
      %dma_wait3A_206 = tpu.memref_slice %arg16[%mul3A_2, %dma_wait3A_205] : memref<10240x128xf32, #tpu.memory_space<vmem_shared>> -> memref<640x128xf32, #tpu.memory_space<vmem_shared>>
      tpu.wait_dma2 semaphore(%run_scoped3A : memref<!tpu.dma_semaphore, #tpu.memory_space<semaphore_mem>>) src(%arg5 : memref<640x128xf32, #tpu.memory_space<hbm>>) dst(%dma_wait3A_206 : memref<640x128xf32, #tpu.memory_space<vmem_shared>>)
      tpu.yield
    }) : () -> ()
    %barrier3A = arith.constant 0 : index
    tpu.barrier barrier_id(%barrier3A)
    %mul3A_3 = arith.constant 20000 : i32
    %mul3A_4 = arith.muli %arg1, %mul3A_3 : i32
    %add3A = arith.constant 0 : i32
    %add3A_5 = arith.addi %mul3A_4, %add3A : i32
    "tpu.region"() ({
      %run_scoped3A = tpu.sem_alloc : memref<!tpu.dma_semaphore, #tpu.memory_space<semaphore_mem>>
      %dma_start3A_203 = tpu.memref_slice %arg3[%add3A_5] : memref<320000xi32, #tpu.memory_space<hbm>> -> memref<128xi32, #tpu.memory_space<hbm>>
      %dma_start3A_204 = tpu.memref_slice %arg3[%add3A_5] : memref<320000xi32, #tpu.memory_space<hbm>> -> memref<128xi32, #tpu.memory_space<hbm>>
      tpu.enqueue_dma source(%dma_start3A_204 : memref<128xi32, #tpu.memory_space<hbm>>) target(%arg7 : memref<128xi32, #tpu.memory_space<vmem>>) target_semaphore(%run_scoped3A : memref<!tpu.dma_semaphore, #tpu.memory_space<semaphore_mem>>)
      %dma_wait3A_205 = tpu.memref_slice %arg3[%add3A_5] : memref<320000xi32, #tpu.memory_space<hbm>> -> memref<128xi32, #tpu.memory_space<hbm>>
      %dma_wait3A_206 = tpu.memref_slice %arg3[%add3A_5] : memref<320000xi32, #tpu.memory_space<hbm>> -> memref<128xi32, #tpu.memory_space<hbm>>
      tpu.wait_dma2 semaphore(%run_scoped3A : memref<!tpu.dma_semaphore, #tpu.memory_space<semaphore_mem>>) src(%dma_wait3A_206 : memref<128xi32, #tpu.memory_space<hbm>>) dst(%arg7 : memref<128xi32, #tpu.memory_space<vmem>>)
      tpu.yield
    }) : () -> ()
    "tpu.region"() ({
      %run_scoped3A = tpu.sem_alloc : memref<!tpu.dma_semaphore, #tpu.memory_space<semaphore_mem>>
      %dma_start3A_203 = tpu.memref_slice %arg4[%add3A_5] : memref<320000xi32, #tpu.memory_space<hbm>> -> memref<128xi32, #tpu.memory_space<hbm>>
      %dma_start3A_204 = tpu.memref_slice %arg4[%add3A_5] : memref<320000xi32, #tpu.memory_space<hbm>> -> memref<128xi32, #tpu.memory_space<hbm>>
      tpu.enqueue_dma source(%dma_start3A_204 : memref<128xi32, #tpu.memory_space<hbm>>) target(%arg9 : memref<128xi32, #tpu.memory_space<vmem>>) target_semaphore(%run_scoped3A : memref<!tpu.dma_semaphore, #tpu.memory_space<semaphore_mem>>)
      %dma_wait3A_205 = tpu.memref_slice %arg4[%add3A_5] : memref<320000xi32, #tpu.memory_space<hbm>> -> memref<128xi32, #tpu.memory_space<hbm>>
      %dma_wait3A_206 = tpu.memref_slice %arg4[%add3A_5] : memref<320000xi32, #tpu.memory_space<hbm>> -> memref<128xi32, #tpu.memory_space<hbm>>
      tpu.wait_dma2 semaphore(%run_scoped3A : memref<!tpu.dma_semaphore, #tpu.memory_space<semaphore_mem>>) src(%dma_wait3A_206 : memref<128xi32, #tpu.memory_space<hbm>>) dst(%arg9 : memref<128xi32, #tpu.memory_space<vmem>>)
      tpu.yield
    }) : () -> ()
    %get3A = arith.constant 0 : index
    %get3A_6 = tpu.vector_load %arg7[%get3A] {strides = array<i32>} : memref<128xi32, #tpu.memory_space<vmem>>, vector<16xi32>,
    %get3A_7 = vector.shape_cast %get3A_6 : vector<16xi32> to vector<16xi32>
    %add3A_8 = vector.broadcast %mul3A_0 : i32 to vector<16xi32>
    %add3A_9 = arith.addi %get3A_7, %add3A_8 : vector<16xi32>
    %swap3A = arith.constant 0 : index
    %swap3A_10 = tpu.vector_load %arg7[%swap3A] {strides = array<i32>} : memref<128xi32, #tpu.memory_space<vmem>>, vector<16xi32>,
    %swap3A_11 = vector.shape_cast %swap3A_10 : vector<16xi32> to vector<16xi32>
    %swap3A_12 = vector.shape_cast %add3A_9 : vector<16xi32> to vector<16xi32>
    tpu.vector_store %arg7[%swap3A], %swap3A_12 {strides = array<i32>} : memref<128xi32, #tpu.memory_space<vmem>>, vector<16xi32>,
    %get3A_13 = arith.constant 16 : index
    %get3A_14 = tpu.vector_load %arg7[%get3A_13] {strides = array<i32>} : memref<128xi32, #tpu.memory_space<vmem>>, vector<16xi32>,
    %get3A_15 = vector.shape_cast %get3A_14 : vector<16xi32> to vector<16xi32>
    %add3A_16 = vector.broadcast %mul3A_0 : i32 to vector<16xi32>
    %add3A_17 = arith.addi %get3A_15, %add3A_16 : vector<16xi32>
    %swap3A_18 = arith.constant 16 : index
    %swap3A_19 = tpu.vector_load %arg7[%swap3A_18] {strides = array<i32>} : memref<128xi32, #tpu.memory_space<vmem>>, vector<16xi32>,
    %swap3A_20 = vector.shape_cast %swap3A_19 : vector<16xi32> to vector<16xi32>
    %swap3A_21 = vector.shape_cast %add3A_17 : vector<16xi32> to vector<16xi32>
    tpu.vector_store %arg7[%swap3A_18], %swap3A_21 {strides = array<i32>} : memref<128xi32, #tpu.memory_space<vmem>>, vector<16xi32>,
    %get3A_22 = arith.constant 32 : index
    %get3A_23 = tpu.vector_load %arg7[%get3A_22] {strides = array<i32>} : memref<128xi32, #tpu.memory_space<vmem>>, vector<16xi32>,
    %get3A_24 = vector.shape_cast %get3A_23 : vector<16xi32> to vector<16xi32>
    %add3A_25 = vector.broadcast %mul3A_0 : i32 to vector<16xi32>
    %add3A_26 = arith.addi %get3A_24, %add3A_25 : vector<16xi32>
    %swap3A_27 = arith.constant 32 : index
    %swap3A_28 = tpu.vector_load %arg7[%swap3A_27] {strides = array<i32>} : memref<128xi32, #tpu.memory_space<vmem>>, vector<16xi32>,
    %swap3A_29 = vector.shape_cast %swap3A_28 : vector<16xi32> to vector<16xi32>
    %swap3A_30 = vector.shape_cast %add3A_26 : vector<16xi32> to vector<16xi32>
    tpu.vector_store %arg7[%swap3A_27], %swap3A_30 {strides = array<i32>} : memref<128xi32, #tpu.memory_space<vmem>>, vector<16xi32>,
    %get3A_31 = arith.constant 48 : index
    %get3A_32 = tpu.vector_load %arg7[%get3A_31] {strides = array<i32>} : memref<128xi32, #tpu.memory_space<vmem>>, vector<16xi32>,
    %get3A_33 = vector.shape_cast %get3A_32 : vector<16xi32> to vector<16xi32>
    %add3A_34 = vector.broadcast %mul3A_0 : i32 to vector<16xi32>
    %add3A_35 = arith.addi %get3A_33, %add3A_34 : vector<16xi32>
    %swap3A_36 = arith.constant 48 : index
    %swap3A_37 = tpu.vector_load %arg7[%swap3A_36] {strides = array<i32>} : memref<128xi32, #tpu.memory_space<vmem>>, vector<16xi32>,
    %swap3A_38 = vector.shape_cast %swap3A_37 : vector<16xi32> to vector<16xi32>
    %swap3A_39 = vector.shape_cast %add3A_35 : vector<16xi32> to vector<16xi32>
    tpu.vector_store %arg7[%swap3A_36], %swap3A_39 {strides = array<i32>} : memref<128xi32, #tpu.memory_space<vmem>>, vector<16xi32>,
    %get3A_40 = arith.constant 64 : index
    %get3A_41 = tpu.vector_load %arg7[%get3A_40] {strides = array<i32>} : memref<128xi32, #tpu.memory_space<vmem>>, vector<16xi32>,
    %get3A_42 = vector.shape_cast %get3A_41 : vector<16xi32> to vector<16xi32>
    %add3A_43 = vector.broadcast %mul3A_0 : i32 to vector<16xi32>
    %add3A_44 = arith.addi %get3A_42, %add3A_43 : vector<16xi32>
    %swap3A_45 = arith.constant 64 : index
    %swap3A_46 = tpu.vector_load %arg7[%swap3A_45] {strides = array<i32>} : memref<128xi32, #tpu.memory_space<vmem>>, vector<16xi32>,
    %swap3A_47 = vector.shape_cast %swap3A_46 : vector<16xi32> to vector<16xi32>
    %swap3A_48 = vector.shape_cast %add3A_44 : vector<16xi32> to vector<16xi32>
    tpu.vector_store %arg7[%swap3A_45], %swap3A_48 {strides = array<i32>} : memref<128xi32, #tpu.memory_space<vmem>>, vector<16xi32>,
    %get3A_49 = arith.constant 80 : index
    %get3A_50 = tpu.vector_load %arg7[%get3A_49] {strides = array<i32>} : memref<128xi32, #tpu.memory_space<vmem>>, vector<16xi32>,
    %get3A_51 = vector.shape_cast %get3A_50 : vector<16xi32> to vector<16xi32>
    %add3A_52 = vector.broadcast %mul3A_0 : i32 to vector<16xi32>
    %add3A_53 = arith.addi %get3A_51, %add3A_52 : vector<16xi32>
    %swap3A_54 = arith.constant 80 : index
    %swap3A_55 = tpu.vector_load %arg7[%swap3A_54] {strides = array<i32>} : memref<128xi32, #tpu.memory_space<vmem>>, vector<16xi32>,
    %swap3A_56 = vector.shape_cast %swap3A_55 : vector<16xi32> to vector<16xi32>
    %swap3A_57 = vector.shape_cast %add3A_53 : vector<16xi32> to vector<16xi32>
    tpu.vector_store %arg7[%swap3A_54], %swap3A_57 {strides = array<i32>} : memref<128xi32, #tpu.memory_space<vmem>>, vector<16xi32>,
    %get3A_58 = arith.constant 96 : index
    %get3A_59 = tpu.vector_load %arg7[%get3A_58] {strides = array<i32>} : memref<128xi32, #tpu.memory_space<vmem>>, vector<16xi32>,
    %get3A_60 = vector.shape_cast %get3A_59 : vector<16xi32> to vector<16xi32>
    %add3A_61 = vector.broadcast %mul3A_0 : i32 to vector<16xi32>
    %add3A_62 = arith.addi %get3A_60, %add3A_61 : vector<16xi32>
    %swap3A_63 = arith.constant 96 : index
    %swap3A_64 = tpu.vector_load %arg7[%swap3A_63] {strides = array<i32>} : memref<128xi32, #tpu.memory_space<vmem>>, vector<16xi32>,
    %swap3A_65 = vector.shape_cast %swap3A_64 : vector<16xi32> to vector<16xi32>
    %swap3A_66 = vector.shape_cast %add3A_62 : vector<16xi32> to vector<16xi32>
    tpu.vector_store %arg7[%swap3A_63], %swap3A_66 {strides = array<i32>} : memref<128xi32, #tpu.memory_space<vmem>>, vector<16xi32>,
    %get3A_67 = arith.constant 112 : index
    %get3A_68 = tpu.vector_load %arg7[%get3A_67] {strides = array<i32>} : memref<128xi32, #tpu.memory_space<vmem>>, vector<16xi32>,
    %get3A_69 = vector.shape_cast %get3A_68 : vector<16xi32> to vector<16xi32>
    %add3A_70 = vector.broadcast %mul3A_0 : i32 to vector<16xi32>
    %add3A_71 = arith.addi %get3A_69, %add3A_70 : vector<16xi32>
    %swap3A_72 = arith.constant 112 : index
    %swap3A_73 = tpu.vector_load %arg7[%swap3A_72] {strides = array<i32>} : memref<128xi32, #tpu.memory_space<vmem>>, vector<16xi32>,
    %swap3A_74 = vector.shape_cast %swap3A_73 : vector<16xi32> to vector<16xi32>
    %swap3A_75 = vector.shape_cast %add3A_71 : vector<16xi32> to vector<16xi32>
    tpu.vector_store %arg7[%swap3A_72], %swap3A_75 {strides = array<i32>} : memref<128xi32, #tpu.memory_space<vmem>>, vector<16xi32>,
    %dma_start3A = arith.constant 0 : i32
    %dma_start3A_76 = arith.constant 0 : i32
    %dma_start3A_77 = tpu.memref_slice %arg2[%dma_start3A, %dma_start3A_76] : memref<20480x128xf32, #tpu.memory_space<hbm>> -> memref<20480x128xf32, #tpu.memory_space<hbm>>
    tpu.enqueue_indirect_dma source(%dma_start3A_77 : memref<20480x128xf32, #tpu.memory_space<hbm>>) target(%arg11 : memref<128x128xf32, #tpu.memory_space<vmem>>) offsets(%arg7 : memref<128xi32, #tpu.memory_space<vmem>>) semaphore(%arg17 : memref<!tpu.dma_semaphore, #tpu.memory_space<semaphore_mem>>)
    %mul3A_78 = arith.constant 20000 : i32
    %mul3A_79 = arith.muli %arg1, %mul3A_78 : i32
    %add3A_80 = arith.constant 128 : i32
    %add3A_81 = arith.addi %mul3A_79, %add3A_80 : i32
    "tpu.region"() ({
      %run_scoped3A = tpu.sem_alloc : memref<!tpu.dma_semaphore, #tpu.memory_space<semaphore_mem>>
      %dma_start3A_203 = tpu.memref_slice %arg3[%add3A_81] : memref<320000xi32, #tpu.memory_space<hbm>> -> memref<128xi32, #tpu.memory_space<hbm>>
      %dma_start3A_204 = tpu.memref_slice %arg3[%add3A_81] : memref<320000xi32, #tpu.memory_space<hbm>> -> memref<128xi32, #tpu.memory_space<hbm>>
      tpu.enqueue_dma source(%dma_start3A_204 : memref<128xi32, #tpu.memory_space<hbm>>) target(%arg8 : memref<128xi32, #tpu.memory_space<vmem>>) target_semaphore(%run_scoped3A : memref<!tpu.dma_semaphore, #tpu.memory_space<semaphore_mem>>)
      %dma_wait3A_205 = tpu.memref_slice %arg3[%add3A_81] : memref<320000xi32, #tpu.memory_space<hbm>> -> memref<128xi32, #tpu.memory_space<hbm>>
      %dma_wait3A_206 = tpu.memref_slice %arg3[%add3A_81] : memref<320000xi32, #tpu.memory_space<hbm>> -> memref<128xi32, #tpu.memory_space<hbm>>
      tpu.wait_dma2 semaphore(%run_scoped3A : memref<!tpu.dma_semaphore, #tpu.memory_space<semaphore_mem>>) src(%dma_wait3A_206 : memref<128xi32, #tpu.memory_space<hbm>>) dst(%arg8 : memref<128xi32, #tpu.memory_space<vmem>>)
      tpu.yield
    }) : () -> ()
    "tpu.region"() ({
      %run_scoped3A = tpu.sem_alloc : memref<!tpu.dma_semaphore, #tpu.memory_space<semaphore_mem>>
      %dma_start3A_203 = tpu.memref_slice %arg4[%add3A_81] : memref<320000xi32, #tpu.memory_space<hbm>> -> memref<128xi32, #tpu.memory_space<hbm>>
      %dma_start3A_204 = tpu.memref_slice %arg4[%add3A_81] : memref<320000xi32, #tpu.memory_space<hbm>> -> memref<128xi32, #tpu.memory_space<hbm>>
      tpu.enqueue_dma source(%dma_start3A_204 : memref<128xi32, #tpu.memory_space<hbm>>) target(%arg10 : memref<128xi32, #tpu.memory_space<vmem>>) target_semaphore(%run_scoped3A : memref<!tpu.dma_semaphore, #tpu.memory_space<semaphore_mem>>)
      %dma_wait3A_205 = tpu.memref_slice %arg4[%add3A_81] : memref<320000xi32, #tpu.memory_space<hbm>> -> memref<128xi32, #tpu.memory_space<hbm>>
      %dma_wait3A_206 = tpu.memref_slice %arg4[%add3A_81] : memref<320000xi32, #tpu.memory_space<hbm>> -> memref<128xi32, #tpu.memory_space<hbm>>
      tpu.wait_dma2 semaphore(%run_scoped3A : memref<!tpu.dma_semaphore, #tpu.memory_space<semaphore_mem>>) src(%dma_wait3A_206 : memref<128xi32, #tpu.memory_space<hbm>>) dst(%arg10 : memref<128xi32, #tpu.memory_space<vmem>>)
      tpu.yield
    }) : () -> ()
    %get3A_82 = arith.constant 0 : index
    %get3A_83 = tpu.vector_load %arg8[%get3A_82] {strides = array<i32>} : memref<128xi32, #tpu.memory_space<vmem>>, vector<16xi32>,
    %get3A_84 = vector.shape_cast %get3A_83 : vector<16xi32> to vector<16xi32>
    %add3A_85 = vector.broadcast %mul3A_0 : i32 to vector<16xi32>
    %add3A_86 = arith.addi %get3A_84, %add3A_85 : vector<16xi32>
    %swap3A_87 = arith.constant 0 : index
    %swap3A_88 = tpu.vector_load %arg8[%swap3A_87] {strides = array<i32>} : memref<128xi32, #tpu.memory_space<vmem>>, vector<16xi32>,
    %swap3A_89 = vector.shape_cast %swap3A_88 : vector<16xi32> to vector<16xi32>
    %swap3A_90 = vector.shape_cast %add3A_86 : vector<16xi32> to vector<16xi32>
    tpu.vector_store %arg8[%swap3A_87], %swap3A_90 {strides = array<i32>} : memref<128xi32, #tpu.memory_space<vmem>>, vector<16xi32>,
    %get3A_91 = arith.constant 16 : index
    %get3A_92 = tpu.vector_load %arg8[%get3A_91] {strides = array<i32>} : memref<128xi32, #tpu.memory_space<vmem>>, vector<16xi32>,
    %get3A_93 = vector.shape_cast %get3A_92 : vector<16xi32> to vector<16xi32>
    %add3A_94 = vector.broadcast %mul3A_0 : i32 to vector<16xi32>
    %add3A_95 = arith.addi %get3A_93, %add3A_94 : vector<16xi32>
    %swap3A_96 = arith.constant 16 : index
    %swap3A_97 = tpu.vector_load %arg8[%swap3A_96] {strides = array<i32>} : memref<128xi32, #tpu.memory_space<vmem>>, vector<16xi32>,
    %swap3A_98 = vector.shape_cast %swap3A_97 : vector<16xi32> to vector<16xi32>
    %swap3A_99 = vector.shape_cast %add3A_95 : vector<16xi32> to vector<16xi32>
    tpu.vector_store %arg8[%swap3A_96], %swap3A_99 {strides = array<i32>} : memref<128xi32, #tpu.memory_space<vmem>>, vector<16xi32>,
    %get3A_100 = arith.constant 32 : index
    %get3A_101 = tpu.vector_load %arg8[%get3A_100] {strides = array<i32>} : memref<128xi32, #tpu.memory_space<vmem>>, vector<16xi32>,
    %get3A_102 = vector.shape_cast %get3A_101 : vector<16xi32> to vector<16xi32>
    %add3A_103 = vector.broadcast %mul3A_0 : i32 to vector<16xi32>
    %add3A_104 = arith.addi %get3A_102, %add3A_103 : vector<16xi32>
    %swap3A_105 = arith.constant 32 : index
    %swap3A_106 = tpu.vector_load %arg8[%swap3A_105] {strides = array<i32>} : memref<128xi32, #tpu.memory_space<vmem>>, vector<16xi32>,
    %swap3A_107 = vector.shape_cast %swap3A_106 : vector<16xi32> to vector<16xi32>
    %swap3A_108 = vector.shape_cast %add3A_104 : vector<16xi32> to vector<16xi32>
    tpu.vector_store %arg8[%swap3A_105], %swap3A_108 {strides = array<i32>} : memref<128xi32, #tpu.memory_space<vmem>>, vector<16xi32>,
    %get3A_109 = arith.constant 48 : index
    %get3A_110 = tpu.vector_load %arg8[%get3A_109] {strides = array<i32>} : memref<128xi32, #tpu.memory_space<vmem>>, vector<16xi32>,
    %get3A_111 = vector.shape_cast %get3A_110 : vector<16xi32> to vector<16xi32>
    %add3A_112 = vector.broadcast %mul3A_0 : i32 to vector<16xi32>
    %add3A_113 = arith.addi %get3A_111, %add3A_112 : vector<16xi32>
    %swap3A_114 = arith.constant 48 : index
    %swap3A_115 = tpu.vector_load %arg8[%swap3A_114] {strides = array<i32>} : memref<128xi32, #tpu.memory_space<vmem>>, vector<16xi32>,
    %swap3A_116 = vector.shape_cast %swap3A_115 : vector<16xi32> to vector<16xi32>
    %swap3A_117 = vector.shape_cast %add3A_113 : vector<16xi32> to vector<16xi32>
    tpu.vector_store %arg8[%swap3A_114], %swap3A_117 {strides = array<i32>} : memref<128xi32, #tpu.memory_space<vmem>>, vector<16xi32>,
    %get3A_118 = arith.constant 64 : index
    %get3A_119 = tpu.vector_load %arg8[%get3A_118] {strides = array<i32>} : memref<128xi32, #tpu.memory_space<vmem>>, vector<16xi32>,
    %get3A_120 = vector.shape_cast %get3A_119 : vector<16xi32> to vector<16xi32>
    %add3A_121 = vector.broadcast %mul3A_0 : i32 to vector<16xi32>
    %add3A_122 = arith.addi %get3A_120, %add3A_121 : vector<16xi32>
    %swap3A_123 = arith.constant 64 : index
    %swap3A_124 = tpu.vector_load %arg8[%swap3A_123] {strides = array<i32>} : memref<128xi32, #tpu.memory_space<vmem>>, vector<16xi32>,
    %swap3A_125 = vector.shape_cast %swap3A_124 : vector<16xi32> to vector<16xi32>
    %swap3A_126 = vector.shape_cast %add3A_122 : vector<16xi32> to vector<16xi32>
    tpu.vector_store %arg8[%swap3A_123], %swap3A_126 {strides = array<i32>} : memref<128xi32, #tpu.memory_space<vmem>>, vector<16xi32>,
    %get3A_127 = arith.constant 80 : index
    %get3A_128 = tpu.vector_load %arg8[%get3A_127] {strides = array<i32>} : memref<128xi32, #tpu.memory_space<vmem>>, vector<16xi32>,
    %get3A_129 = vector.shape_cast %get3A_128 : vector<16xi32> to vector<16xi32>
    %add3A_130 = vector.broadcast %mul3A_0 : i32 to vector<16xi32>
    %add3A_131 = arith.addi %get3A_129, %add3A_130 : vector<16xi32>
    %swap3A_132 = arith.constant 80 : index
    %swap3A_133 = tpu.vector_load %arg8[%swap3A_132] {strides = array<i32>} : memref<128xi32, #tpu.memory_space<vmem>>, vector<16xi32>,
    %swap3A_134 = vector.shape_cast %swap3A_133 : vector<16xi32> to vector<16xi32>
    %swap3A_135 = vector.shape_cast %add3A_131 : vector<16xi32> to vector<16xi32>
    tpu.vector_store %arg8[%swap3A_132], %swap3A_135 {strides = array<i32>} : memref<128xi32, #tpu.memory_space<vmem>>, vector<16xi32>,
    %get3A_136 = arith.constant 96 : index
    %get3A_137 = tpu.vector_load %arg8[%get3A_136] {strides = array<i32>} : memref<128xi32, #tpu.memory_space<vmem>>, vector<16xi32>,
    %get3A_138 = vector.shape_cast %get3A_137 : vector<16xi32> to vector<16xi32>
    %add3A_139 = vector.broadcast %mul3A_0 : i32 to vector<16xi32>
    %add3A_140 = arith.addi %get3A_138, %add3A_139 : vector<16xi32>
    %swap3A_141 = arith.constant 96 : index
    %swap3A_142 = tpu.vector_load %arg8[%swap3A_141] {strides = array<i32>} : memref<128xi32, #tpu.memory_space<vmem>>, vector<16xi32>,
    %swap3A_143 = vector.shape_cast %swap3A_142 : vector<16xi32> to vector<16xi32>
    %swap3A_144 = vector.shape_cast %add3A_140 : vector<16xi32> to vector<16xi32>
    tpu.vector_store %arg8[%swap3A_141], %swap3A_144 {strides = array<i32>} : memref<128xi32, #tpu.memory_space<vmem>>, vector<16xi32>,
    %get3A_145 = arith.constant 112 : index
    %get3A_146 = tpu.vector_load %arg8[%get3A_145] {strides = array<i32>} : memref<128xi32, #tpu.memory_space<vmem>>, vector<16xi32>,
    %get3A_147 = vector.shape_cast %get3A_146 : vector<16xi32> to vector<16xi32>
    %add3A_148 = vector.broadcast %mul3A_0 : i32 to vector<16xi32>
    %add3A_149 = arith.addi %get3A_147, %add3A_148 : vector<16xi32>
    %swap3A_150 = arith.constant 112 : index
    %swap3A_151 = tpu.vector_load %arg8[%swap3A_150] {strides = array<i32>} : memref<128xi32, #tpu.memory_space<vmem>>, vector<16xi32>,
    %swap3A_152 = vector.shape_cast %swap3A_151 : vector<16xi32> to vector<16xi32>
    %swap3A_153 = vector.shape_cast %add3A_149 : vector<16xi32> to vector<16xi32>
    tpu.vector_store %arg8[%swap3A_150], %swap3A_153 {strides = array<i32>} : memref<128xi32, #tpu.memory_space<vmem>>, vector<16xi32>,
    %dma_start3A_154 = arith.constant 0 : i32
    %dma_start3A_155 = arith.constant 0 : i32
    %dma_start3A_156 = tpu.memref_slice %arg2[%dma_start3A_154, %dma_start3A_155] : memref<20480x128xf32, #tpu.memory_space<hbm>> -> memref<20480x128xf32, #tpu.memory_space<hbm>>
    tpu.enqueue_indirect_dma source(%dma_start3A_156 : memref<20480x128xf32, #tpu.memory_space<hbm>>) target(%arg12 : memref<128x128xf32, #tpu.memory_space<vmem>>) offsets(%arg8 : memref<128xi32, #tpu.memory_space<vmem>>) semaphore(%arg18 : memref<!tpu.dma_semaphore, #tpu.memory_space<semaphore_mem>>)
    %scan3A = arith.constant 0 : i32
    %scan3A_157 = arith.constant 0 : i32
    %scan3A_158 = arith.constant 78 : i32
    %scan3A_159 = arith.addi %scan3A_157, %scan3A_158 : i32
    %scan3A_160 = arith.constant 1 : i32
    scf.for %scan3A_203 = %scan3A_157 to %scan3A_159 step %scan3A_160  : i32 {
      %mul3A_204 = arith.constant 2 : i32
      %mul3A_205 = arith.muli %scan3A_203, %mul3A_204 : i32
      %add3A_206 = arith.constant 0 : i32
      %add3A_207 = arith.addi %mul3A_205, %add3A_206 : i32
      %dma_wait3A_208 = arith.constant 0 : i32
      %dma_wait3A_209 = arith.constant 0 : i32
      %dma_wait3A_210 = tpu.memref_slice %arg2[%dma_wait3A_208, %dma_wait3A_209] : memref<20480x128xf32, #tpu.memory_space<hbm>> -> memref<20480x128xf32, #tpu.memory_space<hbm>>
      tpu.wait_indirect_dma semaphore(%arg17 : memref<!tpu.dma_semaphore, #tpu.memory_space<semaphore_mem>>) src(%dma_wait3A_210 : memref<20480x128xf32, #tpu.memory_space<hbm>>) dst(%arg11 : memref<128x128xf32, #tpu.memory_space<vmem>>)
      %dma_start3A_211 = arith.constant 0 : i32
      %dma_start3A_212 = arith.constant 0 : i32
      %dma_start3A_213 = tpu.memref_slice %arg16[%dma_start3A_211, %dma_start3A_212] : memref<10240x128xf32, #tpu.memory_space<vmem_shared>> -> memref<10240x128xf32, #tpu.memory_space<vmem_shared>>
      tpu.enqueue_indirect_dma source(%arg11 : memref<128x128xf32, #tpu.memory_space<vmem>>) target(%dma_start3A_213 : memref<10240x128xf32, #tpu.memory_space<vmem_shared>>) offsets(%arg9 : memref<128xi32, #tpu.memory_space<vmem>>) semaphore(%arg19 : memref<!tpu.dma_semaphore, #tpu.memory_space<semaphore_mem>>) {add = true}
      %lt3A = arith.constant 77 : i32
      %lt3A_214 = arith.cmpi slt, %scan3A_203, %lt3A : i32
      %convert_element_type3A = arith.extui %lt3A_214 : i1 to i32
      %cond3A = arith.constant 0 : i32
      %cond3A_215 = arith.cmpi ne, %convert_element_type3A, %cond3A : i32
      scf.if %cond3A_215 {
        %dma_wait3A_231 = arith.constant 0 : i32
        %dma_wait3A_232 = arith.constant 0 : i32
        %dma_wait3A_233 = tpu.memref_slice %arg16[%dma_wait3A_231, %dma_wait3A_232] : memref<10240x128xf32, #tpu.memory_space<vmem_shared>> -> memref<10240x128xf32, #tpu.memory_space<vmem_shared>>
        tpu.wait_indirect_dma semaphore(%arg19 : memref<!tpu.dma_semaphore, #tpu.memory_space<semaphore_mem>>) src(%arg11 : memref<128x128xf32, #tpu.memory_space<vmem>>) dst(%dma_wait3A_233 : memref<10240x128xf32, #tpu.memory_space<vmem_shared>>)
        %add3A_234 = arith.constant 2 : i32
        %add3A_235 = arith.addi %add3A_207, %add3A_234 : i32
        %mul3A_236 = arith.constant 20000 : i32
        %mul3A_237 = arith.muli %arg1, %mul3A_236 : i32
        %mul3A_238 = arith.constant 128 : i32
        %mul3A_239 = arith.muli %add3A_235, %mul3A_238 : i32
        %add3A_240 = arith.addi %mul3A_237, %mul3A_239 : i32
        "tpu.region"() ({
          %run_scoped3A = tpu.sem_alloc : memref<!tpu.dma_semaphore, #tpu.memory_space<semaphore_mem>>
          %dma_start3A_316 = tpu.memref_slice %arg3[%add3A_240] : memref<320000xi32, #tpu.memory_space<hbm>> -> memref<128xi32, #tpu.memory_space<hbm>>
          %dma_start3A_317 = tpu.memref_slice %arg3[%add3A_240] : memref<320000xi32, #tpu.memory_space<hbm>> -> memref<128xi32, #tpu.memory_space<hbm>>
          tpu.enqueue_dma source(%dma_start3A_317 : memref<128xi32, #tpu.memory_space<hbm>>) target(%arg7 : memref<128xi32, #tpu.memory_space<vmem>>) target_semaphore(%run_scoped3A : memref<!tpu.dma_semaphore, #tpu.memory_space<semaphore_mem>>)
          %dma_wait3A_318 = tpu.memref_slice %arg3[%add3A_240] : memref<320000xi32, #tpu.memory_space<hbm>> -> memref<128xi32, #tpu.memory_space<hbm>>
          %dma_wait3A_319 = tpu.memref_slice %arg3[%add3A_240] : memref<320000xi32, #tpu.memory_space<hbm>> -> memref<128xi32, #tpu.memory_space<hbm>>
          tpu.wait_dma2 semaphore(%run_scoped3A : memref<!tpu.dma_semaphore, #tpu.memory_space<semaphore_mem>>) src(%dma_wait3A_319 : memref<128xi32, #tpu.memory_space<hbm>>) dst(%arg7 : memref<128xi32, #tpu.memory_space<vmem>>)
          tpu.yield
        }) : () -> ()
        "tpu.region"() ({
          %run_scoped3A = tpu.sem_alloc : memref<!tpu.dma_semaphore, #tpu.memory_space<semaphore_mem>>
          %dma_start3A_316 = tpu.memref_slice %arg4[%add3A_240] : memref<320000xi32, #tpu.memory_space<hbm>> -> memref<128xi32, #tpu.memory_space<hbm>>
          %dma_start3A_317 = tpu.memref_slice %arg4[%add3A_240] : memref<320000xi32, #tpu.memory_space<hbm>> -> memref<128xi32, #tpu.memory_space<hbm>>
          tpu.enqueue_dma source(%dma_start3A_317 : memref<128xi32, #tpu.memory_space<hbm>>) target(%arg9 : memref<128xi32, #tpu.memory_space<vmem>>) target_semaphore(%run_scoped3A : memref<!tpu.dma_semaphore, #tpu.memory_space<semaphore_mem>>)
          %dma_wait3A_318 = tpu.memref_slice %arg4[%add3A_240] : memref<320000xi32, #tpu.memory_space<hbm>> -> memref<128xi32, #tpu.memory_space<hbm>>
          %dma_wait3A_319 = tpu.memref_slice %arg4[%add3A_240] : memref<320000xi32, #tpu.memory_space<hbm>> -> memref<128xi32, #tpu.memory_space<hbm>>
          tpu.wait_dma2 semaphore(%run_scoped3A : memref<!tpu.dma_semaphore, #tpu.memory_space<semaphore_mem>>) src(%dma_wait3A_319 : memref<128xi32, #tpu.memory_space<hbm>>) dst(%arg9 : memref<128xi32, #tpu.memory_space<vmem>>)
          tpu.yield
        }) : () -> ()
        %get3A_241 = arith.constant 0 : index
        %get3A_242 = tpu.vector_load %arg7[%get3A_241] {strides = array<i32>} : memref<128xi32, #tpu.memory_space<vmem>>, vector<16xi32>,
        %get3A_243 = vector.shape_cast %get3A_242 : vector<16xi32> to vector<16xi32>
        %add3A_244 = vector.broadcast %mul3A_0 : i32 to vector<16xi32>
        %add3A_245 = arith.addi %get3A_243, %add3A_244 : vector<16xi32>
        %swap3A_246 = arith.constant 0 : index
        %swap3A_247 = tpu.vector_load %arg7[%swap3A_246] {strides = array<i32>} : memref<128xi32, #tpu.memory_space<vmem>>, vector<16xi32>,
        %swap3A_248 = vector.shape_cast %swap3A_247 : vector<16xi32> to vector<16xi32>
        %swap3A_249 = vector.shape_cast %add3A_245 : vector<16xi32> to vector<16xi32>
        tpu.vector_store %arg7[%swap3A_246], %swap3A_249 {strides = array<i32>} : memref<128xi32, #tpu.memory_space<vmem>>, vector<16xi32>,
        %get3A_250 = arith.constant 16 : index
        %get3A_251 = tpu.vector_load %arg7[%get3A_250] {strides = array<i32>} : memref<128xi32, #tpu.memory_space<vmem>>, vector<16xi32>,
        %get3A_252 = vector.shape_cast %get3A_251 : vector<16xi32> to vector<16xi32>
        %add3A_253 = vector.broadcast %mul3A_0 : i32 to vector<16xi32>
        %add3A_254 = arith.addi %get3A_252, %add3A_253 : vector<16xi32>
        %swap3A_255 = arith.constant 16 : index
        %swap3A_256 = tpu.vector_load %arg7[%swap3A_255] {strides = array<i32>} : memref<128xi32, #tpu.memory_space<vmem>>, vector<16xi32>,
        %swap3A_257 = vector.shape_cast %swap3A_256 : vector<16xi32> to vector<16xi32>
        %swap3A_258 = vector.shape_cast %add3A_254 : vector<16xi32> to vector<16xi32>
        tpu.vector_store %arg7[%swap3A_255], %swap3A_258 {strides = array<i32>} : memref<128xi32, #tpu.memory_space<vmem>>, vector<16xi32>,
        %get3A_259 = arith.constant 32 : index
        %get3A_260 = tpu.vector_load %arg7[%get3A_259] {strides = array<i32>} : memref<128xi32, #tpu.memory_space<vmem>>, vector<16xi32>,
        %get3A_261 = vector.shape_cast %get3A_260 : vector<16xi32> to vector<16xi32>
        %add3A_262 = vector.broadcast %mul3A_0 : i32 to vector<16xi32>
        %add3A_263 = arith.addi %get3A_261, %add3A_262 : vector<16xi32>
        %swap3A_264 = arith.constant 32 : index
        %swap3A_265 = tpu.vector_load %arg7[%swap3A_264] {strides = array<i32>} : memref<128xi32, #tpu.memory_space<vmem>>, vector<16xi32>,
        %swap3A_266 = vector.shape_cast %swap3A_265 : vector<16xi32> to vector<16xi32>
        %swap3A_267 = vector.shape_cast %add3A_263 : vector<16xi32> to vector<16xi32>
        tpu.vector_store %arg7[%swap3A_264], %swap3A_267 {strides = array<i32>} : memref<128xi32, #tpu.memory_space<vmem>>, vector<16xi32>,
        %get3A_268 = arith.constant 48 : index
        %get3A_269 = tpu.vector_load %arg7[%get3A_268] {strides = array<i32>} : memref<128xi32, #tpu.memory_space<vmem>>, vector<16xi32>,
        %get3A_270 = vector.shape_cast %get3A_269 : vector<16xi32> to vector<16xi32>
        %add3A_271 = vector.broadcast %mul3A_0 : i32 to vector<16xi32>
        %add3A_272 = arith.addi %get3A_270, %add3A_271 : vector<16xi32>
        %swap3A_273 = arith.constant 48 : index
        %swap3A_274 = tpu.vector_load %arg7[%swap3A_273] {strides = array<i32>} : memref<128xi32, #tpu.memory_space<vmem>>, vector<16xi32>,
        %swap3A_275 = vector.shape_cast %swap3A_274 : vector<16xi32> to vector<16xi32>
        %swap3A_276 = vector.shape_cast %add3A_272 : vector<16xi32> to vector<16xi32>
        tpu.vector_store %arg7[%swap3A_273], %swap3A_276 {strides = array<i32>} : memref<128xi32, #tpu.memory_space<vmem>>, vector<16xi32>,
        %get3A_277 = arith.constant 64 : index
        %get3A_278 = tpu.vector_load %arg7[%get3A_277] {strides = array<i32>} : memref<128xi32, #tpu.memory_space<vmem>>, vector<16xi32>,
        %get3A_279 = vector.shape_cast %get3A_278 : vector<16xi32> to vector<16xi32>
        %add3A_280 = vector.broadcast %mul3A_0 : i32 to vector<16xi32>
        %add3A_281 = arith.addi %get3A_279, %add3A_280 : vector<16xi32>
        %swap3A_282 = arith.constant 64 : index
        %swap3A_283 = tpu.vector_load %arg7[%swap3A_282] {strides = array<i32>} : memref<128xi32, #tpu.memory_space<vmem>>, vector<16xi32>,
        %swap3A_284 = vector.shape_cast %swap3A_283 : vector<16xi32> to vector<16xi32>
        %swap3A_285 = vector.shape_cast %add3A_281 : vector<16xi32> to vector<16xi32>
        tpu.vector_store %arg7[%swap3A_282], %swap3A_285 {strides = array<i32>} : memref<128xi32, #tpu.memory_space<vmem>>, vector<16xi32>,
        %get3A_286 = arith.constant 80 : index
        %get3A_287 = tpu.vector_load %arg7[%get3A_286] {strides = array<i32>} : memref<128xi32, #tpu.memory_space<vmem>>, vector<16xi32>,
        %get3A_288 = vector.shape_cast %get3A_287 : vector<16xi32> to vector<16xi32>
        %add3A_289 = vector.broadcast %mul3A_0 : i32 to vector<16xi32>
        %add3A_290 = arith.addi %get3A_288, %add3A_289 : vector<16xi32>
        %swap3A_291 = arith.constant 80 : index
        %swap3A_292 = tpu.vector_load %arg7[%swap3A_291] {strides = array<i32>} : memref<128xi32, #tpu.memory_space<vmem>>, vector<16xi32>,
        %swap3A_293 = vector.shape_cast %swap3A_292 : vector<16xi32> to vector<16xi32>
        %swap3A_294 = vector.shape_cast %add3A_290 : vector<16xi32> to vector<16xi32>
        tpu.vector_store %arg7[%swap3A_291], %swap3A_294 {strides = array<i32>} : memref<128xi32, #tpu.memory_space<vmem>>, vector<16xi32>,
        %get3A_295 = arith.constant 96 : index
        %get3A_296 = tpu.vector_load %arg7[%get3A_295] {strides = array<i32>} : memref<128xi32, #tpu.memory_space<vmem>>, vector<16xi32>,
        %get3A_297 = vector.shape_cast %get3A_296 : vector<16xi32> to vector<16xi32>
        %add3A_298 = vector.broadcast %mul3A_0 : i32 to vector<16xi32>
        %add3A_299 = arith.addi %get3A_297, %add3A_298 : vector<16xi32>
        %swap3A_300 = arith.constant 96 : index
        %swap3A_301 = tpu.vector_load %arg7[%swap3A_300] {strides = array<i32>} : memref<128xi32, #tpu.memory_space<vmem>>, vector<16xi32>,
        %swap3A_302 = vector.shape_cast %swap3A_301 : vector<16xi32> to vector<16xi32>
        %swap3A_303 = vector.shape_cast %add3A_299 : vector<16xi32> to vector<16xi32>
        tpu.vector_store %arg7[%swap3A_300], %swap3A_303 {strides = array<i32>} : memref<128xi32, #tpu.memory_space<vmem>>, vector<16xi32>,
        %get3A_304 = arith.constant 112 : index
        %get3A_305 = tpu.vector_load %arg7[%get3A_304] {strides = array<i32>} : memref<128xi32, #tpu.memory_space<vmem>>, vector<16xi32>,
        %get3A_306 = vector.shape_cast %get3A_305 : vector<16xi32> to vector<16xi32>
        %add3A_307 = vector.broadcast %mul3A_0 : i32 to vector<16xi32>
        %add3A_308 = arith.addi %get3A_306, %add3A_307 : vector<16xi32>
        %swap3A_309 = arith.constant 112 : index
        %swap3A_310 = tpu.vector_load %arg7[%swap3A_309] {strides = array<i32>} : memref<128xi32, #tpu.memory_space<vmem>>, vector<16xi32>,
        %swap3A_311 = vector.shape_cast %swap3A_310 : vector<16xi32> to vector<16xi32>
        %swap3A_312 = vector.shape_cast %add3A_308 : vector<16xi32> to vector<16xi32>
        tpu.vector_store %arg7[%swap3A_309], %swap3A_312 {strides = array<i32>} : memref<128xi32, #tpu.memory_space<vmem>>, vector<16xi32>,
        %dma_start3A_313 = arith.constant 0 : i32
        %dma_start3A_314 = arith.constant 0 : i32
        %dma_start3A_315 = tpu.memref_slice %arg2[%dma_start3A_313, %dma_start3A_314] : memref<20480x128xf32, #tpu.memory_space<hbm>> -> memref<20480x128xf32, #tpu.memory_space<hbm>>
        tpu.enqueue_indirect_dma source(%dma_start3A_315 : memref<20480x128xf32, #tpu.memory_space<hbm>>) target(%arg11 : memref<128x128xf32, #tpu.memory_space<vmem>>) offsets(%arg7 : memref<128xi32, #tpu.memory_space<vmem>>) semaphore(%arg17 : memref<!tpu.dma_semaphore, #tpu.memory_space<semaphore_mem>>)
      } else {
      }
      %mul3A_216 = arith.constant 2 : i32
      %mul3A_217 = arith.muli %scan3A_203, %mul3A_216 : i32
      %add3A_218 = arith.constant 1 : i32
      %add3A_219 = arith.addi %mul3A_217, %add3A_218 : i32
      %dma_wait3A_220 = arith.constant 0 : i32
      %dma_wait3A_221 = arith.constant 0 : i32
      %dma_wait3A_222 = tpu.memref_slice %arg2[%dma_wait3A_220, %dma_wait3A_221] : memref<20480x128xf32, #tpu.memory_space<hbm>> -> memref<20480x128xf32, #tpu.memory_space<hbm>>
      tpu.wait_indirect_dma semaphore(%arg18 : memref<!tpu.dma_semaphore, #tpu.memory_space<semaphore_mem>>) src(%dma_wait3A_222 : memref<20480x128xf32, #tpu.memory_space<hbm>>) dst(%arg12 : memref<128x128xf32, #tpu.memory_space<vmem>>)
      %dma_start3A_223 = arith.constant 0 : i32
      %dma_start3A_224 = arith.constant 0 : i32
      %dma_start3A_225 = tpu.memref_slice %arg16[%dma_start3A_223, %dma_start3A_224] : memref<10240x128xf32, #tpu.memory_space<vmem_shared>> -> memref<10240x128xf32, #tpu.memory_space<vmem_shared>>
      tpu.enqueue_indirect_dma source(%arg12 : memref<128x128xf32, #tpu.memory_space<vmem>>) target(%dma_start3A_225 : memref<10240x128xf32, #tpu.memory_space<vmem_shared>>) offsets(%arg10 : memref<128xi32, #tpu.memory_space<vmem>>) semaphore(%arg20 : memref<!tpu.dma_semaphore, #tpu.memory_space<semaphore_mem>>) {add = true}
      %lt3A_226 = arith.constant 77 : i32
      %lt3A_227 = arith.cmpi slt, %scan3A_203, %lt3A_226 : i32
      %convert_element_type3A_228 = arith.extui %lt3A_227 : i1 to i32
      %cond3A_229 = arith.constant 0 : i32
      %cond3A_230 = arith.cmpi ne, %convert_element_type3A_228, %cond3A_229 : i32
      scf.if %cond3A_230 {
        %dma_wait3A_231 = arith.constant 0 : i32
        %dma_wait3A_232 = arith.constant 0 : i32
        %dma_wait3A_233 = tpu.memref_slice %arg16[%dma_wait3A_231, %dma_wait3A_232] : memref<10240x128xf32, #tpu.memory_space<vmem_shared>> -> memref<10240x128xf32, #tpu.memory_space<vmem_shared>>
        tpu.wait_indirect_dma semaphore(%arg20 : memref<!tpu.dma_semaphore, #tpu.memory_space<semaphore_mem>>) src(%arg12 : memref<128x128xf32, #tpu.memory_space<vmem>>) dst(%dma_wait3A_233 : memref<10240x128xf32, #tpu.memory_space<vmem_shared>>)
        %add3A_234 = arith.constant 2 : i32
        %add3A_235 = arith.addi %add3A_219, %add3A_234 : i32
        %mul3A_236 = arith.constant 20000 : i32
        %mul3A_237 = arith.muli %arg1, %mul3A_236 : i32
        %mul3A_238 = arith.constant 128 : i32
        %mul3A_239 = arith.muli %add3A_235, %mul3A_238 : i32
        %add3A_240 = arith.addi %mul3A_237, %mul3A_239 : i32
        "tpu.region"() ({
          %run_scoped3A = tpu.sem_alloc : memref<!tpu.dma_semaphore, #tpu.memory_space<semaphore_mem>>
          %dma_start3A_316 = tpu.memref_slice %arg3[%add3A_240] : memref<320000xi32, #tpu.memory_space<hbm>> -> memref<128xi32, #tpu.memory_space<hbm>>
          %dma_start3A_317 = tpu.memref_slice %arg3[%add3A_240] : memref<320000xi32, #tpu.memory_space<hbm>> -> memref<128xi32, #tpu.memory_space<hbm>>
          tpu.enqueue_dma source(%dma_start3A_317 : memref<128xi32, #tpu.memory_space<hbm>>) target(%arg8 : memref<128xi32, #tpu.memory_space<vmem>>) target_semaphore(%run_scoped3A : memref<!tpu.dma_semaphore, #tpu.memory_space<semaphore_mem>>)
          %dma_wait3A_318 = tpu.memref_slice %arg3[%add3A_240] : memref<320000xi32, #tpu.memory_space<hbm>> -> memref<128xi32, #tpu.memory_space<hbm>>
          %dma_wait3A_319 = tpu.memref_slice %arg3[%add3A_240] : memref<320000xi32, #tpu.memory_space<hbm>> -> memref<128xi32, #tpu.memory_space<hbm>>
          tpu.wait_dma2 semaphore(%run_scoped3A : memref<!tpu.dma_semaphore, #tpu.memory_space<semaphore_mem>>) src(%dma_wait3A_319 : memref<128xi32, #tpu.memory_space<hbm>>) dst(%arg8 : memref<128xi32, #tpu.memory_space<vmem>>)
          tpu.yield
        }) : () -> ()
        "tpu.region"() ({
          %run_scoped3A = tpu.sem_alloc : memref<!tpu.dma_semaphore, #tpu.memory_space<semaphore_mem>>
          %dma_start3A_316 = tpu.memref_slice %arg4[%add3A_240] : memref<320000xi32, #tpu.memory_space<hbm>> -> memref<128xi32, #tpu.memory_space<hbm>>
          %dma_start3A_317 = tpu.memref_slice %arg4[%add3A_240] : memref<320000xi32, #tpu.memory_space<hbm>> -> memref<128xi32, #tpu.memory_space<hbm>>
          tpu.enqueue_dma source(%dma_start3A_317 : memref<128xi32, #tpu.memory_space<hbm>>) target(%arg10 : memref<128xi32, #tpu.memory_space<vmem>>) target_semaphore(%run_scoped3A : memref<!tpu.dma_semaphore, #tpu.memory_space<semaphore_mem>>)
          %dma_wait3A_318 = tpu.memref_slice %arg4[%add3A_240] : memref<320000xi32, #tpu.memory_space<hbm>> -> memref<128xi32, #tpu.memory_space<hbm>>
          %dma_wait3A_319 = tpu.memref_slice %arg4[%add3A_240] : memref<320000xi32, #tpu.memory_space<hbm>> -> memref<128xi32, #tpu.memory_space<hbm>>
          tpu.wait_dma2 semaphore(%run_scoped3A : memref<!tpu.dma_semaphore, #tpu.memory_space<semaphore_mem>>) src(%dma_wait3A_319 : memref<128xi32, #tpu.memory_space<hbm>>) dst(%arg10 : memref<128xi32, #tpu.memory_space<vmem>>)
          tpu.yield
        }) : () -> ()
        %get3A_241 = arith.constant 0 : index
        %get3A_242 = tpu.vector_load %arg8[%get3A_241] {strides = array<i32>} : memref<128xi32, #tpu.memory_space<vmem>>, vector<16xi32>,
        %get3A_243 = vector.shape_cast %get3A_242 : vector<16xi32> to vector<16xi32>
        %add3A_244 = vector.broadcast %mul3A_0 : i32 to vector<16xi32>
        %add3A_245 = arith.addi %get3A_243, %add3A_244 : vector<16xi32>
        %swap3A_246 = arith.constant 0 : index
        %swap3A_247 = tpu.vector_load %arg8[%swap3A_246] {strides = array<i32>} : memref<128xi32, #tpu.memory_space<vmem>>, vector<16xi32>,
        %swap3A_248 = vector.shape_cast %swap3A_247 : vector<16xi32> to vector<16xi32>
        %swap3A_249 = vector.shape_cast %add3A_245 : vector<16xi32> to vector<16xi32>
        tpu.vector_store %arg8[%swap3A_246], %swap3A_249 {strides = array<i32>} : memref<128xi32, #tpu.memory_space<vmem>>, vector<16xi32>,
        %get3A_250 = arith.constant 16 : index
        %get3A_251 = tpu.vector_load %arg8[%get3A_250] {strides = array<i32>} : memref<128xi32, #tpu.memory_space<vmem>>, vector<16xi32>,
        %get3A_252 = vector.shape_cast %get3A_251 : vector<16xi32> to vector<16xi32>
        %add3A_253 = vector.broadcast %mul3A_0 : i32 to vector<16xi32>
        %add3A_254 = arith.addi %get3A_252, %add3A_253 : vector<16xi32>
        %swap3A_255 = arith.constant 16 : index
        %swap3A_256 = tpu.vector_load %arg8[%swap3A_255] {strides = array<i32>} : memref<128xi32, #tpu.memory_space<vmem>>, vector<16xi32>,
        %swap3A_257 = vector.shape_cast %swap3A_256 : vector<16xi32> to vector<16xi32>
        %swap3A_258 = vector.shape_cast %add3A_254 : vector<16xi32> to vector<16xi32>
        tpu.vector_store %arg8[%swap3A_255], %swap3A_258 {strides = array<i32>} : memref<128xi32, #tpu.memory_space<vmem>>, vector<16xi32>,
        %get3A_259 = arith.constant 32 : index
        %get3A_260 = tpu.vector_load %arg8[%get3A_259] {strides = array<i32>} : memref<128xi32, #tpu.memory_space<vmem>>, vector<16xi32>,
        %get3A_261 = vector.shape_cast %get3A_260 : vector<16xi32> to vector<16xi32>
        %add3A_262 = vector.broadcast %mul3A_0 : i32 to vector<16xi32>
        %add3A_263 = arith.addi %get3A_261, %add3A_262 : vector<16xi32>
        %swap3A_264 = arith.constant 32 : index
        %swap3A_265 = tpu.vector_load %arg8[%swap3A_264] {strides = array<i32>} : memref<128xi32, #tpu.memory_space<vmem>>, vector<16xi32>,
        %swap3A_266 = vector.shape_cast %swap3A_265 : vector<16xi32> to vector<16xi32>
        %swap3A_267 = vector.shape_cast %add3A_263 : vector<16xi32> to vector<16xi32>
        tpu.vector_store %arg8[%swap3A_264], %swap3A_267 {strides = array<i32>} : memref<128xi32, #tpu.memory_space<vmem>>, vector<16xi32>,
        %get3A_268 = arith.constant 48 : index
        %get3A_269 = tpu.vector_load %arg8[%get3A_268] {strides = array<i32>} : memref<128xi32, #tpu.memory_space<vmem>>, vector<16xi32>,
        %get3A_270 = vector.shape_cast %get3A_269 : vector<16xi32> to vector<16xi32>
        %add3A_271 = vector.broadcast %mul3A_0 : i32 to vector<16xi32>
        %add3A_272 = arith.addi %get3A_270, %add3A_271 : vector<16xi32>
        %swap3A_273 = arith.constant 48 : index
        %swap3A_274 = tpu.vector_load %arg8[%swap3A_273] {strides = array<i32>} : memref<128xi32, #tpu.memory_space<vmem>>, vector<16xi32>,
        %swap3A_275 = vector.shape_cast %swap3A_274 : vector<16xi32> to vector<16xi32>
        %swap3A_276 = vector.shape_cast %add3A_272 : vector<16xi32> to vector<16xi32>
        tpu.vector_store %arg8[%swap3A_273], %swap3A_276 {strides = array<i32>} : memref<128xi32, #tpu.memory_space<vmem>>, vector<16xi32>,
        %get3A_277 = arith.constant 64 : index
        %get3A_278 = tpu.vector_load %arg8[%get3A_277] {strides = array<i32>} : memref<128xi32, #tpu.memory_space<vmem>>, vector<16xi32>,
        %get3A_279 = vector.shape_cast %get3A_278 : vector<16xi32> to vector<16xi32>
        %add3A_280 = vector.broadcast %mul3A_0 : i32 to vector<16xi32>
        %add3A_281 = arith.addi %get3A_279, %add3A_280 : vector<16xi32>
        %swap3A_282 = arith.constant 64 : index
        %swap3A_283 = tpu.vector_load %arg8[%swap3A_282] {strides = array<i32>} : memref<128xi32, #tpu.memory_space<vmem>>, vector<16xi32>,
        %swap3A_284 = vector.shape_cast %swap3A_283 : vector<16xi32> to vector<16xi32>
        %swap3A_285 = vector.shape_cast %add3A_281 : vector<16xi32> to vector<16xi32>
        tpu.vector_store %arg8[%swap3A_282], %swap3A_285 {strides = array<i32>} : memref<128xi32, #tpu.memory_space<vmem>>, vector<16xi32>,
        %get3A_286 = arith.constant 80 : index
        %get3A_287 = tpu.vector_load %arg8[%get3A_286] {strides = array<i32>} : memref<128xi32, #tpu.memory_space<vmem>>, vector<16xi32>,
        %get3A_288 = vector.shape_cast %get3A_287 : vector<16xi32> to vector<16xi32>
        %add3A_289 = vector.broadcast %mul3A_0 : i32 to vector<16xi32>
        %add3A_290 = arith.addi %get3A_288, %add3A_289 : vector<16xi32>
        %swap3A_291 = arith.constant 80 : index
        %swap3A_292 = tpu.vector_load %arg8[%swap3A_291] {strides = array<i32>} : memref<128xi32, #tpu.memory_space<vmem>>, vector<16xi32>,
        %swap3A_293 = vector.shape_cast %swap3A_292 : vector<16xi32> to vector<16xi32>
        %swap3A_294 = vector.shape_cast %add3A_290 : vector<16xi32> to vector<16xi32>
        tpu.vector_store %arg8[%swap3A_291], %swap3A_294 {strides = array<i32>} : memref<128xi32, #tpu.memory_space<vmem>>, vector<16xi32>,
        %get3A_295 = arith.constant 96 : index
        %get3A_296 = tpu.vector_load %arg8[%get3A_295] {strides = array<i32>} : memref<128xi32, #tpu.memory_space<vmem>>, vector<16xi32>,
        %get3A_297 = vector.shape_cast %get3A_296 : vector<16xi32> to vector<16xi32>
        %add3A_298 = vector.broadcast %mul3A_0 : i32 to vector<16xi32>
        %add3A_299 = arith.addi %get3A_297, %add3A_298 : vector<16xi32>
        %swap3A_300 = arith.constant 96 : index
        %swap3A_301 = tpu.vector_load %arg8[%swap3A_300] {strides = array<i32>} : memref<128xi32, #tpu.memory_space<vmem>>, vector<16xi32>,
        %swap3A_302 = vector.shape_cast %swap3A_301 : vector<16xi32> to vector<16xi32>
        %swap3A_303 = vector.shape_cast %add3A_299 : vector<16xi32> to vector<16xi32>
        tpu.vector_store %arg8[%swap3A_300], %swap3A_303 {strides = array<i32>} : memref<128xi32, #tpu.memory_space<vmem>>, vector<16xi32>,
        %get3A_304 = arith.constant 112 : index
        %get3A_305 = tpu.vector_load %arg8[%get3A_304] {strides = array<i32>} : memref<128xi32, #tpu.memory_space<vmem>>, vector<16xi32>,
        %get3A_306 = vector.shape_cast %get3A_305 : vector<16xi32> to vector<16xi32>
        %add3A_307 = vector.broadcast %mul3A_0 : i32 to vector<16xi32>
        %add3A_308 = arith.addi %get3A_306, %add3A_307 : vector<16xi32>
        %swap3A_309 = arith.constant 112 : index
        %swap3A_310 = tpu.vector_load %arg8[%swap3A_309] {strides = array<i32>} : memref<128xi32, #tpu.memory_space<vmem>>, vector<16xi32>,
        %swap3A_311 = vector.shape_cast %swap3A_310 : vector<16xi32> to vector<16xi32>
        %swap3A_312 = vector.shape_cast %add3A_308 : vector<16xi32> to vector<16xi32>
        tpu.vector_store %arg8[%swap3A_309], %swap3A_312 {strides = array<i32>} : memref<128xi32, #tpu.memory_space<vmem>>, vector<16xi32>,
        %dma_start3A_313 = arith.constant 0 : i32
        %dma_start3A_314 = arith.constant 0 : i32
        %dma_start3A_315 = tpu.memref_slice %arg2[%dma_start3A_313, %dma_start3A_314] : memref<20480x128xf32, #tpu.memory_space<hbm>> -> memref<20480x128xf32, #tpu.memory_space<hbm>>
        tpu.enqueue_indirect_dma source(%dma_start3A_315 : memref<20480x128xf32, #tpu.memory_space<hbm>>) target(%arg12 : memref<128x128xf32, #tpu.memory_space<vmem>>) offsets(%arg8 : memref<128xi32, #tpu.memory_space<vmem>>) semaphore(%arg18 : memref<!tpu.dma_semaphore, #tpu.memory_space<semaphore_mem>>)
      } else {
      }
    }
    %scan3A_161 = arith.constant 78 : i32
    %mul3A_162 = arith.constant 20000 : i32
    %mul3A_163 = arith.muli %arg1, %mul3A_162 : i32
    %add3A_164 = arith.constant 19968 : i32
    %add3A_165 = arith.addi %mul3A_163, %add3A_164 : i32
    "tpu.region"() ({
      %run_scoped3A = tpu.sem_alloc : memref<!tpu.dma_semaphore, #tpu.memory_space<semaphore_mem>>
      %dma_start3A_203 = tpu.memref_slice %arg3[%add3A_165] : memref<320000xi32, #tpu.memory_space<hbm>> -> memref<32xi32, #tpu.memory_space<hbm>>
      %dma_start3A_204 = tpu.memref_slice %arg3[%add3A_165] : memref<320000xi32, #tpu.memory_space<hbm>> -> memref<32xi32, #tpu.memory_space<hbm>>
      tpu.enqueue_dma source(%dma_start3A_204 : memref<32xi32, #tpu.memory_space<hbm>>) target(%arg13 : memref<32xi32, #tpu.memory_space<vmem>>) target_semaphore(%run_scoped3A : memref<!tpu.dma_semaphore, #tpu.memory_space<semaphore_mem>>)
      %dma_wait3A_205 = tpu.memref_slice %arg3[%add3A_165] : memref<320000xi32, #tpu.memory_space<hbm>> -> memref<32xi32, #tpu.memory_space<hbm>>
      %dma_wait3A_206 = tpu.memref_slice %arg3[%add3A_165] : memref<320000xi32, #tpu.memory_space<hbm>> -> memref<32xi32, #tpu.memory_space<hbm>>
      tpu.wait_dma2 semaphore(%run_scoped3A : memref<!tpu.dma_semaphore, #tpu.memory_space<semaphore_mem>>) src(%dma_wait3A_206 : memref<32xi32, #tpu.memory_space<hbm>>) dst(%arg13 : memref<32xi32, #tpu.memory_space<vmem>>)
      tpu.yield
    }) : () -> ()
    "tpu.region"() ({
      %run_scoped3A = tpu.sem_alloc : memref<!tpu.dma_semaphore, #tpu.memory_space<semaphore_mem>>
      %dma_start3A_203 = tpu.memref_slice %arg4[%add3A_165] : memref<320000xi32, #tpu.memory_space<hbm>> -> memref<32xi32, #tpu.memory_space<hbm>>
      %dma_start3A_204 = tpu.memref_slice %arg4[%add3A_165] : memref<320000xi32, #tpu.memory_space<hbm>> -> memref<32xi32, #tpu.memory_space<hbm>>
      tpu.enqueue_dma source(%dma_start3A_204 : memref<32xi32, #tpu.memory_space<hbm>>) target(%arg14 : memref<32xi32, #tpu.memory_space<vmem>>) target_semaphore(%run_scoped3A : memref<!tpu.dma_semaphore, #tpu.memory_space<semaphore_mem>>)
      %dma_wait3A_205 = tpu.memref_slice %arg4[%add3A_165] : memref<320000xi32, #tpu.memory_space<hbm>> -> memref<32xi32, #tpu.memory_space<hbm>>
      %dma_wait3A_206 = tpu.memref_slice %arg4[%add3A_165] : memref<320000xi32, #tpu.memory_space<hbm>> -> memref<32xi32, #tpu.memory_space<hbm>>
      tpu.wait_dma2 semaphore(%run_scoped3A : memref<!tpu.dma_semaphore, #tpu.memory_space<semaphore_mem>>) src(%dma_wait3A_206 : memref<32xi32, #tpu.memory_space<hbm>>) dst(%arg14 : memref<32xi32, #tpu.memory_space<vmem>>)
      tpu.yield
    }) : () -> ()
    %get3A_166 = arith.constant 0 : index
    %get3A_167 = tpu.vector_load %arg13[%get3A_166] {strides = array<i32>} : memref<32xi32, #tpu.memory_space<vmem>>, vector<16xi32>,
    %get3A_168 = vector.shape_cast %get3A_167 : vector<16xi32> to vector<16xi32>
    %add3A_169 = vector.broadcast %mul3A_0 : i32 to vector<16xi32>
    %add3A_170 = arith.addi %get3A_168, %add3A_169 : vector<16xi32>
    %swap3A_171 = arith.constant 0 : index
    %swap3A_172 = tpu.vector_load %arg13[%swap3A_171] {strides = array<i32>} : memref<32xi32, #tpu.memory_space<vmem>>, vector<16xi32>,
    %swap3A_173 = vector.shape_cast %swap3A_172 : vector<16xi32> to vector<16xi32>
    %swap3A_174 = vector.shape_cast %add3A_170 : vector<16xi32> to vector<16xi32>
    tpu.vector_store %arg13[%swap3A_171], %swap3A_174 {strides = array<i32>} : memref<32xi32, #tpu.memory_space<vmem>>, vector<16xi32>,
    %get3A_175 = arith.constant 16 : index
    %get3A_176 = tpu.vector_load %arg13[%get3A_175] {strides = array<i32>} : memref<32xi32, #tpu.memory_space<vmem>>, vector<16xi32>,
    %get3A_177 = vector.shape_cast %get3A_176 : vector<16xi32> to vector<16xi32>
    %add3A_178 = vector.broadcast %mul3A_0 : i32 to vector<16xi32>
    %add3A_179 = arith.addi %get3A_177, %add3A_178 : vector<16xi32>
    %swap3A_180 = arith.constant 16 : index
    %swap3A_181 = tpu.vector_load %arg13[%swap3A_180] {strides = array<i32>} : memref<32xi32, #tpu.memory_space<vmem>>, vector<16xi32>,
    %swap3A_182 = vector.shape_cast %swap3A_181 : vector<16xi32> to vector<16xi32>
    %swap3A_183 = vector.shape_cast %add3A_179 : vector<16xi32> to vector<16xi32>
    tpu.vector_store %arg13[%swap3A_180], %swap3A_183 {strides = array<i32>} : memref<32xi32, #tpu.memory_space<vmem>>, vector<16xi32>,
    %dma_start3A_184 = arith.constant 0 : i32
    %dma_start3A_185 = arith.constant 0 : i32
    %dma_start3A_186 = tpu.memref_slice %arg2[%dma_start3A_184, %dma_start3A_185] : memref<20480x128xf32, #tpu.memory_space<hbm>> -> memref<20480x128xf32, #tpu.memory_space<hbm>>
    tpu.enqueue_indirect_dma source(%dma_start3A_186 : memref<20480x128xf32, #tpu.memory_space<hbm>>) target(%arg15 : memref<32x128xf32, #tpu.memory_space<vmem>>) offsets(%arg13 : memref<32xi32, #tpu.memory_space<vmem>>) semaphore(%arg17 : memref<!tpu.dma_semaphore, #tpu.memory_space<semaphore_mem>>)
    %dma_wait3A = arith.constant 0 : i32
    %dma_wait3A_187 = arith.constant 0 : i32
    %dma_wait3A_188 = tpu.memref_slice %arg2[%dma_wait3A, %dma_wait3A_187] : memref<20480x128xf32, #tpu.memory_space<hbm>> -> memref<20480x128xf32, #tpu.memory_space<hbm>>
    tpu.wait_indirect_dma semaphore(%arg17 : memref<!tpu.dma_semaphore, #tpu.memory_space<semaphore_mem>>) src(%dma_wait3A_188 : memref<20480x128xf32, #tpu.memory_space<hbm>>) dst(%arg15 : memref<32x128xf32, #tpu.memory_space<vmem>>)
    "tpu.region"() ({
      %run_scoped3A = tpu.sem_alloc : memref<!tpu.dma_semaphore, #tpu.memory_space<semaphore_mem>>
      %dma_start3A_203 = arith.constant 0 : i32
      %dma_start3A_204 = arith.constant 0 : i32
      %dma_start3A_205 = tpu.memref_slice %arg16[%dma_start3A_203, %dma_start3A_204] : memref<10240x128xf32, #tpu.memory_space<vmem_shared>> -> memref<10240x128xf32, #tpu.memory_space<vmem_shared>>
      tpu.enqueue_indirect_dma source(%arg15 : memref<32x128xf32, #tpu.memory_space<vmem>>) target(%dma_start3A_205 : memref<10240x128xf32, #tpu.memory_space<vmem_shared>>) offsets(%arg14 : memref<32xi32, #tpu.memory_space<vmem>>) semaphore(%run_scoped3A : memref<!tpu.dma_semaphore, #tpu.memory_space<semaphore_mem>>) {add = true}
      %dma_wait3A_206 = arith.constant 0 : i32
      %dma_wait3A_207 = arith.constant 0 : i32
      %dma_wait3A_208 = tpu.memref_slice %arg16[%dma_wait3A_206, %dma_wait3A_207] : memref<10240x128xf32, #tpu.memory_space<vmem_shared>> -> memref<10240x128xf32, #tpu.memory_space<vmem_shared>>
      tpu.wait_indirect_dma semaphore(%run_scoped3A : memref<!tpu.dma_semaphore, #tpu.memory_space<semaphore_mem>>) src(%arg15 : memref<32x128xf32, #tpu.memory_space<vmem>>) dst(%dma_wait3A_208 : memref<10240x128xf32, #tpu.memory_space<vmem_shared>>)
      tpu.yield
    }) : () -> ()
    %dma_wait3A_189 = arith.constant 0 : i32
    %dma_wait3A_190 = arith.constant 0 : i32
    %dma_wait3A_191 = tpu.memref_slice %arg16[%dma_wait3A_189, %dma_wait3A_190] : memref<10240x128xf32, #tpu.memory_space<vmem_shared>> -> memref<10240x128xf32, #tpu.memory_space<vmem_shared>>
    tpu.wait_indirect_dma semaphore(%arg19 : memref<!tpu.dma_semaphore, #tpu.memory_space<semaphore_mem>>) src(%arg11 : memref<128x128xf32, #tpu.memory_space<vmem>>) dst(%dma_wait3A_191 : memref<10240x128xf32, #tpu.memory_space<vmem_shared>>)
    %dma_wait3A_192 = arith.constant 0 : i32
    %dma_wait3A_193 = arith.constant 0 : i32
    %dma_wait3A_194 = tpu.memref_slice %arg16[%dma_wait3A_192, %dma_wait3A_193] : memref<10240x128xf32, #tpu.memory_space<vmem_shared>> -> memref<10240x128xf32, #tpu.memory_space<vmem_shared>>
    tpu.wait_indirect_dma semaphore(%arg20 : memref<!tpu.dma_semaphore, #tpu.memory_space<semaphore_mem>>) src(%arg12 : memref<128x128xf32, #tpu.memory_space<vmem>>) dst(%dma_wait3A_194 : memref<10240x128xf32, #tpu.memory_space<vmem_shared>>)
    %barrier3A_195 = arith.constant 0 : index
    tpu.barrier barrier_id(%barrier3A_195)
    %mul3A_196 = arith.constant 640 : i32
    %mul3A_197 = arith.muli %arg1, %mul3A_196 : i32
    %mul3A_198 = arith.constant 10240 : i32
    %mul3A_199 = arith.muli %arg0, %mul3A_198 : i32
    %mul3A_200 = arith.constant 640 : i32
    %mul3A_201 = arith.muli %arg1, %mul3A_200 : i32
    %add3A_202 = arith.addi %mul3A_199, %mul3A_201 : i32
    "tpu.region"() ({
      %run_scoped3A = tpu.sem_alloc : memref<!tpu.dma_semaphore, #tpu.memory_space<semaphore_mem>>
      %dma_start3A_203 = arith.constant 0 : i32
      %dma_start3A_204 = tpu.memref_slice %arg6[%add3A_202, %dma_start3A_203] : memref<20480x128xf32, #tpu.memory_space<hbm>> -> memref<640x128xf32, #tpu.memory_space<hbm>>
      %dma_start3A_205 = arith.constant 0 : i32
      %dma_start3A_206 = tpu.memref_slice %arg16[%mul3A_197, %dma_start3A_205] : memref<10240x128xf32, #tpu.memory_space<vmem_shared>> -> memref<640x128xf32, #tpu.memory_space<vmem_shared>>
      tpu.enqueue_dma source(%dma_start3A_206 : memref<640x128xf32, #tpu.memory_space<vmem_shared>>) target(%dma_start3A_204 : memref<640x128xf32, #tpu.memory_space<hbm>>) target_semaphore(%run_scoped3A : memref<!tpu.dma_semaphore, #tpu.memory_space<semaphore_mem>>)
      %dma_wait3A_207 = arith.constant 0 : i32
      %dma_wait3A_208 = tpu.memref_slice %arg6[%add3A_202, %dma_wait3A_207] : memref<20480x128xf32, #tpu.memory_space<hbm>> -> memref<640x128xf32, #tpu.memory_space<hbm>>
      %dma_wait3A_209 = arith.constant 0 : i32
      %dma_wait3A_210 = tpu.memref_slice %arg16[%mul3A_197, %dma_wait3A_209] : memref<10240x128xf32, #tpu.memory_space<vmem_shared>> -> memref<640x128xf32, #tpu.memory_space<vmem_shared>>
      tpu.wait_dma2 semaphore(%run_scoped3A : memref<!tpu.dma_semaphore, #tpu.memory_space<semaphore_mem>>) src(%dma_wait3A_210 : memref<640x128xf32, #tpu.memory_space<vmem_shared>>) dst(%dma_wait3A_208 : memref<640x128xf32, #tpu.memory_space<hbm>>)
      tpu.yield
    }) : () -> ()
    return
  }
}

#map = affine_map<(d0, d1) -> (0, 0)>
#map1 = affine_map<(d0, d1) -> (0)>
module attributes {stable_mosaic.version = 14 : i64} {
  func.func @_agg_col(%arg0: i32, %arg1: i32, %arg2: memref<20480x128xf32, #tpu.memory_space<hbm>>, %arg3: memref<320000xi32, #tpu.memory_space<hbm>>, %arg4: memref<320000xi32, #tpu.memory_space<hbm>>, %arg5: memref<640x128xf32, #tpu.memory_space<hbm>>, %arg6: memref<20480x128xf32, #tpu.memory_space<hbm>>, %arg7: memref<128xi32, #tpu.memory_space<vmem>>, %arg8: memref<128xi32, #tpu.memory_space<vmem>>, %arg9: memref<128xi32, #tpu.memory_space<vmem>>, %arg10: memref<128xi32, #tpu.memory_space<vmem>>, %arg11: memref<128x128xf32, #tpu.memory_space<vmem>>, %arg12: memref<128x128xf32, #tpu.memory_space<vmem>>, %arg13: memref<32xi32, #tpu.memory_space<vmem>>, %arg14: memref<32xi32, #tpu.memory_space<vmem>>, %arg15: memref<32x128xf32, #tpu.memory_space<vmem>>, %arg16: memref<10240x128xf32, #tpu.memory_space<vmem_shared>>, %arg17: memref<!tpu.dma_semaphore, #tpu.memory_space<semaphore_mem>>, %arg18: memref<!tpu.dma_semaphore, #tpu.memory_space<semaphore_mem>>, %arg19: memref<!tpu.dma_semaphore, #tpu.memory_space<semaphore_mem>>, %arg20: memref<!tpu.dma_semaphore, #tpu.memory_space<semaphore_mem>>) attributes {dimension_semantics = [#tpu.dimension_semantics<core_parallel>, #tpu.dimension_semantics<subcore_parallel>], iteration_bounds = array<i64: 2, 16>, scalar_prefetch = 0 : i64, scratch_operands = 14 : i64, tpu.core_type = #tpu.core_type<sc_vector_subcore>, window_params = [{transform_indices = #map}, {transform_indices = #map1}, {transform_indices = #map1}, {transform_indices = #map}, {transform_indices = #map}]} {
    %mul3A = arith.constant 10240 : i32
    %mul3A_0 = arith.muli %arg0, %mul3A : i32
    %mul3A_1 = arith.constant 640 : i32
    %mul3A_2 = arith.muli %arg1, %mul3A_1 : i32
    "tpu.region"() ({
      %run_scoped3A = tpu.sem_alloc : memref<!tpu.dma_semaphore, #tpu.memory_space<semaphore_mem>>
      %dma_start3A_203 = arith.constant 0 : i32
      %dma_start3A_204 = tpu.memref_slice %arg16[%mul3A_2, %dma_start3A_203] : memref<10240x128xf32, #tpu.memory_space<vmem_shared>> -> memref<640x128xf32, #tpu.memory_space<vmem_shared>>
      tpu.enqueue_dma source(%arg5 : memref<640x128xf32, #tpu.memory_space<hbm>>) target(%dma_start3A_204 : memref<640x128xf32, #tpu.memory_space<vmem_shared>>) target_semaphore(%run_scoped3A : memref<!tpu.dma_semaphore, #tpu.memory_space<semaphore_mem>>)
      %dma_wait3A_205 = arith.constant 0 : i32
      %dma_wait3A_206 = tpu.memref_slice %arg16[%mul3A_2, %dma_wait3A_205] : memref<10240x128xf32, #tpu.memory_space<vmem_shared>> -> memref<640x128xf32, #tpu.memory_space<vmem_shared>>
      tpu.wait_dma2 semaphore(%run_scoped3A : memref<!tpu.dma_semaphore, #tpu.memory_space<semaphore_mem>>) src(%arg5 : memref<640x128xf32, #tpu.memory_space<hbm>>) dst(%dma_wait3A_206 : memref<640x128xf32, #tpu.memory_space<vmem_shared>>)
      tpu.yield
    }) : () -> ()
    %barrier3A = arith.constant 0 : index
    tpu.barrier barrier_id(%barrier3A)
    %mul3A_3 = arith.constant 20000 : i32
    %mul3A_4 = arith.muli %arg1, %mul3A_3 : i32
    %add3A = arith.constant 0 : i32
    %add3A_5 = arith.addi %mul3A_4, %add3A : i32
    "tpu.region"() ({
      %run_scoped3A = tpu.sem_alloc : memref<!tpu.dma_semaphore, #tpu.memory_space<semaphore_mem>>
      %dma_start3A_203 = tpu.memref_slice %arg3[%add3A_5] : memref<320000xi32, #tpu.memory_space<hbm>> -> memref<128xi32, #tpu.memory_space<hbm>>
      %dma_start3A_204 = tpu.memref_slice %arg3[%add3A_5] : memref<320000xi32, #tpu.memory_space<hbm>> -> memref<128xi32, #tpu.memory_space<hbm>>
      tpu.enqueue_dma source(%dma_start3A_204 : memref<128xi32, #tpu.memory_space<hbm>>) target(%arg7 : memref<128xi32, #tpu.memory_space<vmem>>) target_semaphore(%run_scoped3A : memref<!tpu.dma_semaphore, #tpu.memory_space<semaphore_mem>>)
      %dma_wait3A_205 = tpu.memref_slice %arg3[%add3A_5] : memref<320000xi32, #tpu.memory_space<hbm>> -> memref<128xi32, #tpu.memory_space<hbm>>
      %dma_wait3A_206 = tpu.memref_slice %arg3[%add3A_5] : memref<320000xi32, #tpu.memory_space<hbm>> -> memref<128xi32, #tpu.memory_space<hbm>>
      tpu.wait_dma2 semaphore(%run_scoped3A : memref<!tpu.dma_semaphore, #tpu.memory_space<semaphore_mem>>) src(%dma_wait3A_206 : memref<128xi32, #tpu.memory_space<hbm>>) dst(%arg7 : memref<128xi32, #tpu.memory_space<vmem>>)
      tpu.yield
    }) : () -> ()
    "tpu.region"() ({
      %run_scoped3A = tpu.sem_alloc : memref<!tpu.dma_semaphore, #tpu.memory_space<semaphore_mem>>
      %dma_start3A_203 = tpu.memref_slice %arg4[%add3A_5] : memref<320000xi32, #tpu.memory_space<hbm>> -> memref<128xi32, #tpu.memory_space<hbm>>
      %dma_start3A_204 = tpu.memref_slice %arg4[%add3A_5] : memref<320000xi32, #tpu.memory_space<hbm>> -> memref<128xi32, #tpu.memory_space<hbm>>
      tpu.enqueue_dma source(%dma_start3A_204 : memref<128xi32, #tpu.memory_space<hbm>>) target(%arg9 : memref<128xi32, #tpu.memory_space<vmem>>) target_semaphore(%run_scoped3A : memref<!tpu.dma_semaphore, #tpu.memory_space<semaphore_mem>>)
      %dma_wait3A_205 = tpu.memref_slice %arg4[%add3A_5] : memref<320000xi32, #tpu.memory_space<hbm>> -> memref<128xi32, #tpu.memory_space<hbm>>
      %dma_wait3A_206 = tpu.memref_slice %arg4[%add3A_5] : memref<320000xi32, #tpu.memory_space<hbm>> -> memref<128xi32, #tpu.memory_space<hbm>>
      tpu.wait_dma2 semaphore(%run_scoped3A : memref<!tpu.dma_semaphore, #tpu.memory_space<semaphore_mem>>) src(%dma_wait3A_206 : memref<128xi32, #tpu.memory_space<hbm>>) dst(%arg9 : memref<128xi32, #tpu.memory_space<vmem>>)
      tpu.yield
    }) : () -> ()
    %get3A = arith.constant 0 : index
    %get3A_6 = tpu.vector_load %arg7[%get3A] {strides = array<i32>} : memref<128xi32, #tpu.memory_space<vmem>>, vector<16xi32>,
    %get3A_7 = vector.shape_cast %get3A_6 : vector<16xi32> to vector<16xi32>
    %add3A_8 = vector.broadcast %mul3A_0 : i32 to vector<16xi32>
    %add3A_9 = arith.addi %get3A_7, %add3A_8 : vector<16xi32>
    %swap3A = arith.constant 0 : index
    %swap3A_10 = tpu.vector_load %arg7[%swap3A] {strides = array<i32>} : memref<128xi32, #tpu.memory_space<vmem>>, vector<16xi32>,
    %swap3A_11 = vector.shape_cast %swap3A_10 : vector<16xi32> to vector<16xi32>
    %swap3A_12 = vector.shape_cast %add3A_9 : vector<16xi32> to vector<16xi32>
    tpu.vector_store %arg7[%swap3A], %swap3A_12 {strides = array<i32>} : memref<128xi32, #tpu.memory_space<vmem>>, vector<16xi32>,
    %get3A_13 = arith.constant 16 : index
    %get3A_14 = tpu.vector_load %arg7[%get3A_13] {strides = array<i32>} : memref<128xi32, #tpu.memory_space<vmem>>, vector<16xi32>,
    %get3A_15 = vector.shape_cast %get3A_14 : vector<16xi32> to vector<16xi32>
    %add3A_16 = vector.broadcast %mul3A_0 : i32 to vector<16xi32>
    %add3A_17 = arith.addi %get3A_15, %add3A_16 : vector<16xi32>
    %swap3A_18 = arith.constant 16 : index
    %swap3A_19 = tpu.vector_load %arg7[%swap3A_18] {strides = array<i32>} : memref<128xi32, #tpu.memory_space<vmem>>, vector<16xi32>,
    %swap3A_20 = vector.shape_cast %swap3A_19 : vector<16xi32> to vector<16xi32>
    %swap3A_21 = vector.shape_cast %add3A_17 : vector<16xi32> to vector<16xi32>
    tpu.vector_store %arg7[%swap3A_18], %swap3A_21 {strides = array<i32>} : memref<128xi32, #tpu.memory_space<vmem>>, vector<16xi32>,
    %get3A_22 = arith.constant 32 : index
    %get3A_23 = tpu.vector_load %arg7[%get3A_22] {strides = array<i32>} : memref<128xi32, #tpu.memory_space<vmem>>, vector<16xi32>,
    %get3A_24 = vector.shape_cast %get3A_23 : vector<16xi32> to vector<16xi32>
    %add3A_25 = vector.broadcast %mul3A_0 : i32 to vector<16xi32>
    %add3A_26 = arith.addi %get3A_24, %add3A_25 : vector<16xi32>
    %swap3A_27 = arith.constant 32 : index
    %swap3A_28 = tpu.vector_load %arg7[%swap3A_27] {strides = array<i32>} : memref<128xi32, #tpu.memory_space<vmem>>, vector<16xi32>,
    %swap3A_29 = vector.shape_cast %swap3A_28 : vector<16xi32> to vector<16xi32>
    %swap3A_30 = vector.shape_cast %add3A_26 : vector<16xi32> to vector<16xi32>
    tpu.vector_store %arg7[%swap3A_27], %swap3A_30 {strides = array<i32>} : memref<128xi32, #tpu.memory_space<vmem>>, vector<16xi32>,
    %get3A_31 = arith.constant 48 : index
    %get3A_32 = tpu.vector_load %arg7[%get3A_31] {strides = array<i32>} : memref<128xi32, #tpu.memory_space<vmem>>, vector<16xi32>,
    %get3A_33 = vector.shape_cast %get3A_32 : vector<16xi32> to vector<16xi32>
    %add3A_34 = vector.broadcast %mul3A_0 : i32 to vector<16xi32>
    %add3A_35 = arith.addi %get3A_33, %add3A_34 : vector<16xi32>
    %swap3A_36 = arith.constant 48 : index
    %swap3A_37 = tpu.vector_load %arg7[%swap3A_36] {strides = array<i32>} : memref<128xi32, #tpu.memory_space<vmem>>, vector<16xi32>,
    %swap3A_38 = vector.shape_cast %swap3A_37 : vector<16xi32> to vector<16xi32>
    %swap3A_39 = vector.shape_cast %add3A_35 : vector<16xi32> to vector<16xi32>
    tpu.vector_store %arg7[%swap3A_36], %swap3A_39 {strides = array<i32>} : memref<128xi32, #tpu.memory_space<vmem>>, vector<16xi32>,
    %get3A_40 = arith.constant 64 : index
    %get3A_41 = tpu.vector_load %arg7[%get3A_40] {strides = array<i32>} : memref<128xi32, #tpu.memory_space<vmem>>, vector<16xi32>,
    %get3A_42 = vector.shape_cast %get3A_41 : vector<16xi32> to vector<16xi32>
    %add3A_43 = vector.broadcast %mul3A_0 : i32 to vector<16xi32>
    %add3A_44 = arith.addi %get3A_42, %add3A_43 : vector<16xi32>
    %swap3A_45 = arith.constant 64 : index
    %swap3A_46 = tpu.vector_load %arg7[%swap3A_45] {strides = array<i32>} : memref<128xi32, #tpu.memory_space<vmem>>, vector<16xi32>,
    %swap3A_47 = vector.shape_cast %swap3A_46 : vector<16xi32> to vector<16xi32>
    %swap3A_48 = vector.shape_cast %add3A_44 : vector<16xi32> to vector<16xi32>
    tpu.vector_store %arg7[%swap3A_45], %swap3A_48 {strides = array<i32>} : memref<128xi32, #tpu.memory_space<vmem>>, vector<16xi32>,
    %get3A_49 = arith.constant 80 : index
    %get3A_50 = tpu.vector_load %arg7[%get3A_49] {strides = array<i32>} : memref<128xi32, #tpu.memory_space<vmem>>, vector<16xi32>,
    %get3A_51 = vector.shape_cast %get3A_50 : vector<16xi32> to vector<16xi32>
    %add3A_52 = vector.broadcast %mul3A_0 : i32 to vector<16xi32>
    %add3A_53 = arith.addi %get3A_51, %add3A_52 : vector<16xi32>
    %swap3A_54 = arith.constant 80 : index
    %swap3A_55 = tpu.vector_load %arg7[%swap3A_54] {strides = array<i32>} : memref<128xi32, #tpu.memory_space<vmem>>, vector<16xi32>,
    %swap3A_56 = vector.shape_cast %swap3A_55 : vector<16xi32> to vector<16xi32>
    %swap3A_57 = vector.shape_cast %add3A_53 : vector<16xi32> to vector<16xi32>
    tpu.vector_store %arg7[%swap3A_54], %swap3A_57 {strides = array<i32>} : memref<128xi32, #tpu.memory_space<vmem>>, vector<16xi32>,
    %get3A_58 = arith.constant 96 : index
    %get3A_59 = tpu.vector_load %arg7[%get3A_58] {strides = array<i32>} : memref<128xi32, #tpu.memory_space<vmem>>, vector<16xi32>,
    %get3A_60 = vector.shape_cast %get3A_59 : vector<16xi32> to vector<16xi32>
    %add3A_61 = vector.broadcast %mul3A_0 : i32 to vector<16xi32>
    %add3A_62 = arith.addi %get3A_60, %add3A_61 : vector<16xi32>
    %swap3A_63 = arith.constant 96 : index
    %swap3A_64 = tpu.vector_load %arg7[%swap3A_63] {strides = array<i32>} : memref<128xi32, #tpu.memory_space<vmem>>, vector<16xi32>,
    %swap3A_65 = vector.shape_cast %swap3A_64 : vector<16xi32> to vector<16xi32>
    %swap3A_66 = vector.shape_cast %add3A_62 : vector<16xi32> to vector<16xi32>
    tpu.vector_store %arg7[%swap3A_63], %swap3A_66 {strides = array<i32>} : memref<128xi32, #tpu.memory_space<vmem>>, vector<16xi32>,
    %get3A_67 = arith.constant 112 : index
    %get3A_68 = tpu.vector_load %arg7[%get3A_67] {strides = array<i32>} : memref<128xi32, #tpu.memory_space<vmem>>, vector<16xi32>,
    %get3A_69 = vector.shape_cast %get3A_68 : vector<16xi32> to vector<16xi32>
    %add3A_70 = vector.broadcast %mul3A_0 : i32 to vector<16xi32>
    %add3A_71 = arith.addi %get3A_69, %add3A_70 : vector<16xi32>
    %swap3A_72 = arith.constant 112 : index
    %swap3A_73 = tpu.vector_load %arg7[%swap3A_72] {strides = array<i32>} : memref<128xi32, #tpu.memory_space<vmem>>, vector<16xi32>,
    %swap3A_74 = vector.shape_cast %swap3A_73 : vector<16xi32> to vector<16xi32>
    %swap3A_75 = vector.shape_cast %add3A_71 : vector<16xi32> to vector<16xi32>
    tpu.vector_store %arg7[%swap3A_72], %swap3A_75 {strides = array<i32>} : memref<128xi32, #tpu.memory_space<vmem>>, vector<16xi32>,
    %dma_start3A = arith.constant 0 : i32
    %dma_start3A_76 = arith.constant 0 : i32
    %dma_start3A_77 = tpu.memref_slice %arg2[%dma_start3A, %dma_start3A_76] : memref<20480x128xf32, #tpu.memory_space<hbm>> -> memref<20480x128xf32, #tpu.memory_space<hbm>>
    tpu.enqueue_indirect_dma source(%dma_start3A_77 : memref<20480x128xf32, #tpu.memory_space<hbm>>) target(%arg11 : memref<128x128xf32, #tpu.memory_space<vmem>>) offsets(%arg7 : memref<128xi32, #tpu.memory_space<vmem>>) semaphore(%arg17 : memref<!tpu.dma_semaphore, #tpu.memory_space<semaphore_mem>>)
    %mul3A_78 = arith.constant 20000 : i32
    %mul3A_79 = arith.muli %arg1, %mul3A_78 : i32
    %add3A_80 = arith.constant 128 : i32
    %add3A_81 = arith.addi %mul3A_79, %add3A_80 : i32
    "tpu.region"() ({
      %run_scoped3A = tpu.sem_alloc : memref<!tpu.dma_semaphore, #tpu.memory_space<semaphore_mem>>
      %dma_start3A_203 = tpu.memref_slice %arg3[%add3A_81] : memref<320000xi32, #tpu.memory_space<hbm>> -> memref<128xi32, #tpu.memory_space<hbm>>
      %dma_start3A_204 = tpu.memref_slice %arg3[%add3A_81] : memref<320000xi32, #tpu.memory_space<hbm>> -> memref<128xi32, #tpu.memory_space<hbm>>
      tpu.enqueue_dma source(%dma_start3A_204 : memref<128xi32, #tpu.memory_space<hbm>>) target(%arg8 : memref<128xi32, #tpu.memory_space<vmem>>) target_semaphore(%run_scoped3A : memref<!tpu.dma_semaphore, #tpu.memory_space<semaphore_mem>>)
      %dma_wait3A_205 = tpu.memref_slice %arg3[%add3A_81] : memref<320000xi32, #tpu.memory_space<hbm>> -> memref<128xi32, #tpu.memory_space<hbm>>
      %dma_wait3A_206 = tpu.memref_slice %arg3[%add3A_81] : memref<320000xi32, #tpu.memory_space<hbm>> -> memref<128xi32, #tpu.memory_space<hbm>>
      tpu.wait_dma2 semaphore(%run_scoped3A : memref<!tpu.dma_semaphore, #tpu.memory_space<semaphore_mem>>) src(%dma_wait3A_206 : memref<128xi32, #tpu.memory_space<hbm>>) dst(%arg8 : memref<128xi32, #tpu.memory_space<vmem>>)
      tpu.yield
    }) : () -> ()
    "tpu.region"() ({
      %run_scoped3A = tpu.sem_alloc : memref<!tpu.dma_semaphore, #tpu.memory_space<semaphore_mem>>
      %dma_start3A_203 = tpu.memref_slice %arg4[%add3A_81] : memref<320000xi32, #tpu.memory_space<hbm>> -> memref<128xi32, #tpu.memory_space<hbm>>
      %dma_start3A_204 = tpu.memref_slice %arg4[%add3A_81] : memref<320000xi32, #tpu.memory_space<hbm>> -> memref<128xi32, #tpu.memory_space<hbm>>
      tpu.enqueue_dma source(%dma_start3A_204 : memref<128xi32, #tpu.memory_space<hbm>>) target(%arg10 : memref<128xi32, #tpu.memory_space<vmem>>) target_semaphore(%run_scoped3A : memref<!tpu.dma_semaphore, #tpu.memory_space<semaphore_mem>>)
      %dma_wait3A_205 = tpu.memref_slice %arg4[%add3A_81] : memref<320000xi32, #tpu.memory_space<hbm>> -> memref<128xi32, #tpu.memory_space<hbm>>
      %dma_wait3A_206 = tpu.memref_slice %arg4[%add3A_81] : memref<320000xi32, #tpu.memory_space<hbm>> -> memref<128xi32, #tpu.memory_space<hbm>>
      tpu.wait_dma2 semaphore(%run_scoped3A : memref<!tpu.dma_semaphore, #tpu.memory_space<semaphore_mem>>) src(%dma_wait3A_206 : memref<128xi32, #tpu.memory_space<hbm>>) dst(%arg10 : memref<128xi32, #tpu.memory_space<vmem>>)
      tpu.yield
    }) : () -> ()
    %get3A_82 = arith.constant 0 : index
    %get3A_83 = tpu.vector_load %arg8[%get3A_82] {strides = array<i32>} : memref<128xi32, #tpu.memory_space<vmem>>, vector<16xi32>,
    %get3A_84 = vector.shape_cast %get3A_83 : vector<16xi32> to vector<16xi32>
    %add3A_85 = vector.broadcast %mul3A_0 : i32 to vector<16xi32>
    %add3A_86 = arith.addi %get3A_84, %add3A_85 : vector<16xi32>
    %swap3A_87 = arith.constant 0 : index
    %swap3A_88 = tpu.vector_load %arg8[%swap3A_87] {strides = array<i32>} : memref<128xi32, #tpu.memory_space<vmem>>, vector<16xi32>,
    %swap3A_89 = vector.shape_cast %swap3A_88 : vector<16xi32> to vector<16xi32>
    %swap3A_90 = vector.shape_cast %add3A_86 : vector<16xi32> to vector<16xi32>
    tpu.vector_store %arg8[%swap3A_87], %swap3A_90 {strides = array<i32>} : memref<128xi32, #tpu.memory_space<vmem>>, vector<16xi32>,
    %get3A_91 = arith.constant 16 : index
    %get3A_92 = tpu.vector_load %arg8[%get3A_91] {strides = array<i32>} : memref<128xi32, #tpu.memory_space<vmem>>, vector<16xi32>,
    %get3A_93 = vector.shape_cast %get3A_92 : vector<16xi32> to vector<16xi32>
    %add3A_94 = vector.broadcast %mul3A_0 : i32 to vector<16xi32>
    %add3A_95 = arith.addi %get3A_93, %add3A_94 : vector<16xi32>
    %swap3A_96 = arith.constant 16 : index
    %swap3A_97 = tpu.vector_load %arg8[%swap3A_96] {strides = array<i32>} : memref<128xi32, #tpu.memory_space<vmem>>, vector<16xi32>,
    %swap3A_98 = vector.shape_cast %swap3A_97 : vector<16xi32> to vector<16xi32>
    %swap3A_99 = vector.shape_cast %add3A_95 : vector<16xi32> to vector<16xi32>
    tpu.vector_store %arg8[%swap3A_96], %swap3A_99 {strides = array<i32>} : memref<128xi32, #tpu.memory_space<vmem>>, vector<16xi32>,
    %get3A_100 = arith.constant 32 : index
    %get3A_101 = tpu.vector_load %arg8[%get3A_100] {strides = array<i32>} : memref<128xi32, #tpu.memory_space<vmem>>, vector<16xi32>,
    %get3A_102 = vector.shape_cast %get3A_101 : vector<16xi32> to vector<16xi32>
    %add3A_103 = vector.broadcast %mul3A_0 : i32 to vector<16xi32>
    %add3A_104 = arith.addi %get3A_102, %add3A_103 : vector<16xi32>
    %swap3A_105 = arith.constant 32 : index
    %swap3A_106 = tpu.vector_load %arg8[%swap3A_105] {strides = array<i32>} : memref<128xi32, #tpu.memory_space<vmem>>, vector<16xi32>,
    %swap3A_107 = vector.shape_cast %swap3A_106 : vector<16xi32> to vector<16xi32>
    %swap3A_108 = vector.shape_cast %add3A_104 : vector<16xi32> to vector<16xi32>
    tpu.vector_store %arg8[%swap3A_105], %swap3A_108 {strides = array<i32>} : memref<128xi32, #tpu.memory_space<vmem>>, vector<16xi32>,
    %get3A_109 = arith.constant 48 : index
    %get3A_110 = tpu.vector_load %arg8[%get3A_109] {strides = array<i32>} : memref<128xi32, #tpu.memory_space<vmem>>, vector<16xi32>,
    %get3A_111 = vector.shape_cast %get3A_110 : vector<16xi32> to vector<16xi32>
    %add3A_112 = vector.broadcast %mul3A_0 : i32 to vector<16xi32>
    %add3A_113 = arith.addi %get3A_111, %add3A_112 : vector<16xi32>
    %swap3A_114 = arith.constant 48 : index
    %swap3A_115 = tpu.vector_load %arg8[%swap3A_114] {strides = array<i32>} : memref<128xi32, #tpu.memory_space<vmem>>, vector<16xi32>,
    %swap3A_116 = vector.shape_cast %swap3A_115 : vector<16xi32> to vector<16xi32>
    %swap3A_117 = vector.shape_cast %add3A_113 : vector<16xi32> to vector<16xi32>
    tpu.vector_store %arg8[%swap3A_114], %swap3A_117 {strides = array<i32>} : memref<128xi32, #tpu.memory_space<vmem>>, vector<16xi32>,
    %get3A_118 = arith.constant 64 : index
    %get3A_119 = tpu.vector_load %arg8[%get3A_118] {strides = array<i32>} : memref<128xi32, #tpu.memory_space<vmem>>, vector<16xi32>,
    %get3A_120 = vector.shape_cast %get3A_119 : vector<16xi32> to vector<16xi32>
    %add3A_121 = vector.broadcast %mul3A_0 : i32 to vector<16xi32>
    %add3A_122 = arith.addi %get3A_120, %add3A_121 : vector<16xi32>
    %swap3A_123 = arith.constant 64 : index
    %swap3A_124 = tpu.vector_load %arg8[%swap3A_123] {strides = array<i32>} : memref<128xi32, #tpu.memory_space<vmem>>, vector<16xi32>,
    %swap3A_125 = vector.shape_cast %swap3A_124 : vector<16xi32> to vector<16xi32>
    %swap3A_126 = vector.shape_cast %add3A_122 : vector<16xi32> to vector<16xi32>
    tpu.vector_store %arg8[%swap3A_123], %swap3A_126 {strides = array<i32>} : memref<128xi32, #tpu.memory_space<vmem>>, vector<16xi32>,
    %get3A_127 = arith.constant 80 : index
    %get3A_128 = tpu.vector_load %arg8[%get3A_127] {strides = array<i32>} : memref<128xi32, #tpu.memory_space<vmem>>, vector<16xi32>,
    %get3A_129 = vector.shape_cast %get3A_128 : vector<16xi32> to vector<16xi32>
    %add3A_130 = vector.broadcast %mul3A_0 : i32 to vector<16xi32>
    %add3A_131 = arith.addi %get3A_129, %add3A_130 : vector<16xi32>
    %swap3A_132 = arith.constant 80 : index
    %swap3A_133 = tpu.vector_load %arg8[%swap3A_132] {strides = array<i32>} : memref<128xi32, #tpu.memory_space<vmem>>, vector<16xi32>,
    %swap3A_134 = vector.shape_cast %swap3A_133 : vector<16xi32> to vector<16xi32>
    %swap3A_135 = vector.shape_cast %add3A_131 : vector<16xi32> to vector<16xi32>
    tpu.vector_store %arg8[%swap3A_132], %swap3A_135 {strides = array<i32>} : memref<128xi32, #tpu.memory_space<vmem>>, vector<16xi32>,
    %get3A_136 = arith.constant 96 : index
    %get3A_137 = tpu.vector_load %arg8[%get3A_136] {strides = array<i32>} : memref<128xi32, #tpu.memory_space<vmem>>, vector<16xi32>,
    %get3A_138 = vector.shape_cast %get3A_137 : vector<16xi32> to vector<16xi32>
    %add3A_139 = vector.broadcast %mul3A_0 : i32 to vector<16xi32>
    %add3A_140 = arith.addi %get3A_138, %add3A_139 : vector<16xi32>
    %swap3A_141 = arith.constant 96 : index
    %swap3A_142 = tpu.vector_load %arg8[%swap3A_141] {strides = array<i32>} : memref<128xi32, #tpu.memory_space<vmem>>, vector<16xi32>,
    %swap3A_143 = vector.shape_cast %swap3A_142 : vector<16xi32> to vector<16xi32>
    %swap3A_144 = vector.shape_cast %add3A_140 : vector<16xi32> to vector<16xi32>
    tpu.vector_store %arg8[%swap3A_141], %swap3A_144 {strides = array<i32>} : memref<128xi32, #tpu.memory_space<vmem>>, vector<16xi32>,
    %get3A_145 = arith.constant 112 : index
    %get3A_146 = tpu.vector_load %arg8[%get3A_145] {strides = array<i32>} : memref<128xi32, #tpu.memory_space<vmem>>, vector<16xi32>,
    %get3A_147 = vector.shape_cast %get3A_146 : vector<16xi32> to vector<16xi32>
    %add3A_148 = vector.broadcast %mul3A_0 : i32 to vector<16xi32>
    %add3A_149 = arith.addi %get3A_147, %add3A_148 : vector<16xi32>
    %swap3A_150 = arith.constant 112 : index
    %swap3A_151 = tpu.vector_load %arg8[%swap3A_150] {strides = array<i32>} : memref<128xi32, #tpu.memory_space<vmem>>, vector<16xi32>,
    %swap3A_152 = vector.shape_cast %swap3A_151 : vector<16xi32> to vector<16xi32>
    %swap3A_153 = vector.shape_cast %add3A_149 : vector<16xi32> to vector<16xi32>
    tpu.vector_store %arg8[%swap3A_150], %swap3A_153 {strides = array<i32>} : memref<128xi32, #tpu.memory_space<vmem>>, vector<16xi32>,
    %dma_start3A_154 = arith.constant 0 : i32
    %dma_start3A_155 = arith.constant 0 : i32
    %dma_start3A_156 = tpu.memref_slice %arg2[%dma_start3A_154, %dma_start3A_155] : memref<20480x128xf32, #tpu.memory_space<hbm>> -> memref<20480x128xf32, #tpu.memory_space<hbm>>
    tpu.enqueue_indirect_dma source(%dma_start3A_156 : memref<20480x128xf32, #tpu.memory_space<hbm>>) target(%arg12 : memref<128x128xf32, #tpu.memory_space<vmem>>) offsets(%arg8 : memref<128xi32, #tpu.memory_space<vmem>>) semaphore(%arg18 : memref<!tpu.dma_semaphore, #tpu.memory_space<semaphore_mem>>)
    %scan3A = arith.constant 0 : i32
    %scan3A_157 = arith.constant 0 : i32
    %scan3A_158 = arith.constant 78 : i32
    %scan3A_159 = arith.addi %scan3A_157, %scan3A_158 : i32
    %scan3A_160 = arith.constant 1 : i32
    scf.for %scan3A_203 = %scan3A_157 to %scan3A_159 step %scan3A_160  : i32 {
      %mul3A_204 = arith.constant 2 : i32
      %mul3A_205 = arith.muli %scan3A_203, %mul3A_204 : i32
      %add3A_206 = arith.constant 0 : i32
      %add3A_207 = arith.addi %mul3A_205, %add3A_206 : i32
      %dma_wait3A_208 = arith.constant 0 : i32
      %dma_wait3A_209 = arith.constant 0 : i32
      %dma_wait3A_210 = tpu.memref_slice %arg2[%dma_wait3A_208, %dma_wait3A_209] : memref<20480x128xf32, #tpu.memory_space<hbm>> -> memref<20480x128xf32, #tpu.memory_space<hbm>>
      tpu.wait_indirect_dma semaphore(%arg17 : memref<!tpu.dma_semaphore, #tpu.memory_space<semaphore_mem>>) src(%dma_wait3A_210 : memref<20480x128xf32, #tpu.memory_space<hbm>>) dst(%arg11 : memref<128x128xf32, #tpu.memory_space<vmem>>)
      %dma_start3A_211 = arith.constant 0 : i32
      %dma_start3A_212 = arith.constant 0 : i32
      %dma_start3A_213 = tpu.memref_slice %arg16[%dma_start3A_211, %dma_start3A_212] : memref<10240x128xf32, #tpu.memory_space<vmem_shared>> -> memref<10240x128xf32, #tpu.memory_space<vmem_shared>>
      tpu.enqueue_indirect_dma source(%arg11 : memref<128x128xf32, #tpu.memory_space<vmem>>) target(%dma_start3A_213 : memref<10240x128xf32, #tpu.memory_space<vmem_shared>>) offsets(%arg9 : memref<128xi32, #tpu.memory_space<vmem>>) semaphore(%arg19 : memref<!tpu.dma_semaphore, #tpu.memory_space<semaphore_mem>>) {add = true}
      %lt3A = arith.constant 77 : i32
      %lt3A_214 = arith.cmpi slt, %scan3A_203, %lt3A : i32
      %convert_element_type3A = arith.extui %lt3A_214 : i1 to i32
      %cond3A = arith.constant 0 : i32
      %cond3A_215 = arith.cmpi ne, %convert_element_type3A, %cond3A : i32
      scf.if %cond3A_215 {
        %dma_wait3A_231 = arith.constant 0 : i32
        %dma_wait3A_232 = arith.constant 0 : i32
        %dma_wait3A_233 = tpu.memref_slice %arg16[%dma_wait3A_231, %dma_wait3A_232] : memref<10240x128xf32, #tpu.memory_space<vmem_shared>> -> memref<10240x128xf32, #tpu.memory_space<vmem_shared>>
        tpu.wait_indirect_dma semaphore(%arg19 : memref<!tpu.dma_semaphore, #tpu.memory_space<semaphore_mem>>) src(%arg11 : memref<128x128xf32, #tpu.memory_space<vmem>>) dst(%dma_wait3A_233 : memref<10240x128xf32, #tpu.memory_space<vmem_shared>>)
        %add3A_234 = arith.constant 2 : i32
        %add3A_235 = arith.addi %add3A_207, %add3A_234 : i32
        %mul3A_236 = arith.constant 20000 : i32
        %mul3A_237 = arith.muli %arg1, %mul3A_236 : i32
        %mul3A_238 = arith.constant 128 : i32
        %mul3A_239 = arith.muli %add3A_235, %mul3A_238 : i32
        %add3A_240 = arith.addi %mul3A_237, %mul3A_239 : i32
        "tpu.region"() ({
          %run_scoped3A = tpu.sem_alloc : memref<!tpu.dma_semaphore, #tpu.memory_space<semaphore_mem>>
          %dma_start3A_316 = tpu.memref_slice %arg3[%add3A_240] : memref<320000xi32, #tpu.memory_space<hbm>> -> memref<128xi32, #tpu.memory_space<hbm>>
          %dma_start3A_317 = tpu.memref_slice %arg3[%add3A_240] : memref<320000xi32, #tpu.memory_space<hbm>> -> memref<128xi32, #tpu.memory_space<hbm>>
          tpu.enqueue_dma source(%dma_start3A_317 : memref<128xi32, #tpu.memory_space<hbm>>) target(%arg7 : memref<128xi32, #tpu.memory_space<vmem>>) target_semaphore(%run_scoped3A : memref<!tpu.dma_semaphore, #tpu.memory_space<semaphore_mem>>)
          %dma_wait3A_318 = tpu.memref_slice %arg3[%add3A_240] : memref<320000xi32, #tpu.memory_space<hbm>> -> memref<128xi32, #tpu.memory_space<hbm>>
          %dma_wait3A_319 = tpu.memref_slice %arg3[%add3A_240] : memref<320000xi32, #tpu.memory_space<hbm>> -> memref<128xi32, #tpu.memory_space<hbm>>
          tpu.wait_dma2 semaphore(%run_scoped3A : memref<!tpu.dma_semaphore, #tpu.memory_space<semaphore_mem>>) src(%dma_wait3A_319 : memref<128xi32, #tpu.memory_space<hbm>>) dst(%arg7 : memref<128xi32, #tpu.memory_space<vmem>>)
          tpu.yield
        }) : () -> ()
        "tpu.region"() ({
          %run_scoped3A = tpu.sem_alloc : memref<!tpu.dma_semaphore, #tpu.memory_space<semaphore_mem>>
          %dma_start3A_316 = tpu.memref_slice %arg4[%add3A_240] : memref<320000xi32, #tpu.memory_space<hbm>> -> memref<128xi32, #tpu.memory_space<hbm>>
          %dma_start3A_317 = tpu.memref_slice %arg4[%add3A_240] : memref<320000xi32, #tpu.memory_space<hbm>> -> memref<128xi32, #tpu.memory_space<hbm>>
          tpu.enqueue_dma source(%dma_start3A_317 : memref<128xi32, #tpu.memory_space<hbm>>) target(%arg9 : memref<128xi32, #tpu.memory_space<vmem>>) target_semaphore(%run_scoped3A : memref<!tpu.dma_semaphore, #tpu.memory_space<semaphore_mem>>)
          %dma_wait3A_318 = tpu.memref_slice %arg4[%add3A_240] : memref<320000xi32, #tpu.memory_space<hbm>> -> memref<128xi32, #tpu.memory_space<hbm>>
          %dma_wait3A_319 = tpu.memref_slice %arg4[%add3A_240] : memref<320000xi32, #tpu.memory_space<hbm>> -> memref<128xi32, #tpu.memory_space<hbm>>
          tpu.wait_dma2 semaphore(%run_scoped3A : memref<!tpu.dma_semaphore, #tpu.memory_space<semaphore_mem>>) src(%dma_wait3A_319 : memref<128xi32, #tpu.memory_space<hbm>>) dst(%arg9 : memref<128xi32, #tpu.memory_space<vmem>>)
          tpu.yield
        }) : () -> ()
        %get3A_241 = arith.constant 0 : index
        %get3A_242 = tpu.vector_load %arg7[%get3A_241] {strides = array<i32>} : memref<128xi32, #tpu.memory_space<vmem>>, vector<16xi32>,
        %get3A_243 = vector.shape_cast %get3A_242 : vector<16xi32> to vector<16xi32>
        %add3A_244 = vector.broadcast %mul3A_0 : i32 to vector<16xi32>
        %add3A_245 = arith.addi %get3A_243, %add3A_244 : vector<16xi32>
        %swap3A_246 = arith.constant 0 : index
        %swap3A_247 = tpu.vector_load %arg7[%swap3A_246] {strides = array<i32>} : memref<128xi32, #tpu.memory_space<vmem>>, vector<16xi32>,
        %swap3A_248 = vector.shape_cast %swap3A_247 : vector<16xi32> to vector<16xi32>
        %swap3A_249 = vector.shape_cast %add3A_245 : vector<16xi32> to vector<16xi32>
        tpu.vector_store %arg7[%swap3A_246], %swap3A_249 {strides = array<i32>} : memref<128xi32, #tpu.memory_space<vmem>>, vector<16xi32>,
        %get3A_250 = arith.constant 16 : index
        %get3A_251 = tpu.vector_load %arg7[%get3A_250] {strides = array<i32>} : memref<128xi32, #tpu.memory_space<vmem>>, vector<16xi32>,
        %get3A_252 = vector.shape_cast %get3A_251 : vector<16xi32> to vector<16xi32>
        %add3A_253 = vector.broadcast %mul3A_0 : i32 to vector<16xi32>
        %add3A_254 = arith.addi %get3A_252, %add3A_253 : vector<16xi32>
        %swap3A_255 = arith.constant 16 : index
        %swap3A_256 = tpu.vector_load %arg7[%swap3A_255] {strides = array<i32>} : memref<128xi32, #tpu.memory_space<vmem>>, vector<16xi32>,
        %swap3A_257 = vector.shape_cast %swap3A_256 : vector<16xi32> to vector<16xi32>
        %swap3A_258 = vector.shape_cast %add3A_254 : vector<16xi32> to vector<16xi32>
        tpu.vector_store %arg7[%swap3A_255], %swap3A_258 {strides = array<i32>} : memref<128xi32, #tpu.memory_space<vmem>>, vector<16xi32>,
        %get3A_259 = arith.constant 32 : index
        %get3A_260 = tpu.vector_load %arg7[%get3A_259] {strides = array<i32>} : memref<128xi32, #tpu.memory_space<vmem>>, vector<16xi32>,
        %get3A_261 = vector.shape_cast %get3A_260 : vector<16xi32> to vector<16xi32>
        %add3A_262 = vector.broadcast %mul3A_0 : i32 to vector<16xi32>
        %add3A_263 = arith.addi %get3A_261, %add3A_262 : vector<16xi32>
        %swap3A_264 = arith.constant 32 : index
        %swap3A_265 = tpu.vector_load %arg7[%swap3A_264] {strides = array<i32>} : memref<128xi32, #tpu.memory_space<vmem>>, vector<16xi32>,
        %swap3A_266 = vector.shape_cast %swap3A_265 : vector<16xi32> to vector<16xi32>
        %swap3A_267 = vector.shape_cast %add3A_263 : vector<16xi32> to vector<16xi32>
        tpu.vector_store %arg7[%swap3A_264], %swap3A_267 {strides = array<i32>} : memref<128xi32, #tpu.memory_space<vmem>>, vector<16xi32>,
        %get3A_268 = arith.constant 48 : index
        %get3A_269 = tpu.vector_load %arg7[%get3A_268] {strides = array<i32>} : memref<128xi32, #tpu.memory_space<vmem>>, vector<16xi32>,
        %get3A_270 = vector.shape_cast %get3A_269 : vector<16xi32> to vector<16xi32>
        %add3A_271 = vector.broadcast %mul3A_0 : i32 to vector<16xi32>
        %add3A_272 = arith.addi %get3A_270, %add3A_271 : vector<16xi32>
        %swap3A_273 = arith.constant 48 : index
        %swap3A_274 = tpu.vector_load %arg7[%swap3A_273] {strides = array<i32>} : memref<128xi32, #tpu.memory_space<vmem>>, vector<16xi32>,
        %swap3A_275 = vector.shape_cast %swap3A_274 : vector<16xi32> to vector<16xi32>
        %swap3A_276 = vector.shape_cast %add3A_272 : vector<16xi32> to vector<16xi32>
        tpu.vector_store %arg7[%swap3A_273], %swap3A_276 {strides = array<i32>} : memref<128xi32, #tpu.memory_space<vmem>>, vector<16xi32>,
        %get3A_277 = arith.constant 64 : index
        %get3A_278 = tpu.vector_load %arg7[%get3A_277] {strides = array<i32>} : memref<128xi32, #tpu.memory_space<vmem>>, vector<16xi32>,
        %get3A_279 = vector.shape_cast %get3A_278 : vector<16xi32> to vector<16xi32>
        %add3A_280 = vector.broadcast %mul3A_0 : i32 to vector<16xi32>
        %add3A_281 = arith.addi %get3A_279, %add3A_280 : vector<16xi32>
        %swap3A_282 = arith.constant 64 : index
        %swap3A_283 = tpu.vector_load %arg7[%swap3A_282] {strides = array<i32>} : memref<128xi32, #tpu.memory_space<vmem>>, vector<16xi32>,
        %swap3A_284 = vector.shape_cast %swap3A_283 : vector<16xi32> to vector<16xi32>
        %swap3A_285 = vector.shape_cast %add3A_281 : vector<16xi32> to vector<16xi32>
        tpu.vector_store %arg7[%swap3A_282], %swap3A_285 {strides = array<i32>} : memref<128xi32, #tpu.memory_space<vmem>>, vector<16xi32>,
        %get3A_286 = arith.constant 80 : index
        %get3A_287 = tpu.vector_load %arg7[%get3A_286] {strides = array<i32>} : memref<128xi32, #tpu.memory_space<vmem>>, vector<16xi32>,
        %get3A_288 = vector.shape_cast %get3A_287 : vector<16xi32> to vector<16xi32>
        %add3A_289 = vector.broadcast %mul3A_0 : i32 to vector<16xi32>
        %add3A_290 = arith.addi %get3A_288, %add3A_289 : vector<16xi32>
        %swap3A_291 = arith.constant 80 : index
        %swap3A_292 = tpu.vector_load %arg7[%swap3A_291] {strides = array<i32>} : memref<128xi32, #tpu.memory_space<vmem>>, vector<16xi32>,
        %swap3A_293 = vector.shape_cast %swap3A_292 : vector<16xi32> to vector<16xi32>
        %swap3A_294 = vector.shape_cast %add3A_290 : vector<16xi32> to vector<16xi32>
        tpu.vector_store %arg7[%swap3A_291], %swap3A_294 {strides = array<i32>} : memref<128xi32, #tpu.memory_space<vmem>>, vector<16xi32>,
        %get3A_295 = arith.constant 96 : index
        %get3A_296 = tpu.vector_load %arg7[%get3A_295] {strides = array<i32>} : memref<128xi32, #tpu.memory_space<vmem>>, vector<16xi32>,
        %get3A_297 = vector.shape_cast %get3A_296 : vector<16xi32> to vector<16xi32>
        %add3A_298 = vector.broadcast %mul3A_0 : i32 to vector<16xi32>
        %add3A_299 = arith.addi %get3A_297, %add3A_298 : vector<16xi32>
        %swap3A_300 = arith.constant 96 : index
        %swap3A_301 = tpu.vector_load %arg7[%swap3A_300] {strides = array<i32>} : memref<128xi32, #tpu.memory_space<vmem>>, vector<16xi32>,
        %swap3A_302 = vector.shape_cast %swap3A_301 : vector<16xi32> to vector<16xi32>
        %swap3A_303 = vector.shape_cast %add3A_299 : vector<16xi32> to vector<16xi32>
        tpu.vector_store %arg7[%swap3A_300], %swap3A_303 {strides = array<i32>} : memref<128xi32, #tpu.memory_space<vmem>>, vector<16xi32>,
        %get3A_304 = arith.constant 112 : index
        %get3A_305 = tpu.vector_load %arg7[%get3A_304] {strides = array<i32>} : memref<128xi32, #tpu.memory_space<vmem>>, vector<16xi32>,
        %get3A_306 = vector.shape_cast %get3A_305 : vector<16xi32> to vector<16xi32>
        %add3A_307 = vector.broadcast %mul3A_0 : i32 to vector<16xi32>
        %add3A_308 = arith.addi %get3A_306, %add3A_307 : vector<16xi32>
        %swap3A_309 = arith.constant 112 : index
        %swap3A_310 = tpu.vector_load %arg7[%swap3A_309] {strides = array<i32>} : memref<128xi32, #tpu.memory_space<vmem>>, vector<16xi32>,
        %swap3A_311 = vector.shape_cast %swap3A_310 : vector<16xi32> to vector<16xi32>
        %swap3A_312 = vector.shape_cast %add3A_308 : vector<16xi32> to vector<16xi32>
        tpu.vector_store %arg7[%swap3A_309], %swap3A_312 {strides = array<i32>} : memref<128xi32, #tpu.memory_space<vmem>>, vector<16xi32>,
        %dma_start3A_313 = arith.constant 0 : i32
        %dma_start3A_314 = arith.constant 0 : i32
        %dma_start3A_315 = tpu.memref_slice %arg2[%dma_start3A_313, %dma_start3A_314] : memref<20480x128xf32, #tpu.memory_space<hbm>> -> memref<20480x128xf32, #tpu.memory_space<hbm>>
        tpu.enqueue_indirect_dma source(%dma_start3A_315 : memref<20480x128xf32, #tpu.memory_space<hbm>>) target(%arg11 : memref<128x128xf32, #tpu.memory_space<vmem>>) offsets(%arg7 : memref<128xi32, #tpu.memory_space<vmem>>) semaphore(%arg17 : memref<!tpu.dma_semaphore, #tpu.memory_space<semaphore_mem>>)
      } else {
      }
      %mul3A_216 = arith.constant 2 : i32
      %mul3A_217 = arith.muli %scan3A_203, %mul3A_216 : i32
      %add3A_218 = arith.constant 1 : i32
      %add3A_219 = arith.addi %mul3A_217, %add3A_218 : i32
      %dma_wait3A_220 = arith.constant 0 : i32
      %dma_wait3A_221 = arith.constant 0 : i32
      %dma_wait3A_222 = tpu.memref_slice %arg2[%dma_wait3A_220, %dma_wait3A_221] : memref<20480x128xf32, #tpu.memory_space<hbm>> -> memref<20480x128xf32, #tpu.memory_space<hbm>>
      tpu.wait_indirect_dma semaphore(%arg18 : memref<!tpu.dma_semaphore, #tpu.memory_space<semaphore_mem>>) src(%dma_wait3A_222 : memref<20480x128xf32, #tpu.memory_space<hbm>>) dst(%arg12 : memref<128x128xf32, #tpu.memory_space<vmem>>)
      %dma_start3A_223 = arith.constant 0 : i32
      %dma_start3A_224 = arith.constant 0 : i32
      %dma_start3A_225 = tpu.memref_slice %arg16[%dma_start3A_223, %dma_start3A_224] : memref<10240x128xf32, #tpu.memory_space<vmem_shared>> -> memref<10240x128xf32, #tpu.memory_space<vmem_shared>>
      tpu.enqueue_indirect_dma source(%arg12 : memref<128x128xf32, #tpu.memory_space<vmem>>) target(%dma_start3A_225 : memref<10240x128xf32, #tpu.memory_space<vmem_shared>>) offsets(%arg10 : memref<128xi32, #tpu.memory_space<vmem>>) semaphore(%arg20 : memref<!tpu.dma_semaphore, #tpu.memory_space<semaphore_mem>>) {add = true}
      %lt3A_226 = arith.constant 77 : i32
      %lt3A_227 = arith.cmpi slt, %scan3A_203, %lt3A_226 : i32
      %convert_element_type3A_228 = arith.extui %lt3A_227 : i1 to i32
      %cond3A_229 = arith.constant 0 : i32
      %cond3A_230 = arith.cmpi ne, %convert_element_type3A_228, %cond3A_229 : i32
      scf.if %cond3A_230 {
        %dma_wait3A_231 = arith.constant 0 : i32
        %dma_wait3A_232 = arith.constant 0 : i32
        %dma_wait3A_233 = tpu.memref_slice %arg16[%dma_wait3A_231, %dma_wait3A_232] : memref<10240x128xf32, #tpu.memory_space<vmem_shared>> -> memref<10240x128xf32, #tpu.memory_space<vmem_shared>>
        tpu.wait_indirect_dma semaphore(%arg20 : memref<!tpu.dma_semaphore, #tpu.memory_space<semaphore_mem>>) src(%arg12 : memref<128x128xf32, #tpu.memory_space<vmem>>) dst(%dma_wait3A_233 : memref<10240x128xf32, #tpu.memory_space<vmem_shared>>)
        %add3A_234 = arith.constant 2 : i32
        %add3A_235 = arith.addi %add3A_219, %add3A_234 : i32
        %mul3A_236 = arith.constant 20000 : i32
        %mul3A_237 = arith.muli %arg1, %mul3A_236 : i32
        %mul3A_238 = arith.constant 128 : i32
        %mul3A_239 = arith.muli %add3A_235, %mul3A_238 : i32
        %add3A_240 = arith.addi %mul3A_237, %mul3A_239 : i32
        "tpu.region"() ({
          %run_scoped3A = tpu.sem_alloc : memref<!tpu.dma_semaphore, #tpu.memory_space<semaphore_mem>>
          %dma_start3A_316 = tpu.memref_slice %arg3[%add3A_240] : memref<320000xi32, #tpu.memory_space<hbm>> -> memref<128xi32, #tpu.memory_space<hbm>>
          %dma_start3A_317 = tpu.memref_slice %arg3[%add3A_240] : memref<320000xi32, #tpu.memory_space<hbm>> -> memref<128xi32, #tpu.memory_space<hbm>>
          tpu.enqueue_dma source(%dma_start3A_317 : memref<128xi32, #tpu.memory_space<hbm>>) target(%arg8 : memref<128xi32, #tpu.memory_space<vmem>>) target_semaphore(%run_scoped3A : memref<!tpu.dma_semaphore, #tpu.memory_space<semaphore_mem>>)
          %dma_wait3A_318 = tpu.memref_slice %arg3[%add3A_240] : memref<320000xi32, #tpu.memory_space<hbm>> -> memref<128xi32, #tpu.memory_space<hbm>>
          %dma_wait3A_319 = tpu.memref_slice %arg3[%add3A_240] : memref<320000xi32, #tpu.memory_space<hbm>> -> memref<128xi32, #tpu.memory_space<hbm>>
          tpu.wait_dma2 semaphore(%run_scoped3A : memref<!tpu.dma_semaphore, #tpu.memory_space<semaphore_mem>>) src(%dma_wait3A_319 : memref<128xi32, #tpu.memory_space<hbm>>) dst(%arg8 : memref<128xi32, #tpu.memory_space<vmem>>)
          tpu.yield
        }) : () -> ()
        "tpu.region"() ({
          %run_scoped3A = tpu.sem_alloc : memref<!tpu.dma_semaphore, #tpu.memory_space<semaphore_mem>>
          %dma_start3A_316 = tpu.memref_slice %arg4[%add3A_240] : memref<320000xi32, #tpu.memory_space<hbm>> -> memref<128xi32, #tpu.memory_space<hbm>>
          %dma_start3A_317 = tpu.memref_slice %arg4[%add3A_240] : memref<320000xi32, #tpu.memory_space<hbm>> -> memref<128xi32, #tpu.memory_space<hbm>>
          tpu.enqueue_dma source(%dma_start3A_317 : memref<128xi32, #tpu.memory_space<hbm>>) target(%arg10 : memref<128xi32, #tpu.memory_space<vmem>>) target_semaphore(%run_scoped3A : memref<!tpu.dma_semaphore, #tpu.memory_space<semaphore_mem>>)
          %dma_wait3A_318 = tpu.memref_slice %arg4[%add3A_240] : memref<320000xi32, #tpu.memory_space<hbm>> -> memref<128xi32, #tpu.memory_space<hbm>>
          %dma_wait3A_319 = tpu.memref_slice %arg4[%add3A_240] : memref<320000xi32, #tpu.memory_space<hbm>> -> memref<128xi32, #tpu.memory_space<hbm>>
          tpu.wait_dma2 semaphore(%run_scoped3A : memref<!tpu.dma_semaphore, #tpu.memory_space<semaphore_mem>>) src(%dma_wait3A_319 : memref<128xi32, #tpu.memory_space<hbm>>) dst(%arg10 : memref<128xi32, #tpu.memory_space<vmem>>)
          tpu.yield
        }) : () -> ()
        %get3A_241 = arith.constant 0 : index
        %get3A_242 = tpu.vector_load %arg8[%get3A_241] {strides = array<i32>} : memref<128xi32, #tpu.memory_space<vmem>>, vector<16xi32>,
        %get3A_243 = vector.shape_cast %get3A_242 : vector<16xi32> to vector<16xi32>
        %add3A_244 = vector.broadcast %mul3A_0 : i32 to vector<16xi32>
        %add3A_245 = arith.addi %get3A_243, %add3A_244 : vector<16xi32>
        %swap3A_246 = arith.constant 0 : index
        %swap3A_247 = tpu.vector_load %arg8[%swap3A_246] {strides = array<i32>} : memref<128xi32, #tpu.memory_space<vmem>>, vector<16xi32>,
        %swap3A_248 = vector.shape_cast %swap3A_247 : vector<16xi32> to vector<16xi32>
        %swap3A_249 = vector.shape_cast %add3A_245 : vector<16xi32> to vector<16xi32>
        tpu.vector_store %arg8[%swap3A_246], %swap3A_249 {strides = array<i32>} : memref<128xi32, #tpu.memory_space<vmem>>, vector<16xi32>,
        %get3A_250 = arith.constant 16 : index
        %get3A_251 = tpu.vector_load %arg8[%get3A_250] {strides = array<i32>} : memref<128xi32, #tpu.memory_space<vmem>>, vector<16xi32>,
        %get3A_252 = vector.shape_cast %get3A_251 : vector<16xi32> to vector<16xi32>
        %add3A_253 = vector.broadcast %mul3A_0 : i32 to vector<16xi32>
        %add3A_254 = arith.addi %get3A_252, %add3A_253 : vector<16xi32>
        %swap3A_255 = arith.constant 16 : index
        %swap3A_256 = tpu.vector_load %arg8[%swap3A_255] {strides = array<i32>} : memref<128xi32, #tpu.memory_space<vmem>>, vector<16xi32>,
        %swap3A_257 = vector.shape_cast %swap3A_256 : vector<16xi32> to vector<16xi32>
        %swap3A_258 = vector.shape_cast %add3A_254 : vector<16xi32> to vector<16xi32>
        tpu.vector_store %arg8[%swap3A_255], %swap3A_258 {strides = array<i32>} : memref<128xi32, #tpu.memory_space<vmem>>, vector<16xi32>,
        %get3A_259 = arith.constant 32 : index
        %get3A_260 = tpu.vector_load %arg8[%get3A_259] {strides = array<i32>} : memref<128xi32, #tpu.memory_space<vmem>>, vector<16xi32>,
        %get3A_261 = vector.shape_cast %get3A_260 : vector<16xi32> to vector<16xi32>
        %add3A_262 = vector.broadcast %mul3A_0 : i32 to vector<16xi32>
        %add3A_263 = arith.addi %get3A_261, %add3A_262 : vector<16xi32>
        %swap3A_264 = arith.constant 32 : index
        %swap3A_265 = tpu.vector_load %arg8[%swap3A_264] {strides = array<i32>} : memref<128xi32, #tpu.memory_space<vmem>>, vector<16xi32>,
        %swap3A_266 = vector.shape_cast %swap3A_265 : vector<16xi32> to vector<16xi32>
        %swap3A_267 = vector.shape_cast %add3A_263 : vector<16xi32> to vector<16xi32>
        tpu.vector_store %arg8[%swap3A_264], %swap3A_267 {strides = array<i32>} : memref<128xi32, #tpu.memory_space<vmem>>, vector<16xi32>,
        %get3A_268 = arith.constant 48 : index
        %get3A_269 = tpu.vector_load %arg8[%get3A_268] {strides = array<i32>} : memref<128xi32, #tpu.memory_space<vmem>>, vector<16xi32>,
        %get3A_270 = vector.shape_cast %get3A_269 : vector<16xi32> to vector<16xi32>
        %add3A_271 = vector.broadcast %mul3A_0 : i32 to vector<16xi32>
        %add3A_272 = arith.addi %get3A_270, %add3A_271 : vector<16xi32>
        %swap3A_273 = arith.constant 48 : index
        %swap3A_274 = tpu.vector_load %arg8[%swap3A_273] {strides = array<i32>} : memref<128xi32, #tpu.memory_space<vmem>>, vector<16xi32>,
        %swap3A_275 = vector.shape_cast %swap3A_274 : vector<16xi32> to vector<16xi32>
        %swap3A_276 = vector.shape_cast %add3A_272 : vector<16xi32> to vector<16xi32>
        tpu.vector_store %arg8[%swap3A_273], %swap3A_276 {strides = array<i32>} : memref<128xi32, #tpu.memory_space<vmem>>, vector<16xi32>,
        %get3A_277 = arith.constant 64 : index
        %get3A_278 = tpu.vector_load %arg8[%get3A_277] {strides = array<i32>} : memref<128xi32, #tpu.memory_space<vmem>>, vector<16xi32>,
        %get3A_279 = vector.shape_cast %get3A_278 : vector<16xi32> to vector<16xi32>
        %add3A_280 = vector.broadcast %mul3A_0 : i32 to vector<16xi32>
        %add3A_281 = arith.addi %get3A_279, %add3A_280 : vector<16xi32>
        %swap3A_282 = arith.constant 64 : index
        %swap3A_283 = tpu.vector_load %arg8[%swap3A_282] {strides = array<i32>} : memref<128xi32, #tpu.memory_space<vmem>>, vector<16xi32>,
        %swap3A_284 = vector.shape_cast %swap3A_283 : vector<16xi32> to vector<16xi32>
        %swap3A_285 = vector.shape_cast %add3A_281 : vector<16xi32> to vector<16xi32>
        tpu.vector_store %arg8[%swap3A_282], %swap3A_285 {strides = array<i32>} : memref<128xi32, #tpu.memory_space<vmem>>, vector<16xi32>,
        %get3A_286 = arith.constant 80 : index
        %get3A_287 = tpu.vector_load %arg8[%get3A_286] {strides = array<i32>} : memref<128xi32, #tpu.memory_space<vmem>>, vector<16xi32>,
        %get3A_288 = vector.shape_cast %get3A_287 : vector<16xi32> to vector<16xi32>
        %add3A_289 = vector.broadcast %mul3A_0 : i32 to vector<16xi32>
        %add3A_290 = arith.addi %get3A_288, %add3A_289 : vector<16xi32>
        %swap3A_291 = arith.constant 80 : index
        %swap3A_292 = tpu.vector_load %arg8[%swap3A_291] {strides = array<i32>} : memref<128xi32, #tpu.memory_space<vmem>>, vector<16xi32>,
        %swap3A_293 = vector.shape_cast %swap3A_292 : vector<16xi32> to vector<16xi32>
        %swap3A_294 = vector.shape_cast %add3A_290 : vector<16xi32> to vector<16xi32>
        tpu.vector_store %arg8[%swap3A_291], %swap3A_294 {strides = array<i32>} : memref<128xi32, #tpu.memory_space<vmem>>, vector<16xi32>,
        %get3A_295 = arith.constant 96 : index
        %get3A_296 = tpu.vector_load %arg8[%get3A_295] {strides = array<i32>} : memref<128xi32, #tpu.memory_space<vmem>>, vector<16xi32>,
        %get3A_297 = vector.shape_cast %get3A_296 : vector<16xi32> to vector<16xi32>
        %add3A_298 = vector.broadcast %mul3A_0 : i32 to vector<16xi32>
        %add3A_299 = arith.addi %get3A_297, %add3A_298 : vector<16xi32>
        %swap3A_300 = arith.constant 96 : index
        %swap3A_301 = tpu.vector_load %arg8[%swap3A_300] {strides = array<i32>} : memref<128xi32, #tpu.memory_space<vmem>>, vector<16xi32>,
        %swap3A_302 = vector.shape_cast %swap3A_301 : vector<16xi32> to vector<16xi32>
        %swap3A_303 = vector.shape_cast %add3A_299 : vector<16xi32> to vector<16xi32>
        tpu.vector_store %arg8[%swap3A_300], %swap3A_303 {strides = array<i32>} : memref<128xi32, #tpu.memory_space<vmem>>, vector<16xi32>,
        %get3A_304 = arith.constant 112 : index
        %get3A_305 = tpu.vector_load %arg8[%get3A_304] {strides = array<i32>} : memref<128xi32, #tpu.memory_space<vmem>>, vector<16xi32>,
        %get3A_306 = vector.shape_cast %get3A_305 : vector<16xi32> to vector<16xi32>
        %add3A_307 = vector.broadcast %mul3A_0 : i32 to vector<16xi32>
        %add3A_308 = arith.addi %get3A_306, %add3A_307 : vector<16xi32>
        %swap3A_309 = arith.constant 112 : index
        %swap3A_310 = tpu.vector_load %arg8[%swap3A_309] {strides = array<i32>} : memref<128xi32, #tpu.memory_space<vmem>>, vector<16xi32>,
        %swap3A_311 = vector.shape_cast %swap3A_310 : vector<16xi32> to vector<16xi32>
        %swap3A_312 = vector.shape_cast %add3A_308 : vector<16xi32> to vector<16xi32>
        tpu.vector_store %arg8[%swap3A_309], %swap3A_312 {strides = array<i32>} : memref<128xi32, #tpu.memory_space<vmem>>, vector<16xi32>,
        %dma_start3A_313 = arith.constant 0 : i32
        %dma_start3A_314 = arith.constant 0 : i32
        %dma_start3A_315 = tpu.memref_slice %arg2[%dma_start3A_313, %dma_start3A_314] : memref<20480x128xf32, #tpu.memory_space<hbm>> -> memref<20480x128xf32, #tpu.memory_space<hbm>>
        tpu.enqueue_indirect_dma source(%dma_start3A_315 : memref<20480x128xf32, #tpu.memory_space<hbm>>) target(%arg12 : memref<128x128xf32, #tpu.memory_space<vmem>>) offsets(%arg8 : memref<128xi32, #tpu.memory_space<vmem>>) semaphore(%arg18 : memref<!tpu.dma_semaphore, #tpu.memory_space<semaphore_mem>>)
      } else {
      }
    }
    %scan3A_161 = arith.constant 78 : i32
    %mul3A_162 = arith.constant 20000 : i32
    %mul3A_163 = arith.muli %arg1, %mul3A_162 : i32
    %add3A_164 = arith.constant 19968 : i32
    %add3A_165 = arith.addi %mul3A_163, %add3A_164 : i32
    "tpu.region"() ({
      %run_scoped3A = tpu.sem_alloc : memref<!tpu.dma_semaphore, #tpu.memory_space<semaphore_mem>>
      %dma_start3A_203 = tpu.memref_slice %arg3[%add3A_165] : memref<320000xi32, #tpu.memory_space<hbm>> -> memref<32xi32, #tpu.memory_space<hbm>>
      %dma_start3A_204 = tpu.memref_slice %arg3[%add3A_165] : memref<320000xi32, #tpu.memory_space<hbm>> -> memref<32xi32, #tpu.memory_space<hbm>>
      tpu.enqueue_dma source(%dma_start3A_204 : memref<32xi32, #tpu.memory_space<hbm>>) target(%arg13 : memref<32xi32, #tpu.memory_space<vmem>>) target_semaphore(%run_scoped3A : memref<!tpu.dma_semaphore, #tpu.memory_space<semaphore_mem>>)
      %dma_wait3A_205 = tpu.memref_slice %arg3[%add3A_165] : memref<320000xi32, #tpu.memory_space<hbm>> -> memref<32xi32, #tpu.memory_space<hbm>>
      %dma_wait3A_206 = tpu.memref_slice %arg3[%add3A_165] : memref<320000xi32, #tpu.memory_space<hbm>> -> memref<32xi32, #tpu.memory_space<hbm>>
      tpu.wait_dma2 semaphore(%run_scoped3A : memref<!tpu.dma_semaphore, #tpu.memory_space<semaphore_mem>>) src(%dma_wait3A_206 : memref<32xi32, #tpu.memory_space<hbm>>) dst(%arg13 : memref<32xi32, #tpu.memory_space<vmem>>)
      tpu.yield
    }) : () -> ()
    "tpu.region"() ({
      %run_scoped3A = tpu.sem_alloc : memref<!tpu.dma_semaphore, #tpu.memory_space<semaphore_mem>>
      %dma_start3A_203 = tpu.memref_slice %arg4[%add3A_165] : memref<320000xi32, #tpu.memory_space<hbm>> -> memref<32xi32, #tpu.memory_space<hbm>>
      %dma_start3A_204 = tpu.memref_slice %arg4[%add3A_165] : memref<320000xi32, #tpu.memory_space<hbm>> -> memref<32xi32, #tpu.memory_space<hbm>>
      tpu.enqueue_dma source(%dma_start3A_204 : memref<32xi32, #tpu.memory_space<hbm>>) target(%arg14 : memref<32xi32, #tpu.memory_space<vmem>>) target_semaphore(%run_scoped3A : memref<!tpu.dma_semaphore, #tpu.memory_space<semaphore_mem>>)
      %dma_wait3A_205 = tpu.memref_slice %arg4[%add3A_165] : memref<320000xi32, #tpu.memory_space<hbm>> -> memref<32xi32, #tpu.memory_space<hbm>>
      %dma_wait3A_206 = tpu.memref_slice %arg4[%add3A_165] : memref<320000xi32, #tpu.memory_space<hbm>> -> memref<32xi32, #tpu.memory_space<hbm>>
      tpu.wait_dma2 semaphore(%run_scoped3A : memref<!tpu.dma_semaphore, #tpu.memory_space<semaphore_mem>>) src(%dma_wait3A_206 : memref<32xi32, #tpu.memory_space<hbm>>) dst(%arg14 : memref<32xi32, #tpu.memory_space<vmem>>)
      tpu.yield
    }) : () -> ()
    %get3A_166 = arith.constant 0 : index
    %get3A_167 = tpu.vector_load %arg13[%get3A_166] {strides = array<i32>} : memref<32xi32, #tpu.memory_space<vmem>>, vector<16xi32>,
    %get3A_168 = vector.shape_cast %get3A_167 : vector<16xi32> to vector<16xi32>
    %add3A_169 = vector.broadcast %mul3A_0 : i32 to vector<16xi32>
    %add3A_170 = arith.addi %get3A_168, %add3A_169 : vector<16xi32>
    %swap3A_171 = arith.constant 0 : index
    %swap3A_172 = tpu.vector_load %arg13[%swap3A_171] {strides = array<i32>} : memref<32xi32, #tpu.memory_space<vmem>>, vector<16xi32>,
    %swap3A_173 = vector.shape_cast %swap3A_172 : vector<16xi32> to vector<16xi32>
    %swap3A_174 = vector.shape_cast %add3A_170 : vector<16xi32> to vector<16xi32>
    tpu.vector_store %arg13[%swap3A_171], %swap3A_174 {strides = array<i32>} : memref<32xi32, #tpu.memory_space<vmem>>, vector<16xi32>,
    %get3A_175 = arith.constant 16 : index
    %get3A_176 = tpu.vector_load %arg13[%get3A_175] {strides = array<i32>} : memref<32xi32, #tpu.memory_space<vmem>>, vector<16xi32>,
    %get3A_177 = vector.shape_cast %get3A_176 : vector<16xi32> to vector<16xi32>
    %add3A_178 = vector.broadcast %mul3A_0 : i32 to vector<16xi32>
    %add3A_179 = arith.addi %get3A_177, %add3A_178 : vector<16xi32>
    %swap3A_180 = arith.constant 16 : index
    %swap3A_181 = tpu.vector_load %arg13[%swap3A_180] {strides = array<i32>} : memref<32xi32, #tpu.memory_space<vmem>>, vector<16xi32>,
    %swap3A_182 = vector.shape_cast %swap3A_181 : vector<16xi32> to vector<16xi32>
    %swap3A_183 = vector.shape_cast %add3A_179 : vector<16xi32> to vector<16xi32>
    tpu.vector_store %arg13[%swap3A_180], %swap3A_183 {strides = array<i32>} : memref<32xi32, #tpu.memory_space<vmem>>, vector<16xi32>,
    %dma_start3A_184 = arith.constant 0 : i32
    %dma_start3A_185 = arith.constant 0 : i32
    %dma_start3A_186 = tpu.memref_slice %arg2[%dma_start3A_184, %dma_start3A_185] : memref<20480x128xf32, #tpu.memory_space<hbm>> -> memref<20480x128xf32, #tpu.memory_space<hbm>>
    tpu.enqueue_indirect_dma source(%dma_start3A_186 : memref<20480x128xf32, #tpu.memory_space<hbm>>) target(%arg15 : memref<32x128xf32, #tpu.memory_space<vmem>>) offsets(%arg13 : memref<32xi32, #tpu.memory_space<vmem>>) semaphore(%arg17 : memref<!tpu.dma_semaphore, #tpu.memory_space<semaphore_mem>>)
    %dma_wait3A = arith.constant 0 : i32
    %dma_wait3A_187 = arith.constant 0 : i32
    %dma_wait3A_188 = tpu.memref_slice %arg2[%dma_wait3A, %dma_wait3A_187] : memref<20480x128xf32, #tpu.memory_space<hbm>> -> memref<20480x128xf32, #tpu.memory_space<hbm>>
    tpu.wait_indirect_dma semaphore(%arg17 : memref<!tpu.dma_semaphore, #tpu.memory_space<semaphore_mem>>) src(%dma_wait3A_188 : memref<20480x128xf32, #tpu.memory_space<hbm>>) dst(%arg15 : memref<32x128xf32, #tpu.memory_space<vmem>>)
    "tpu.region"() ({
      %run_scoped3A = tpu.sem_alloc : memref<!tpu.dma_semaphore, #tpu.memory_space<semaphore_mem>>
      %dma_start3A_203 = arith.constant 0 : i32
      %dma_start3A_204 = arith.constant 0 : i32
      %dma_start3A_205 = tpu.memref_slice %arg16[%dma_start3A_203, %dma_start3A_204] : memref<10240x128xf32, #tpu.memory_space<vmem_shared>> -> memref<10240x128xf32, #tpu.memory_space<vmem_shared>>
      tpu.enqueue_indirect_dma source(%arg15 : memref<32x128xf32, #tpu.memory_space<vmem>>) target(%dma_start3A_205 : memref<10240x128xf32, #tpu.memory_space<vmem_shared>>) offsets(%arg14 : memref<32xi32, #tpu.memory_space<vmem>>) semaphore(%run_scoped3A : memref<!tpu.dma_semaphore, #tpu.memory_space<semaphore_mem>>) {add = true}
      %dma_wait3A_206 = arith.constant 0 : i32
      %dma_wait3A_207 = arith.constant 0 : i32
      %dma_wait3A_208 = tpu.memref_slice %arg16[%dma_wait3A_206, %dma_wait3A_207] : memref<10240x128xf32, #tpu.memory_space<vmem_shared>> -> memref<10240x128xf32, #tpu.memory_space<vmem_shared>>
      tpu.wait_indirect_dma semaphore(%run_scoped3A : memref<!tpu.dma_semaphore, #tpu.memory_space<semaphore_mem>>) src(%arg15 : memref<32x128xf32, #tpu.memory_space<vmem>>) dst(%dma_wait3A_208 : memref<10240x128xf32, #tpu.memory_space<vmem_shared>>)
      tpu.yield
    }) : () -> ()
    %dma_wait3A_189 = arith.constant 0 : i32
    %dma_wait3A_190 = arith.constant 0 : i32
    %dma_wait3A_191 = tpu.memref_slice %arg16[%dma_wait3A_189, %dma_wait3A_190] : memref<10240x128xf32, #tpu.memory_space<vmem_shared>> -> memref<10240x128xf32, #tpu.memory_space<vmem_shared>>
    tpu.wait_indirect_dma semaphore(%arg19 : memref<!tpu.dma_semaphore, #tpu.memory_space<semaphore_mem>>) src(%arg11 : memref<128x128xf32, #tpu.memory_space<vmem>>) dst(%dma_wait3A_191 : memref<10240x128xf32, #tpu.memory_space<vmem_shared>>)
    %dma_wait3A_192 = arith.constant 0 : i32
    %dma_wait3A_193 = arith.constant 0 : i32
    %dma_wait3A_194 = tpu.memref_slice %arg16[%dma_wait3A_192, %dma_wait3A_193] : memref<10240x128xf32, #tpu.memory_space<vmem_shared>> -> memref<10240x128xf32, #tpu.memory_space<vmem_shared>>
    tpu.wait_indirect_dma semaphore(%arg20 : memref<!tpu.dma_semaphore, #tpu.memory_space<semaphore_mem>>) src(%arg12 : memref<128x128xf32, #tpu.memory_space<vmem>>) dst(%dma_wait3A_194 : memref<10240x128xf32, #tpu.memory_space<vmem_shared>>)
    %barrier3A_195 = arith.constant 0 : index
    tpu.barrier barrier_id(%barrier3A_195)
    %mul3A_196 = arith.constant 640 : i32
    %mul3A_197 = arith.muli %arg1, %mul3A_196 : i32
    %mul3A_198 = arith.constant 10240 : i32
    %mul3A_199 = arith.muli %arg0, %mul3A_198 : i32
    %mul3A_200 = arith.constant 640 : i32
    %mul3A_201 = arith.muli %arg1, %mul3A_200 : i32
    %add3A_202 = arith.addi %mul3A_199, %mul3A_201 : i32
    "tpu.region"() ({
      %run_scoped3A = tpu.sem_alloc : memref<!tpu.dma_semaphore, #tpu.memory_space<semaphore_mem>>
      %dma_start3A_203 = arith.constant 0 : i32
      %dma_start3A_204 = tpu.memref_slice %arg6[%add3A_202, %dma_start3A_203] : memref<20480x128xf32, #tpu.memory_space<hbm>> -> memref<640x128xf32, #tpu.memory_space<hbm>>
      %dma_start3A_205 = arith.constant 0 : i32
      %dma_start3A_206 = tpu.memref_slice %arg16[%mul3A_197, %dma_start3A_205] : memref<10240x128xf32, #tpu.memory_space<vmem_shared>> -> memref<640x128xf32, #tpu.memory_space<vmem_shared>>
      tpu.enqueue_dma source(%dma_start3A_206 : memref<640x128xf32, #tpu.memory_space<vmem_shared>>) target(%dma_start3A_204 : memref<640x128xf32, #tpu.memory_space<hbm>>) target_semaphore(%run_scoped3A : memref<!tpu.dma_semaphore, #tpu.memory_space<semaphore_mem>>)
      %dma_wait3A_207 = arith.constant 0 : i32
      %dma_wait3A_208 = tpu.memref_slice %arg6[%add3A_202, %dma_wait3A_207] : memref<20480x128xf32, #tpu.memory_space<hbm>> -> memref<640x128xf32, #tpu.memory_space<hbm>>
      %dma_wait3A_209 = arith.constant 0 : i32
      %dma_wait3A_210 = tpu.memref_slice %arg16[%mul3A_197, %dma_wait3A_209] : memref<10240x128xf32, #tpu.memory_space<vmem_shared>> -> memref<640x128xf32, #tpu.memory_space<vmem_shared>>
      tpu.wait_dma2 semaphore(%run_scoped3A : memref<!tpu.dma_semaphore, #tpu.memory_space<semaphore_mem>>) src(%dma_wait3A_210 : memref<640x128xf32, #tpu.memory_space<vmem_shared>>) dst(%dma_wait3A_208 : memref<640x128xf32, #tpu.memory_space<hbm>>)
      tpu.yield
    }) : () -> ()
    return
  }
}

module attributes {stable_mosaic.version = 14 : i64} {
  func.func @_layer2_body(%arg0: i32, %arg1: memref<2x2560x128xf32, #tpu.memory_space<vmem>>, %arg2: memref<2x2560x128xf32, #tpu.memory_space<vmem>>, %arg3: memref<2x2560xf32, #tpu.memory_space<vmem>>, %arg4: memref<256x256xf32, #tpu.memory_space<vmem>>, %arg5: memref<256x256xf32, #tpu.memory_space<vmem>>, %arg6: memref<1x256xf32, #tpu.memory_space<vmem>>, %arg7: memref<1x256xf32, #tpu.memory_space<vmem>>, %arg8: memref<2x2560x128xf32, #tpu.memory_space<vmem>>) attributes {dimension_semantics = [#tpu.dimension_semantics<arbitrary>], iteration_bounds = array<i64: 4>, scalar_prefetch = 0 : i64, scratch_operands = 0 : i64, tpu.core_type = #tpu.core_type<tc>, window_params = [{transform_indices = @transform_0, window_bounds = array<i64: 2, 2560, 128>}, {transform_indices = @transform_1, window_bounds = array<i64: 2, 2560, 128>}, {transform_indices = @transform_2, window_bounds = array<i64: 2, 2560>}, {pipeline_mode = #tpu.pipeline_mode<synchronous>, transform_indices = @transform_3, window_bounds = array<i64: 256, 256>}, {pipeline_mode = #tpu.pipeline_mode<synchronous>, transform_indices = @transform_4, window_bounds = array<i64: 256, 256>}, {pipeline_mode = #tpu.pipeline_mode<synchronous>, transform_indices = @transform_5, window_bounds = array<i64: 1, 256>}, {pipeline_mode = #tpu.pipeline_mode<synchronous>, transform_indices = @transform_6, window_bounds = array<i64: 1, 256>}, {transform_indices = @transform_7, window_bounds = array<i64: 2, 2560, 128>}]} {
    %get3A = arith.constant 0 : index
    %get3A_0 = arith.constant 0 : index
    %get3A_1 = arith.constant 0 : index
    %get3A_2 = vector.load %arg1[%get3A, %get3A_0, %get3A_1] : memref<2x2560x128xf32, #tpu.memory_space<vmem>>, vector<1x2560x128xf32>
    %get3A_3 = vector.shape_cast %get3A_2 : vector<1x2560x128xf32> to vector<2560x128xf32>
    %get3A_4 = arith.constant 1 : index
    %get3A_5 = arith.constant 0 : index
    %get3A_6 = arith.constant 0 : index
    %get3A_7 = vector.load %arg1[%get3A_4, %get3A_5, %get3A_6] : memref<2x2560x128xf32, #tpu.memory_space<vmem>>, vector<1x2560x128xf32>
    %get3A_8 = vector.shape_cast %get3A_7 : vector<1x2560x128xf32> to vector<2560x128xf32>
    %concatenate3A = tpu.concatenate %get3A_3, %get3A_8 in 1 : vector<2560x128xf32>, vector<2560x128xf32> -> vector<2560x256xf32>
    %get3A_9 = arith.constant 0 : index
    %get3A_10 = arith.constant 0 : index
    %get3A_11 = arith.constant 0 : index
    %get3A_12 = vector.load %arg2[%get3A_9, %get3A_10, %get3A_11] : memref<2x2560x128xf32, #tpu.memory_space<vmem>>, vector<1x2560x128xf32>
    %get3A_13 = vector.shape_cast %get3A_12 : vector<1x2560x128xf32> to vector<2560x128xf32>
    %get3A_14 = arith.constant 1 : index
    %get3A_15 = arith.constant 0 : index
    %get3A_16 = arith.constant 0 : index
    %get3A_17 = vector.load %arg2[%get3A_14, %get3A_15, %get3A_16] : memref<2x2560x128xf32, #tpu.memory_space<vmem>>, vector<1x2560x128xf32>
    %get3A_18 = vector.shape_cast %get3A_17 : vector<1x2560x128xf32> to vector<2560x128xf32>
    %concatenate3A_19 = tpu.concatenate %get3A_13, %get3A_18 in 1 : vector<2560x128xf32>, vector<2560x128xf32> -> vector<2560x256xf32>
    %get3A_20 = arith.constant 0 : index
    %get3A_21 = arith.constant 0 : index
    %get3A_22 = vector.load %arg3[%get3A_20, %get3A_21] : memref<2x2560xf32, #tpu.memory_space<vmem>>, vector<1x2560xf32>
    %get3A_23 = vector.shape_cast %get3A_22 : vector<1x2560xf32> to vector<2560xf32>
    %get3A_24 = arith.constant 1 : index
    %get3A_25 = arith.constant 0 : index
    %get3A_26 = vector.load %arg3[%get3A_24, %get3A_25] : memref<2x2560xf32, #tpu.memory_space<vmem>>, vector<1x2560xf32>
    %get3A_27 = vector.shape_cast %get3A_26 : vector<1x2560xf32> to vector<2560xf32>
    %add3A = arith.addf %get3A_23, %get3A_27 : vector<2560xf32>
    %max3A = arith.constant 1.000000e+00 : f32
    %max3A_28 = vector.broadcast %max3A : f32 to vector<2560xf32>
    %max3A_29 = arith.maximumf %add3A, %max3A_28 : vector<2560xf32>
    %div3A = arith.constant 1.000000e+00 : f32
    %div3A_30 = vector.broadcast %div3A : f32 to vector<2560xf32>
    %div3A_31 = arith.divf %div3A_30, %max3A_29 : vector<2560xf32>
    %broadcast_in_dim3A = vector.shape_cast %div3A_31 : vector<2560xf32> to vector<2560x1xf32>
    %mul3A = vector.broadcast %broadcast_in_dim3A : vector<2560x1xf32> to vector<2560x256xf32>
    %mul3A_32 = arith.mulf %concatenate3A_19, %mul3A : vector<2560x256xf32>
    %get3A_33 = arith.constant 0 : index
    %get3A_34 = arith.constant 0 : index
    %get3A_35 = vector.load %arg4[%get3A_33, %get3A_34] : memref<256x256xf32, #tpu.memory_space<vmem>>, vector<256x256xf32>
    %dot_general3A = arith.constant dense<0.000000e+00> : vector<2560x256xf32>
    %dot_general3A_36 = tpu.matmul %concatenate3A, %get3A_35, %dot_general3A {dimension_numbers = #tpu.dot_dimension_numbers<[1], [0], [0], [1], [0, 0, 1, 1], [], []>, transpose_lhs_hint = false} : vector<2560x256xf32>, vector<256x256xf32>, vector<2560x256xf32> -> vector<2560x256xf32>
    %get3A_37 = arith.constant 0 : index
    %get3A_38 = arith.constant 0 : index
    %get3A_39 = vector.load %arg5[%get3A_37, %get3A_38] : memref<256x256xf32, #tpu.memory_space<vmem>>, vector<256x256xf32>
    %dot_general3A_40 = arith.constant dense<0.000000e+00> : vector<2560x256xf32>
    %dot_general3A_41 = tpu.matmul %mul3A_32, %get3A_39, %dot_general3A_40 {dimension_numbers = #tpu.dot_dimension_numbers<[1], [0], [0], [1], [0, 0, 1, 1], [], []>, transpose_lhs_hint = false} : vector<2560x256xf32>, vector<256x256xf32>, vector<2560x256xf32> -> vector<2560x256xf32>
    %add3A_42 = arith.addf %dot_general3A_36, %dot_general3A_41 : vector<2560x256xf32>
    %get3A_43 = arith.constant 0 : index
    %get3A_44 = arith.constant 0 : index
    %get3A_45 = vector.load %arg6[%get3A_43, %get3A_44] : memref<1x256xf32, #tpu.memory_space<vmem>>, vector<1x256xf32>
    %mul3A_46 = vector.broadcast %get3A_45 : vector<1x256xf32> to vector<2560x256xf32>
    %mul3A_47 = arith.mulf %add3A_42, %mul3A_46 : vector<2560x256xf32>
    %get3A_48 = arith.constant 0 : index
    %get3A_49 = arith.constant 0 : index
    %get3A_50 = vector.load %arg7[%get3A_48, %get3A_49] : memref<1x256xf32, #tpu.memory_space<vmem>>, vector<1x256xf32>
    %add3A_51 = vector.broadcast %get3A_50 : vector<1x256xf32> to vector<2560x256xf32>
    %add3A_52 = arith.addf %mul3A_47, %add3A_51 : vector<2560x256xf32>
    %ge3A = arith.constant 0.000000e+00 : f32
    %ge3A_53 = vector.broadcast %ge3A : f32 to vector<2560x256xf32>
    %ge3A_54 = arith.cmpf oge, %add3A_52, %ge3A_53 : vector<2560x256xf32>
    %mul3A_55 = arith.constant 0.00999999977 : f32
    %mul3A_56 = vector.broadcast %mul3A_55 : f32 to vector<2560x256xf32>
    %mul3A_57 = arith.mulf %mul3A_56, %add3A_52 : vector<2560x256xf32>
    %select_n3A = arith.select %ge3A_54, %add3A_52, %mul3A_57 : vector<2560x256xi1>, vector<2560x256xf32>
    %slice3A = vector.extract_strided_slice %select_n3A {offsets = [0, 0], sizes = [2560, 128], strides = [1, 1]} : vector<2560x256xf32> to vector<2560x128xf32>
    %swap3A = arith.constant 0 : index
    %swap3A_58 = arith.constant 0 : index
    %swap3A_59 = arith.constant 0 : index
    %swap3A_60 = vector.load %arg8[%swap3A, %swap3A_58, %swap3A_59] : memref<2x2560x128xf32, #tpu.memory_space<vmem>>, vector<1x2560x128xf32>
    %swap3A_61 = vector.shape_cast %swap3A_60 : vector<1x2560x128xf32> to vector<2560x128xf32>
    %swap3A_62 = vector.shape_cast %slice3A : vector<2560x128xf32> to vector<1x2560x128xf32>
    tpu.vector_store %arg8[%swap3A, %swap3A_58, %swap3A_59], %swap3A_62 {strides = array<i32>} : memref<2x2560x128xf32, #tpu.memory_space<vmem>>, vector<1x2560x128xf32>,
    %slice3A_63 = vector.extract_strided_slice %select_n3A {offsets = [0, 128], sizes = [2560, 128], strides = [1, 1]} : vector<2560x256xf32> to vector<2560x128xf32>
    %swap3A_64 = arith.constant 1 : index
    %swap3A_65 = arith.constant 0 : index
    %swap3A_66 = arith.constant 0 : index
    %swap3A_67 = vector.load %arg8[%swap3A_64, %swap3A_65, %swap3A_66] : memref<2x2560x128xf32, #tpu.memory_space<vmem>>, vector<1x2560x128xf32>
    %swap3A_68 = vector.shape_cast %swap3A_67 : vector<1x2560x128xf32> to vector<2560x128xf32>
    %swap3A_69 = vector.shape_cast %slice3A_63 : vector<2560x128xf32> to vector<1x2560x128xf32>
    tpu.vector_store %arg8[%swap3A_64, %swap3A_65, %swap3A_66], %swap3A_69 {strides = array<i32>} : memref<2x2560x128xf32, #tpu.memory_space<vmem>>, vector<1x2560x128xf32>,
    return
  }
  func.func @transform_0(%arg0: i32) -> (i32, i32, i32) {
    %c0_i32 = arith.constant 0 : i32
    %c0_i32_0 = arith.constant 0 : i32
    %c0_i32_1 = arith.constant 0 : i32
    return %c0_i32, %arg0, %c0_i32_0 : i32, i32, i32
  }
  func.func @transform_1(%arg0: i32) -> (i32, i32, i32) {
    %c0_i32 = arith.constant 0 : i32
    %c0_i32_0 = arith.constant 0 : i32
    %c0_i32_1 = arith.constant 0 : i32
    return %c0_i32, %arg0, %c0_i32_0 : i32, i32, i32
  }
  func.func @transform_2(%arg0: i32) -> (i32, i32) {
    %c0_i32 = arith.constant 0 : i32
    %c0_i32_0 = arith.constant 0 : i32
    return %c0_i32, %arg0 : i32, i32
  }
  func.func @transform_3(%arg0: i32) -> (i32, i32) {
    %c0_i32 = arith.constant 0 : i32
    %c0_i32_0 = arith.constant 0 : i32
    %c0_i32_1 = arith.constant 0 : i32
    return %c0_i32, %c0_i32_0 : i32, i32
  }
  func.func @transform_4(%arg0: i32) -> (i32, i32) {
    %c0_i32 = arith.constant 0 : i32
    %c0_i32_0 = arith.constant 0 : i32
    %c0_i32_1 = arith.constant 0 : i32
    return %c0_i32, %c0_i32_0 : i32, i32
  }
  func.func @transform_5(%arg0: i32) -> (i32, i32) {
    %c0_i32 = arith.constant 0 : i32
    %c0_i32_0 = arith.constant 0 : i32
    %c0_i32_1 = arith.constant 0 : i32
    return %c0_i32, %c0_i32_0 : i32, i32
  }
  func.func @transform_6(%arg0: i32) -> (i32, i32) {
    %c0_i32 = arith.constant 0 : i32
    %c0_i32_0 = arith.constant 0 : i32
    %c0_i32_1 = arith.constant 0 : i32
    return %c0_i32, %c0_i32_0 : i32, i32
  }
  func.func @transform_7(%arg0: i32) -> (i32, i32, i32) {
    %c0_i32 = arith.constant 0 : i32
    %c0_i32_0 = arith.constant 0 : i32
    %c0_i32_1 = arith.constant 0 : i32
    return %c0_i32, %arg0, %c0_i32_0 : i32, i32, i32
  }
}

module attributes {stable_mosaic.version = 14 : i64} {
  func.func @_layer1_body(%arg0: i32, %arg1: memref<2560x128xf32, #tpu.memory_space<vmem>>, %arg2: memref<2x2560x128xf32, #tpu.memory_space<vmem>>, %arg3: memref<2x2560xf32, #tpu.memory_space<vmem>>, %arg4: memref<128x256xf32, #tpu.memory_space<vmem>>, %arg5: memref<128x256xf32, #tpu.memory_space<vmem>>, %arg6: memref<1x256xf32, #tpu.memory_space<vmem>>, %arg7: memref<1x256xf32, #tpu.memory_space<vmem>>, %arg8: memref<2x2560x128xf32, #tpu.memory_space<vmem>>) attributes {dimension_semantics = [#tpu.dimension_semantics<arbitrary>], iteration_bounds = array<i64: 4>, scalar_prefetch = 0 : i64, scratch_operands = 0 : i64, tpu.core_type = #tpu.core_type<tc>, window_params = [{transform_indices = @transform_0, window_bounds = array<i64: 2560, 128>}, {transform_indices = @transform_1, window_bounds = array<i64: 2, 2560, 128>}, {transform_indices = @transform_2, window_bounds = array<i64: 2, 2560>}, {pipeline_mode = #tpu.pipeline_mode<synchronous>, transform_indices = @transform_3, window_bounds = array<i64: 128, 256>}, {pipeline_mode = #tpu.pipeline_mode<synchronous>, transform_indices = @transform_4, window_bounds = array<i64: 128, 256>}, {pipeline_mode = #tpu.pipeline_mode<synchronous>, transform_indices = @transform_5, window_bounds = array<i64: 1, 256>}, {pipeline_mode = #tpu.pipeline_mode<synchronous>, transform_indices = @transform_6, window_bounds = array<i64: 1, 256>}, {transform_indices = @transform_7, window_bounds = array<i64: 2, 2560, 128>}]} {
    %get3A = arith.constant 0 : index
    %get3A_0 = arith.constant 0 : index
    %get3A_1 = arith.constant 0 : index
    %get3A_2 = vector.load %arg2[%get3A, %get3A_0, %get3A_1] : memref<2x2560x128xf32, #tpu.memory_space<vmem>>, vector<1x2560x128xf32>
    %get3A_3 = vector.shape_cast %get3A_2 : vector<1x2560x128xf32> to vector<2560x128xf32>
    %get3A_4 = arith.constant 1 : index
    %get3A_5 = arith.constant 0 : index
    %get3A_6 = arith.constant 0 : index
    %get3A_7 = vector.load %arg2[%get3A_4, %get3A_5, %get3A_6] : memref<2x2560x128xf32, #tpu.memory_space<vmem>>, vector<1x2560x128xf32>
    %get3A_8 = vector.shape_cast %get3A_7 : vector<1x2560x128xf32> to vector<2560x128xf32>
    %add3A = arith.addf %get3A_3, %get3A_8 : vector<2560x128xf32>
    %get3A_9 = arith.constant 0 : index
    %get3A_10 = arith.constant 0 : index
    %get3A_11 = vector.load %arg3[%get3A_9, %get3A_10] : memref<2x2560xf32, #tpu.memory_space<vmem>>, vector<1x2560xf32>
    %get3A_12 = vector.shape_cast %get3A_11 : vector<1x2560xf32> to vector<2560xf32>
    %get3A_13 = arith.constant 1 : index
    %get3A_14 = arith.constant 0 : index
    %get3A_15 = vector.load %arg3[%get3A_13, %get3A_14] : memref<2x2560xf32, #tpu.memory_space<vmem>>, vector<1x2560xf32>
    %get3A_16 = vector.shape_cast %get3A_15 : vector<1x2560xf32> to vector<2560xf32>
    %add3A_17 = arith.addf %get3A_12, %get3A_16 : vector<2560xf32>
    %max3A = arith.constant 1.000000e+00 : f32
    %max3A_18 = vector.broadcast %max3A : f32 to vector<2560xf32>
    %max3A_19 = arith.maximumf %add3A_17, %max3A_18 : vector<2560xf32>
    %div3A = arith.constant 1.000000e+00 : f32
    %div3A_20 = vector.broadcast %div3A : f32 to vector<2560xf32>
    %div3A_21 = arith.divf %div3A_20, %max3A_19 : vector<2560xf32>
    %broadcast_in_dim3A = vector.shape_cast %div3A_21 : vector<2560xf32> to vector<2560x1xf32>
    %mul3A = vector.broadcast %broadcast_in_dim3A : vector<2560x1xf32> to vector<2560x128xf32>
    %mul3A_22 = arith.mulf %add3A, %mul3A : vector<2560x128xf32>
    %get3A_23 = arith.constant 0 : index
    %get3A_24 = arith.constant 0 : index
    %get3A_25 = vector.load %arg1[%get3A_23, %get3A_24] : memref<2560x128xf32, #tpu.memory_space<vmem>>, vector<2560x128xf32>
    %get3A_26 = arith.constant 0 : index
    %get3A_27 = arith.constant 0 : index
    %get3A_28 = vector.load %arg4[%get3A_26, %get3A_27] : memref<128x256xf32, #tpu.memory_space<vmem>>, vector<128x256xf32>
    %dot_general3A = arith.constant dense<0.000000e+00> : vector<2560x256xf32>
    %dot_general3A_29 = tpu.matmul %get3A_25, %get3A_28, %dot_general3A {dimension_numbers = #tpu.dot_dimension_numbers<[1], [0], [0], [1], [0, 0, 1, 1], [], []>, transpose_lhs_hint = false} : vector<2560x128xf32>, vector<128x256xf32>, vector<2560x256xf32> -> vector<2560x256xf32>
    %get3A_30 = arith.constant 0 : index
    %get3A_31 = arith.constant 0 : index
    %get3A_32 = vector.load %arg5[%get3A_30, %get3A_31] : memref<128x256xf32, #tpu.memory_space<vmem>>, vector<128x256xf32>
    %dot_general3A_33 = arith.constant dense<0.000000e+00> : vector<2560x256xf32>
    %dot_general3A_34 = tpu.matmul %mul3A_22, %get3A_32, %dot_general3A_33 {dimension_numbers = #tpu.dot_dimension_numbers<[1], [0], [0], [1], [0, 0, 1, 1], [], []>, transpose_lhs_hint = false} : vector<2560x128xf32>, vector<128x256xf32>, vector<2560x256xf32> -> vector<2560x256xf32>
    %add3A_35 = arith.addf %dot_general3A_29, %dot_general3A_34 : vector<2560x256xf32>
    %get3A_36 = arith.constant 0 : index
    %get3A_37 = arith.constant 0 : index
    %get3A_38 = vector.load %arg6[%get3A_36, %get3A_37] : memref<1x256xf32, #tpu.memory_space<vmem>>, vector<1x256xf32>
    %mul3A_39 = vector.broadcast %get3A_38 : vector<1x256xf32> to vector<2560x256xf32>
    %mul3A_40 = arith.mulf %add3A_35, %mul3A_39 : vector<2560x256xf32>
    %get3A_41 = arith.constant 0 : index
    %get3A_42 = arith.constant 0 : index
    %get3A_43 = vector.load %arg7[%get3A_41, %get3A_42] : memref<1x256xf32, #tpu.memory_space<vmem>>, vector<1x256xf32>
    %add3A_44 = vector.broadcast %get3A_43 : vector<1x256xf32> to vector<2560x256xf32>
    %add3A_45 = arith.addf %mul3A_40, %add3A_44 : vector<2560x256xf32>
    %ge3A = arith.constant 0.000000e+00 : f32
    %ge3A_46 = vector.broadcast %ge3A : f32 to vector<2560x256xf32>
    %ge3A_47 = arith.cmpf oge, %add3A_45, %ge3A_46 : vector<2560x256xf32>
    %mul3A_48 = arith.constant 0.00999999977 : f32
    %mul3A_49 = vector.broadcast %mul3A_48 : f32 to vector<2560x256xf32>
    %mul3A_50 = arith.mulf %mul3A_49, %add3A_45 : vector<2560x256xf32>
    %select_n3A = arith.select %ge3A_47, %add3A_45, %mul3A_50 : vector<2560x256xi1>, vector<2560x256xf32>
    %slice3A = vector.extract_strided_slice %select_n3A {offsets = [0, 0], sizes = [2560, 128], strides = [1, 1]} : vector<2560x256xf32> to vector<2560x128xf32>
    %swap3A = arith.constant 0 : index
    %swap3A_51 = arith.constant 0 : index
    %swap3A_52 = arith.constant 0 : index
    %swap3A_53 = vector.load %arg8[%swap3A, %swap3A_51, %swap3A_52] : memref<2x2560x128xf32, #tpu.memory_space<vmem>>, vector<1x2560x128xf32>
    %swap3A_54 = vector.shape_cast %swap3A_53 : vector<1x2560x128xf32> to vector<2560x128xf32>
    %swap3A_55 = vector.shape_cast %slice3A : vector<2560x128xf32> to vector<1x2560x128xf32>
    tpu.vector_store %arg8[%swap3A, %swap3A_51, %swap3A_52], %swap3A_55 {strides = array<i32>} : memref<2x2560x128xf32, #tpu.memory_space<vmem>>, vector<1x2560x128xf32>,
    %slice3A_56 = vector.extract_strided_slice %select_n3A {offsets = [0, 128], sizes = [2560, 128], strides = [1, 1]} : vector<2560x256xf32> to vector<2560x128xf32>
    %swap3A_57 = arith.constant 1 : index
    %swap3A_58 = arith.constant 0 : index
    %swap3A_59 = arith.constant 0 : index
    %swap3A_60 = vector.load %arg8[%swap3A_57, %swap3A_58, %swap3A_59] : memref<2x2560x128xf32, #tpu.memory_space<vmem>>, vector<1x2560x128xf32>
    %swap3A_61 = vector.shape_cast %swap3A_60 : vector<1x2560x128xf32> to vector<2560x128xf32>
    %swap3A_62 = vector.shape_cast %slice3A_56 : vector<2560x128xf32> to vector<1x2560x128xf32>
    tpu.vector_store %arg8[%swap3A_57, %swap3A_58, %swap3A_59], %swap3A_62 {strides = array<i32>} : memref<2x2560x128xf32, #tpu.memory_space<vmem>>, vector<1x2560x128xf32>,
    return
  }
  func.func @transform_0(%arg0: i32) -> (i32, i32) {
    %c0_i32 = arith.constant 0 : i32
    %c0_i32_0 = arith.constant 0 : i32
    return %arg0, %c0_i32 : i32, i32
  }
  func.func @transform_1(%arg0: i32) -> (i32, i32, i32) {
    %c0_i32 = arith.constant 0 : i32
    %c0_i32_0 = arith.constant 0 : i32
    %c0_i32_1 = arith.constant 0 : i32
    return %c0_i32, %arg0, %c0_i32_0 : i32, i32, i32
  }
  func.func @transform_2(%arg0: i32) -> (i32, i32) {
    %c0_i32 = arith.constant 0 : i32
    %c0_i32_0 = arith.constant 0 : i32
    return %c0_i32, %arg0 : i32, i32
  }
  func.func @transform_3(%arg0: i32) -> (i32, i32) {
    %c0_i32 = arith.constant 0 : i32
    %c0_i32_0 = arith.constant 0 : i32
    %c0_i32_1 = arith.constant 0 : i32
    return %c0_i32, %c0_i32_0 : i32, i32
  }
  func.func @transform_4(%arg0: i32) -> (i32, i32) {
    %c0_i32 = arith.constant 0 : i32
    %c0_i32_0 = arith.constant 0 : i32
    %c0_i32_1 = arith.constant 0 : i32
    return %c0_i32, %c0_i32_0 : i32, i32
  }
  func.func @transform_5(%arg0: i32) -> (i32, i32) {
    %c0_i32 = arith.constant 0 : i32
    %c0_i32_0 = arith.constant 0 : i32
    %c0_i32_1 = arith.constant 0 : i32
    return %c0_i32, %c0_i32_0 : i32, i32
  }
  func.func @transform_6(%arg0: i32) -> (i32, i32) {
    %c0_i32 = arith.constant 0 : i32
    %c0_i32_0 = arith.constant 0 : i32
    %c0_i32_1 = arith.constant 0 : i32
    return %c0_i32, %c0_i32_0 : i32, i32
  }
  func.func @transform_7(%arg0: i32) -> (i32, i32, i32) {
    %c0_i32 = arith.constant 0 : i32
    %c0_i32_0 = arith.constant 0 : i32
    %c0_i32_1 = arith.constant 0 : i32
    return %c0_i32, %arg0, %c0_i32_0 : i32, i32, i32
  }
}

module attributes {stable_mosaic.version = 14 : i64} {
  func.func @_layer3_body(%arg0: i32, %arg1: memref<2x2560x128xf32, #tpu.memory_space<vmem>>, %arg2: memref<2x2560x128xf32, #tpu.memory_space<vmem>>, %arg3: memref<2x2560xf32, #tpu.memory_space<vmem>>, %arg4: memref<256x256xf32, #tpu.memory_space<vmem>>, %arg5: memref<256x256xf32, #tpu.memory_space<vmem>>, %arg6: memref<1x256xf32, #tpu.memory_space<vmem>>, %arg7: memref<1x256xf32, #tpu.memory_space<vmem>>, %arg8: memref<1x256xf32, #tpu.memory_space<vmem>>) attributes {dimension_semantics = [#tpu.dimension_semantics<arbitrary>], iteration_bounds = array<i64: 4>, scalar_prefetch = 0 : i64, scratch_operands = 0 : i64, tpu.core_type = #tpu.core_type<tc>, window_params = [{transform_indices = @transform_0, window_bounds = array<i64: 2, 2560, 128>}, {transform_indices = @transform_1, window_bounds = array<i64: 2, 2560, 128>}, {transform_indices = @transform_2, window_bounds = array<i64: 2, 2560>}, {pipeline_mode = #tpu.pipeline_mode<synchronous>, transform_indices = @transform_3, window_bounds = array<i64: 256, 256>}, {pipeline_mode = #tpu.pipeline_mode<synchronous>, transform_indices = @transform_4, window_bounds = array<i64: 256, 256>}, {pipeline_mode = #tpu.pipeline_mode<synchronous>, transform_indices = @transform_5, window_bounds = array<i64: 1, 256>}, {pipeline_mode = #tpu.pipeline_mode<synchronous>, transform_indices = @transform_6, window_bounds = array<i64: 1, 256>}, {pipeline_mode = #tpu.pipeline_mode<synchronous>, transform_indices = @transform_7, window_bounds = array<i64: 1, 256>}]} {
    %get3A = arith.constant 0 : index
    %get3A_0 = arith.constant 0 : index
    %get3A_1 = arith.constant 0 : index
    %get3A_2 = vector.load %arg1[%get3A, %get3A_0, %get3A_1] : memref<2x2560x128xf32, #tpu.memory_space<vmem>>, vector<1x2560x128xf32>
    %get3A_3 = vector.shape_cast %get3A_2 : vector<1x2560x128xf32> to vector<2560x128xf32>
    %get3A_4 = arith.constant 1 : index
    %get3A_5 = arith.constant 0 : index
    %get3A_6 = arith.constant 0 : index
    %get3A_7 = vector.load %arg1[%get3A_4, %get3A_5, %get3A_6] : memref<2x2560x128xf32, #tpu.memory_space<vmem>>, vector<1x2560x128xf32>
    %get3A_8 = vector.shape_cast %get3A_7 : vector<1x2560x128xf32> to vector<2560x128xf32>
    %concatenate3A = tpu.concatenate %get3A_3, %get3A_8 in 1 : vector<2560x128xf32>, vector<2560x128xf32> -> vector<2560x256xf32>
    %get3A_9 = arith.constant 0 : index
    %get3A_10 = arith.constant 0 : index
    %get3A_11 = arith.constant 0 : index
    %get3A_12 = vector.load %arg2[%get3A_9, %get3A_10, %get3A_11] : memref<2x2560x128xf32, #tpu.memory_space<vmem>>, vector<1x2560x128xf32>
    %get3A_13 = vector.shape_cast %get3A_12 : vector<1x2560x128xf32> to vector<2560x128xf32>
    %get3A_14 = arith.constant 1 : index
    %get3A_15 = arith.constant 0 : index
    %get3A_16 = arith.constant 0 : index
    %get3A_17 = vector.load %arg2[%get3A_14, %get3A_15, %get3A_16] : memref<2x2560x128xf32, #tpu.memory_space<vmem>>, vector<1x2560x128xf32>
    %get3A_18 = vector.shape_cast %get3A_17 : vector<1x2560x128xf32> to vector<2560x128xf32>
    %concatenate3A_19 = tpu.concatenate %get3A_13, %get3A_18 in 1 : vector<2560x128xf32>, vector<2560x128xf32> -> vector<2560x256xf32>
    %get3A_20 = arith.constant 0 : index
    %get3A_21 = arith.constant 0 : index
    %get3A_22 = vector.load %arg3[%get3A_20, %get3A_21] : memref<2x2560xf32, #tpu.memory_space<vmem>>, vector<1x2560xf32>
    %get3A_23 = vector.shape_cast %get3A_22 : vector<1x2560xf32> to vector<2560xf32>
    %get3A_24 = arith.constant 1 : index
    %get3A_25 = arith.constant 0 : index
    %get3A_26 = vector.load %arg3[%get3A_24, %get3A_25] : memref<2x2560xf32, #tpu.memory_space<vmem>>, vector<1x2560xf32>
    %get3A_27 = vector.shape_cast %get3A_26 : vector<1x2560xf32> to vector<2560xf32>
    %add3A = arith.addf %get3A_23, %get3A_27 : vector<2560xf32>
    %max3A = arith.constant 1.000000e+00 : f32
    %max3A_28 = vector.broadcast %max3A : f32 to vector<2560xf32>
    %max3A_29 = arith.maximumf %add3A, %max3A_28 : vector<2560xf32>
    %div3A = arith.constant 1.000000e+00 : f32
    %div3A_30 = vector.broadcast %div3A : f32 to vector<2560xf32>
    %div3A_31 = arith.divf %div3A_30, %max3A_29 : vector<2560xf32>
    %broadcast_in_dim3A = vector.shape_cast %div3A_31 : vector<2560xf32> to vector<2560x1xf32>
    %mul3A = vector.broadcast %broadcast_in_dim3A : vector<2560x1xf32> to vector<2560x256xf32>
    %mul3A_32 = arith.mulf %concatenate3A_19, %mul3A : vector<2560x256xf32>
    %get3A_33 = arith.constant 0 : index
    %get3A_34 = arith.constant 0 : index
    %get3A_35 = vector.load %arg4[%get3A_33, %get3A_34] : memref<256x256xf32, #tpu.memory_space<vmem>>, vector<256x256xf32>
    %dot_general3A = arith.constant dense<0.000000e+00> : vector<2560x256xf32>
    %dot_general3A_36 = tpu.matmul %concatenate3A, %get3A_35, %dot_general3A {dimension_numbers = #tpu.dot_dimension_numbers<[1], [0], [0], [1], [0, 0, 1, 1], [], []>, transpose_lhs_hint = false} : vector<2560x256xf32>, vector<256x256xf32>, vector<2560x256xf32> -> vector<2560x256xf32>
    %get3A_37 = arith.constant 0 : index
    %get3A_38 = arith.constant 0 : index
    %get3A_39 = vector.load %arg5[%get3A_37, %get3A_38] : memref<256x256xf32, #tpu.memory_space<vmem>>, vector<256x256xf32>
    %dot_general3A_40 = arith.constant dense<0.000000e+00> : vector<2560x256xf32>
    %dot_general3A_41 = tpu.matmul %mul3A_32, %get3A_39, %dot_general3A_40 {dimension_numbers = #tpu.dot_dimension_numbers<[1], [0], [0], [1], [0, 0, 1, 1], [], []>, transpose_lhs_hint = false} : vector<2560x256xf32>, vector<256x256xf32>, vector<2560x256xf32> -> vector<2560x256xf32>
    %add3A_42 = arith.addf %dot_general3A_36, %dot_general3A_41 : vector<2560x256xf32>
    %get3A_43 = arith.constant 0 : index
    %get3A_44 = arith.constant 0 : index
    %get3A_45 = vector.load %arg6[%get3A_43, %get3A_44] : memref<1x256xf32, #tpu.memory_space<vmem>>, vector<1x256xf32>
    %mul3A_46 = vector.broadcast %get3A_45 : vector<1x256xf32> to vector<2560x256xf32>
    %mul3A_47 = arith.mulf %add3A_42, %mul3A_46 : vector<2560x256xf32>
    %get3A_48 = arith.constant 0 : index
    %get3A_49 = arith.constant 0 : index
    %get3A_50 = vector.load %arg7[%get3A_48, %get3A_49] : memref<1x256xf32, #tpu.memory_space<vmem>>, vector<1x256xf32>
    %add3A_51 = vector.broadcast %get3A_50 : vector<1x256xf32> to vector<2560x256xf32>
    %add3A_52 = arith.addf %mul3A_47, %add3A_51 : vector<2560x256xf32>
    %ge3A = arith.constant 0.000000e+00 : f32
    %ge3A_53 = vector.broadcast %ge3A : f32 to vector<2560x256xf32>
    %ge3A_54 = arith.cmpf oge, %add3A_52, %ge3A_53 : vector<2560x256xf32>
    %mul3A_55 = arith.constant 0.00999999977 : f32
    %mul3A_56 = vector.broadcast %mul3A_55 : f32 to vector<2560x256xf32>
    %mul3A_57 = arith.mulf %mul3A_56, %add3A_52 : vector<2560x256xf32>
    %select_n3A = arith.select %ge3A_54, %add3A_52, %mul3A_57 : vector<2560x256xi1>, vector<2560x256xf32>
    %mul3A_58 = arith.constant 2560 : i32
    %mul3A_59 = arith.muli %arg0, %mul3A_58 : i32
    %iota3A = tpu.iota {dimensions = array<i32: 0>} : vector<2560x1xi32>
    %add3A_60 = vector.broadcast %mul3A_59 : i32 to vector<2560x1xi32>
    %add3A_61 = arith.addi %add3A_60, %iota3A : vector<2560x1xi32>
    %lt3A = arith.constant 10000 : i32
    %lt3A_62 = vector.broadcast %lt3A : i32 to vector<2560x1xi32>
    %lt3A_63 = arith.cmpi slt, %add3A_61, %lt3A_62 : vector<2560x1xi32>
    %jit3A = arith.constant 0.000000e+00 : f32
    %broadcast_in_dim3A_64 = vector.shape_cast %lt3A_63 : vector<2560x1xi1> to vector<2560x1xi1>
    %broadcast_in_dim3A_65 = vector.broadcast %broadcast_in_dim3A_64 : vector<2560x1xi1> to vector<2560x256xi1>
    %broadcast_in_dim3A_66 = vector.broadcast %jit3A : f32 to vector<2560x256xf32>
    %select_n3A_67 = arith.select %broadcast_in_dim3A_65, %select_n3A, %broadcast_in_dim3A_66 : vector<2560x256xi1>, vector<2560x256xf32>
    %eq3A = arith.constant 0 : i32
    %eq3A_68 = arith.cmpi eq, %arg0, %eq3A : i32
    %convert_element_type3A = arith.extui %eq3A_68 : i1 to i32
    %cond3A = arith.constant 0 : i32
    %cond3A_69 = arith.cmpi ne, %convert_element_type3A, %cond3A : i32
    scf.if %cond3A_69 {
      %broadcast_in_dim3A_78 = arith.constant 0.000000e+00 : f32
      %broadcast_in_dim3A_79 = vector.broadcast %broadcast_in_dim3A_78 : f32 to vector<1x256xf32>
      %swap3A_80 = arith.constant 0 : index
      %swap3A_81 = arith.constant 0 : index
      %swap3A_82 = vector.load %arg8[%swap3A_80, %swap3A_81] : memref<1x256xf32, #tpu.memory_space<vmem>>, vector<1x256xf32>
      tpu.vector_store %arg8[%swap3A_80, %swap3A_81], %broadcast_in_dim3A_79 {strides = array<i32>} : memref<1x256xf32, #tpu.memory_space<vmem>>, vector<1x256xf32>,
    } else {
    }
    %get3A_70 = arith.constant 0 : index
    %get3A_71 = arith.constant 0 : index
    %get3A_72 = vector.load %arg8[%get3A_70, %get3A_71] : memref<1x256xf32, #tpu.memory_space<vmem>>, vector<1x256xf32>
    %reduce_sum3A = arith.constant dense<0.000000e+00> : vector<256xf32>
    %reduce_sum3A_73 = vector.multi_reduction <add>, %select_n3A_67, %reduce_sum3A [0] : vector<2560x256xf32> to vector<256xf32>
    %broadcast_in_dim3A_74 = vector.shape_cast %reduce_sum3A_73 : vector<256xf32> to vector<1x256xf32>
    %add3A_75 = arith.addf %get3A_72, %broadcast_in_dim3A_74 : vector<1x256xf32>
    %swap3A = arith.constant 0 : index
    %swap3A_76 = arith.constant 0 : index
    %swap3A_77 = vector.load %arg8[%swap3A, %swap3A_76] : memref<1x256xf32, #tpu.memory_space<vmem>>, vector<1x256xf32>
    tpu.vector_store %arg8[%swap3A, %swap3A_76], %add3A_75 {strides = array<i32>} : memref<1x256xf32, #tpu.memory_space<vmem>>, vector<1x256xf32>,
    return
  }
  func.func @transform_0(%arg0: i32) -> (i32, i32, i32) {
    %c0_i32 = arith.constant 0 : i32
    %c0_i32_0 = arith.constant 0 : i32
    %c0_i32_1 = arith.constant 0 : i32
    return %c0_i32, %arg0, %c0_i32_0 : i32, i32, i32
  }
  func.func @transform_1(%arg0: i32) -> (i32, i32, i32) {
    %c0_i32 = arith.constant 0 : i32
    %c0_i32_0 = arith.constant 0 : i32
    %c0_i32_1 = arith.constant 0 : i32
    return %c0_i32, %arg0, %c0_i32_0 : i32, i32, i32
  }
  func.func @transform_2(%arg0: i32) -> (i32, i32) {
    %c0_i32 = arith.constant 0 : i32
    %c0_i32_0 = arith.constant 0 : i32
    return %c0_i32, %arg0 : i32, i32
  }
  func.func @transform_3(%arg0: i32) -> (i32, i32) {
    %c0_i32 = arith.constant 0 : i32
    %c0_i32_0 = arith.constant 0 : i32
    %c0_i32_1 = arith.constant 0 : i32
    return %c0_i32, %c0_i32_0 : i32, i32
  }
  func.func @transform_4(%arg0: i32) -> (i32, i32) {
    %c0_i32 = arith.constant 0 : i32
    %c0_i32_0 = arith.constant 0 : i32
    %c0_i32_1 = arith.constant 0 : i32
    return %c0_i32, %c0_i32_0 : i32, i32
  }
  func.func @transform_5(%arg0: i32) -> (i32, i32) {
    %c0_i32 = arith.constant 0 : i32
    %c0_i32_0 = arith.constant 0 : i32
    %c0_i32_1 = arith.constant 0 : i32
    return %c0_i32, %c0_i32_0 : i32, i32
  }
  func.func @transform_6(%arg0: i32) -> (i32, i32) {
    %c0_i32 = arith.constant 0 : i32
    %c0_i32_0 = arith.constant 0 : i32
    %c0_i32_1 = arith.constant 0 : i32
    return %c0_i32, %c0_i32_0 : i32, i32
  }
  func.func @transform_7(%arg0: i32) -> (i32, i32) {
    %c0_i32 = arith.constant 0 : i32
    %c0_i32_0 = arith.constant 0 : i32
    %c0_i32_1 = arith.constant 0 : i32
    return %c0_i32, %c0_i32_0 : i32, i32
  }
}

module attributes {stable_mosaic.version = 14 : i64} {
  func.func @_head_body(%arg0: memref<1x256xf32, #tpu.memory_space<vmem>>, %arg1: memref<256x256xf32, #tpu.memory_space<vmem>>, %arg2: memref<1x256xf32, #tpu.memory_space<vmem>>, %arg3: memref<256x1024xf32, #tpu.memory_space<vmem>>, %arg4: memref<1x1024xf32, #tpu.memory_space<vmem>>, %arg5: memref<1024x18xf32, #tpu.memory_space<vmem>>, %arg6: memref<1x18xf32, #tpu.memory_space<vmem>>, %arg7: memref<1x18xf32, #tpu.memory_space<vmem>>) attributes {dimension_semantics = [], scalar_prefetch = 0 : i64, scratch_operands = 0 : i64, tpu.core_type = #tpu.core_type<tc>} {
    %get3A = arith.constant 0 : index
    %get3A_0 = arith.constant 0 : index
    %get3A_1 = vector.load %arg0[%get3A, %get3A_0] : memref<1x256xf32, #tpu.memory_space<vmem>>, vector<1x256xf32>
    %mul3A = arith.constant 9.99999974E-5 : f32
    %mul3A_2 = vector.broadcast %mul3A : f32 to vector<1x256xf32>
    %mul3A_3 = arith.mulf %get3A_1, %mul3A_2 : vector<1x256xf32>
    %get3A_4 = arith.constant 0 : index
    %get3A_5 = arith.constant 0 : index
    %get3A_6 = vector.load %arg1[%get3A_4, %get3A_5] : memref<256x256xf32, #tpu.memory_space<vmem>>, vector<256x256xf32>
    %dot_general3A = arith.constant dense<0.000000e+00> : vector<1x256xf32>
    %dot_general3A_7 = tpu.matmul %mul3A_3, %get3A_6, %dot_general3A {dimension_numbers = #tpu.dot_dimension_numbers<[1], [0], [0], [1], [0, 0, 1, 1], [], []>, transpose_lhs_hint = false} : vector<1x256xf32>, vector<256x256xf32>, vector<1x256xf32> -> vector<1x256xf32>
    %get3A_8 = arith.constant 0 : index
    %get3A_9 = arith.constant 0 : index
    %get3A_10 = vector.load %arg2[%get3A_8, %get3A_9] : memref<1x256xf32, #tpu.memory_space<vmem>>, vector<1x256xf32>
    %add3A = arith.addf %dot_general3A_7, %get3A_10 : vector<1x256xf32>
    %ge3A = arith.constant 0.000000e+00 : f32
    %ge3A_11 = vector.broadcast %ge3A : f32 to vector<1x256xf32>
    %ge3A_12 = arith.cmpf oge, %add3A, %ge3A_11 : vector<1x256xf32>
    %mul3A_13 = arith.constant 0.00999999977 : f32
    %mul3A_14 = vector.broadcast %mul3A_13 : f32 to vector<1x256xf32>
    %mul3A_15 = arith.mulf %mul3A_14, %add3A : vector<1x256xf32>
    %select_n3A = arith.select %ge3A_12, %add3A, %mul3A_15 : vector<1x256xi1>, vector<1x256xf32>
    %get3A_16 = arith.constant 0 : index
    %get3A_17 = arith.constant 0 : index
    %get3A_18 = vector.load %arg3[%get3A_16, %get3A_17] : memref<256x1024xf32, #tpu.memory_space<vmem>>, vector<256x1024xf32>
    %dot_general3A_19 = arith.constant dense<0.000000e+00> : vector<1x1024xf32>
    %dot_general3A_20 = tpu.matmul %select_n3A, %get3A_18, %dot_general3A_19 {dimension_numbers = #tpu.dot_dimension_numbers<[1], [0], [0], [1], [0, 0, 1, 1], [], []>, transpose_lhs_hint = false} : vector<1x256xf32>, vector<256x1024xf32>, vector<1x1024xf32> -> vector<1x1024xf32>
    %get3A_21 = arith.constant 0 : index
    %get3A_22 = arith.constant 0 : index
    %get3A_23 = vector.load %arg4[%get3A_21, %get3A_22] : memref<1x1024xf32, #tpu.memory_space<vmem>>, vector<1x1024xf32>
    %add3A_24 = arith.addf %dot_general3A_20, %get3A_23 : vector<1x1024xf32>
    %ge3A_25 = arith.constant 0.000000e+00 : f32
    %ge3A_26 = vector.broadcast %ge3A_25 : f32 to vector<1x1024xf32>
    %ge3A_27 = arith.cmpf oge, %add3A_24, %ge3A_26 : vector<1x1024xf32>
    %mul3A_28 = arith.constant 0.00999999977 : f32
    %mul3A_29 = vector.broadcast %mul3A_28 : f32 to vector<1x1024xf32>
    %mul3A_30 = arith.mulf %mul3A_29, %add3A_24 : vector<1x1024xf32>
    %select_n3A_31 = arith.select %ge3A_27, %add3A_24, %mul3A_30 : vector<1x1024xi1>, vector<1x1024xf32>
    %get3A_32 = arith.constant 0 : index
    %get3A_33 = arith.constant 0 : index
    %get3A_34 = vector.load %arg5[%get3A_32, %get3A_33] : memref<1024x18xf32, #tpu.memory_space<vmem>>, vector<1024x18xf32>
    %dot_general3A_35 = arith.constant dense<0.000000e+00> : vector<1x18xf32>
    %dot_general3A_36 = tpu.matmul %select_n3A_31, %get3A_34, %dot_general3A_35 {dimension_numbers = #tpu.dot_dimension_numbers<[1], [0], [0], [1], [0, 0, 1, 1], [], []>, transpose_lhs_hint = false} : vector<1x1024xf32>, vector<1024x18xf32>, vector<1x18xf32> -> vector<1x18xf32>
    %get3A_37 = arith.constant 0 : index
    %get3A_38 = arith.constant 0 : index
    %get3A_39 = vector.load %arg6[%get3A_37, %get3A_38] : memref<1x18xf32, #tpu.memory_space<vmem>>, vector<1x18xf32>
    %add3A_40 = arith.addf %dot_general3A_36, %get3A_39 : vector<1x18xf32>
    %swap3A = arith.constant 0 : index
    %swap3A_41 = arith.constant 0 : index
    %swap3A_42 = vector.load %arg7[%swap3A, %swap3A_41] : memref<1x18xf32, #tpu.memory_space<vmem>>, vector<1x18xf32>
    tpu.vector_store %arg7[%swap3A, %swap3A_41], %add3A_40 {strides = array<i32>} : memref<1x18xf32, #tpu.memory_space<vmem>>, vector<1x18xf32>,
    return
  }
}

</mosaic_0001>

<sc_bundles>
// kernel: kernel.12.cloned.1.call-start
scs
__scs_entry_jumppad:
0x0: {  	(pc) =	sbr.rel $0x88, $3  }
0x1: {  	(tag) =	ssettag $0x0;
	lr =	simm.s32 $0x1  }
0x2: {  	[smem:$0x3F84] =	sst lr;
	_ =	strace $0xD0000000  }
0x3: {  	_ = 	snop  }
0x4: {  	_ = 	snop  }
0x5: {  	_ = 	snop  }
0x6: {  	_ = 	snop  }
0x7: {  	_ = 	snop  }
__scs_overlays_trampoline_lowered:
0x8: {  	[smem:$0x3F93] =	sst s0  }
0x9: {  	[smem:$0x3F94] =	sst s1  }
0xa: {  	[smem:$0x3F95] =	sst s2  }
0xb: {  	[smem:$0x3F96] =	sst s3  }
0xc: {  	[smem:$0x3F97] =	sst s4  }
0xd: {  	[smem:$0x3F98] =	sst s5  }
0xe: {  	[smem:$0x3F99] =	sst s6  }
0xf: {  	[smem:$0x3F9A] =	sst s7  }
0x10: {  	[smem:$0x3F9B] =	sst s8  }
0x11: {  	[smem:$0x3F9C] =	sst s9;
	s0 =	simm.s32 @!p0 $0x0  }
0x12: {  	s1 =	sld [smem:$0x3F82];
	s0 =	simm.s32 @p0 $0x1  }
0x13: {  	[smem:$0x3F9D] =	sst s0;
	s0 =	simm.s32 @!p1 $0x0  }
0x14: {  	s2 =	sld [smem:$0x3F81];
	s0 =	simm.s32 @p1 $0x1  }
0x15: {  	[smem:$0x3F9E] =	sst s0;
	s0 =	simm.s32 @!p2 $0x0  }
0x16: {  	s3 =	sld [smem:$0x3FDB];
	s0 =	simm.s32 @p2 $0x1  }
0x17: {  	s4 =	simm.s32 $0x1BF5;
	[smem:$0x3FA0] =	sst s0  }
0x18: {  	s0 =	sld [smem:$0x3F83];
	_ =	swait.ge [sflag:s4], $0x0  }
0x19: {  	s7 =	sld [smem:$0x3F84]  }
0x1a: {  	s8 =	sadd.s32 $0xFFFFE003, lr  }
0x1b: {  	s9 =	sadd.s32 $0xFFFFFEF7, lr;
	s5 =	simm.s32 $0xFFFFFFFF;
	p2 =	slt.u32 s8, $0xFFFFF086  }
0x1c: {  	p1 =	slt.u32 s9, $0xF7A;
	s5 =	simm.s32 @!p2 $0x0  }
0x1d: {  	s5 =	simm.s32 @p1 $0x1;
	p0 =	seq.s32 s7, s2  }
0x1e: {  	s7 =	smul.u32 @!p0 $0xF7A, s2;
	p2 =	seq.s32 @!p0 s5, $0x0  }
0x1f: {  	s9 =	smul.u32 $0xF7A, s1;
	s8 =	simm.s32 @!p0 $0x1BF5;
	p2 =	por !p2, p0  }
0x20: {  	[sflag:s8] =	ssyncset.s32 @!p0 $0xFFFFF086;
	s6 =	sadd.s32 @!p0 s3, s7;
	s7 =	simm.s32 @!p0 $0x108  }
0x21: {  	s3 =	sadd.s32 s3, s9;
	s6 =	sadd.s32 @!p0 $0x88, s6;
	s7 =	simm.s32 @p2 $0x1082  }
0x22: {  	[simem:s7], [sflag:s8] =	dma.local @!p0 [hbm:s6], $0xF7A  }
0x23: {  	s9 =	sor.u32 $0xD0000000, s2;
	s6 =	simm.s32 $0x108;
	_ =	swait.ge @!p0 [sflag:s8], $0x0  }
0x24: {  	s3 =	sadd.s32 $0x88, s3;
	s6 =	simm.s32 @!p1 $0x1082;
	[sflag:s4] =	ssyncset.s32 $0xFFFFF086  }
0x25: {  	[simem:s6], [sflag:s4] =	dma.local [hbm:s3], $0xF7A  }
0x26: {  	[smem:$0x3F84] =	sst s1;
	(tag) =	ssettag s2;
	_ =	strace s9  }
0x27: {  	s1 =	sld [smem:$0x3F94]  }
0x28: {  	s2 =	sld [smem:$0x3F95]  }
0x29: {  	s4 =	sld [smem:$0x3F97]  }
0x2a: {  	p0 =	seq.s32 s5, $0x0;
	s5 =	sld [smem:$0x3F98]  }
0x2b: {  	s6 =	sld [smem:$0x3F99]  }
0x2c: {  	s7 =	sld [smem:$0x3F9A]  }
0x2d: {  	s3 =	simm.s32 $0x108;
	s8 =	sld [smem:$0x3F9B]  }
0x2e: {  	s3 =	simm.s32 @!p0 $0x1082;
	s9 =	sld [smem:$0x3F9C]  }
0x2f: {  	lr =	sadd.s32 s0, s3;
	s0 =	sld [smem:$0x3F93]  }
0x30: {  	s3 =	sld [smem:$0x3F96]  }
0x31: {  	[smem:$0x3F9F] =	sst s10  }
0x32: {  	s10 =	sld [smem:$0x3F9D];
	_ =	sdelay $0x3  }
0x33: {  	p0 =	seq.s32 s10, $0x1;
	s10 =	sld [smem:$0x3F9F];
	_ =	sdelay $0x3  }
0x34: {  	[smem:$0x3F9F] =	sst s10  }
0x35: {  	s10 =	sld [smem:$0x3F9E];
	_ =	sdelay $0x3  }
0x36: {  	p1 =	seq.s32 s10, $0x1;
	s10 =	sld [smem:$0x3F9F];
	_ =	sdelay $0x3  }
0x37: {  	[smem:$0x3F9F] =	sst s10  }
0x38: {  	s10 =	sld [smem:$0x3FA0]  }
0x39: {  	_ = 	snop;
	(pc) =	sbr.ind lr, $3  }
0x3a: {  	_ = 	snop  }
0x3b: {  	_ = 	snop  }
0x3c: {  	p2 =	seq.s32 s10, $0x1;
	s10 =	sld [smem:$0x3F9F]  }
0x3d: {  	_ =	shalt  }
0x3e: {  	_ =	shalt  }
0x3f: {  	_ =	shalt  }
0x40: {  	_ =	shalt  }
0x41: {  	_ =	shalt  }
0x42: {  	_ =	shalt  }
0x43: {  	_ =	shalt  }
0x44: {  	_ =	shalt  }
0x45: {  	_ =	shalt  }
0x46: {  	_ =	shalt  }
0x47: {  	_ =	shalt  }
0x48: {  	_ =	shalt  }
0x49: {  	_ =	shalt  }
0x4a: {  	_ =	shalt  }
0x4b: {  	_ =	shalt  }
0x4c: {  	_ =	shalt  }
0x4d: {  	_ =	shalt  }
0x4e: {  	_ =	shalt  }
0x4f: {  	_ =	shalt  }
0x50: {  	_ =	shalt  }
0x51: {  	_ =	shalt  }
0x52: {  	_ =	shalt  }
0x53: {  	_ =	shalt  }
0x54: {  	_ =	shalt  }
0x55: {  	_ =	shalt  }
0x56: {  	_ =	shalt  }
0x57: {  	_ =	shalt  }
0x58: {  	_ =	shalt  }
0x59: {  	_ =	shalt  }
0x5a: {  	_ =	shalt  }
0x5b: {  	_ =	shalt  }
0x5c: {  	_ =	shalt  }
0x5d: {  	_ =	shalt  }
0x5e: {  	_ =	shalt  }
0x5f: {  	_ =	shalt  }
0x60: {  	_ =	shalt  }
0x61: {  	_ =	shalt  }
0x62: {  	_ =	shalt  }
0x63: {  	_ =	shalt  }
0x64: {  	_ =	shalt  }
0x65: {  	_ =	shalt  }
0x66: {  	_ =	shalt  }
0x67: {  	_ =	shalt  }
0x68: {  	_ =	shalt  }
0x69: {  	_ =	shalt  }
0x6a: {  	_ =	shalt  }
0x6b: {  	_ =	shalt  }
0x6c: {  	_ =	shalt  }
0x6d: {  	_ =	shalt  }
0x6e: {  	_ =	shalt  }
0x6f: {  	_ =	shalt  }
0x70: {  	_ =	shalt  }
0x71: {  	_ =	shalt  }
0x72: {  	_ =	shalt  }
0x73: {  	_ =	shalt  }
0x74: {  	_ =	shalt  }
0x75: {  	_ =	shalt  }
0x76: {  	_ =	shalt  }
0x77: {  	_ =	shalt  }
0x78: {  	_ =	shalt  }
0x79: {  	_ =	shalt  }
0x7a: {  	_ =	shalt  }
0x7b: {  	_ =	shalt  }
0x7c: {  	_ =	shalt  }
0x7d: {  	_ =	shalt  }
0x7e: {  	_ =	shalt  }
0x7f: {  	_ =	shalt  }
0x80: {  	_ =	shalt  }
0x81: {  	_ =	shalt  }
0x82: {  	_ =	shalt  }
0x83: {  	_ =	shalt  }
0x84: {  	_ =	shalt  }
0x85: {  	_ =	shalt  }
0x86: {  	_ =	shalt  }
0x87: {  	_ =	shalt  }
.Lfunc_end0:
.L_simem_size_0:
called_computation.1_lowered:
.L_overlay_start_0:
0x88: {  	s2 =	sld [smem:$0x3FD9]  }
0x89: {  	s3 =	sld [smem:$0x3FFE];
	_ =	sdelay $0x1  }
0x8a: {  	s1 =	srdreg.scid  }
0x8b: {  	s0 =	sand.u32 $0x1, s1  }
0x8c: {  	s16 =	sshll.u32 s0, $0xA;
	s2 =	sadd.s32 s3, s2  }
0x8d: {  	s2 =	sadd.s32 s2, s16  }
0x8e: {  	[smem:$0x3FAB] =	sst s2  }
0x8f: {  	_ = 	snop  }
0x90: {  	(tm) =	ssettm $0x1  }
0x91: {  	s17 =	sld [smem:$0x3FFB];
	_ =	sdelay $0x3  }
0x92: {  	_ =	strace s17  }
0x93: {  	s2 =	sld [smem:$0x3FFC];
	_ =	sdelay $0x3  }
0x94: {  	_ =	strace s2  }
0x95: {  	s2 =	sld [smem:$0x3FFD];
	_ =	sdelay $0x3  }
0x96: {  	_ =	strace s2  }
0x97: {  	_ =	strace $0x8FFFFFFF  }
0x98: {  	s18 =	sld [smem:$0x3FDB];
	_ =	sdelay $0x1  }
0x99: {  	s19 =	simm.s32 $_scs_section_size  }
0x9a: {  	s4 =	simm.s32 $_size__tile_overlayer_lowered;
	s5 =	simm.s32 $_tile_overlayer_lowered  }
0x9b: {  	s22 =	simm.s32 $0x1BFF;
	s21 =	sshll.u32 s5, $0x1;
	s2 =	sadd.s32 s19, s18  }
0x9c: {  	s6 =	simm.s32 $0x0;
	s20 =	sshll.u32 s4, $0x1;
	s4 =	sadd.s32 s21, s2  }
0x9d: {  	[timem:s6], [sflag:s22] =	dma.local [hbm:s4], s20  }
0x9e: {  	_ =	swait.ge [sflag:s22], s20  }
0x9f: {  	s3 =	ssub.s32 $0x0, s20;
	[sflag:s22] =	ssyncset.done $0x0  }
0xa0: {  	[sflag:s22] =	ssyncadd.s32 s3;
	_ =	sdelay $0x1  }
0xa1: {  	s23 =	simm.s32 $0x1B8B  }
0xa2: {  	_ =	swait.ge [sflag:s23], $0x1  }
0xa3: {  	[sflag:s23] =	ssyncset.done $0x0  }
0xa4: {  	s25 =	simm.s32 $0x1B8E;
	s24 =	sld [smem:$0x3FFE];
	[sflag:s23] =	ssyncadd.s32 $0xFFFFFFFF  }
0xa5: {  	s26 =	simm.s32 $execute0_lowered;
	[smem:$0x3FD2] =	sst s25  }
0xa6: {  	s4 =	sshll.u32 s26, $0x1;
	_ =	strace $0x80000049;
	[dreg:$0x1] =	wrdreg $0xFFFFFFFF  }
0xa7: {  	s28 =	simm.s32 $_size_execute0_lowered;
	s2 =	sadd.s32 s2, s4;
	[dreg:$0x0] =	wrdreg $0x0  }
0xa8: {  	s4 =	sshll.u32 s28, $0x1;
	[dreg:$0x2] =	wrdreg s2  }
0xa9: {  	[dreg:$0x3] =	wrdreg s4  }
0xaa: {  	[dreg:$0x4] =	wrdreg $0xC0  }
0xab: {  	_ =	task [dreg:s6], $0x5FFFF  }
0xac: {  	[dreg:$0x1] =	wrdreg $0xFFFFFFFF  }
0xad: {  	[dreg:$0x0] =	wrdreg $0x60  }
0xae: {  	[dreg:$0x2] =	wrdreg s24  }
0xaf: {  	[dreg:$0x3] =	wrdreg $0x93000  }
0xb0: {  	[dreg:$0x4] =	wrdreg $0x9  }
0xb1: {  	_ =	task.clear_ibuf [dreg:s6], $0x5FFFF;
	_ =	strace $0x90000049  }
0xb2: {  	s29 =	simm.s32 $0x9;
	_ =	strace $0x8000004B  }
0xb3: {  	_ =	swait.ge [sflag:s29], $0x1  }
0xb4: {  	[sflag:s29] =	ssyncadd.s32 $0xFFFFFFFF  }
0xb5: {  	_ =	strace $0x9000004B  }
0xb6: {  	_ =	sfence  }
0xb7: {  	s30 =	sld [smem:$0x0];
	_ =	sdelay $0x2  }
0xb8: {  	s31 =	sshll.u32 s1, $0xD;
	s1 =	sshrl.u32 s1, $0x2  }
0xb9: {  	s3 =	sand.u32 $0x4000, s31;
	s1 =	sadd.s32 s1, s30  }
0xba: {  	s0 =	sor.u32 s3, s0;
	s1 =	sshll.u32 s1, $0x11  }
0xbb: {  	s0 =	sor.u32 s1, s0  }
0xbc: {  	s0 =	sadd.s32 $0x8F2B, s0  }
0xbd: {  	[sflag:s0] =	ssyncadd.remote.s32 $0x1  }
0xbe: {  	_ =	sfence.sel $0xFFFF  }
0xbf: {  	[dreg:$0x0] =	wrdreg $0xFFFFFFFF;
	(pc) =	sbr.abs _section_cstart, $3  }
0xc0: {  	[dreg:$0x1] =	wrdreg $0xFFFFFFFF  }
0xc1: {  	_ =	task.clear_ibuf [dreg:s6], $0x2FFFF;
	_ =	strace $0x9FFFFFFF  }
0xc2: {  	(tm) =	ssettm $0x7FFFFFFF  }
0xc3: {  	_ =	shalt  }
tec
execute0_lowered:
.L_overlay_start_1:
0x0: {  	(tag) =	ssettag $0x1  }
0x1: {  	s0 =	rddreg [dreg:$0x0]  }
0x2: {  	s1 =	rddreg [dreg:$0x1];
	s3 =	simm.s32 $0x0  }
0x3: {  	s2 =	srdreg.scid;
	s13 =	stileid.u32;
	s18 =	simm.s32 $0x5  }
0x4: {  	s19 =	simm.s32 $0x100;
	s28 =	simm.s32 $0x4;
	s29 =	simm.s32 $0x8200  }
0x5: {  	s30 =	simm.s32 $0x8280;
	s31 =	simm.s32 $0x20;
	s6 =	smul.u32 $0x280, s13  }
0x6: {  	[smem:$0x7FF] =	sst s3;
	s2 =	sand.u32 $0x1, s2;
	s20 =	smul.u32 $0x50000, s13  }
0x7: {  	s4 =	sadd.s32 $0x1CE00, s0;
	s7 =	sadd.s32 $0x10800, s0;
	s11 =	smul.u32 $0x4E20, s13  }
0x8: {  	s8 =	sadd.s32 $0x6A00, s0;
	s9 =	sadd.s32 $0x1A600, s0;
	s16 =	smul.u32 $0x9C4, s13  }
0x9: {  	s22 =	sshll.u32 s13, $0x6;
	s5 =	smul.u32 $0x2800, s2;
	s2 =	ssub.s32 $0x2, s2  }
0xa: {  	_ =	strace $0x8000004A;
	[dreg:$0x3] =	wrdreg s9;
	s10 =	sshrl.u32 s2, $0x1  }
0xb: {  	s21 =	sshrl.u32 s20, $0x2;
	s23 =	sshrl.u32 s11, $0x3;
	s15 =	sadd.s32 s16, s8  }
0xc: {  	s16 =	sadd.s32 s16, s7;
	s20 =	simm.s32 $0x80;
	s6 =	sadd.s32 s6, s5  }
0xd: {  	s2 =	ssub.s32 s2, s10;
	s17 =	sadd.s32 s21, s1;
	s24 =	sadd.s32 s7, s23  }
0xe: {  	s11 =	sadd.s32 $0x10, s23;
	s25 =	sadd.s32 s8, s23;
	s12 =	sadd.s32 $0x9C0, s23  }
0xf: {  	s21 =	simm.s32 $0x200;
	s23 =	simm.s32 $0x4200;
	[dreg:$0x4] =	wrdreg s24  }
0x10: {  	s6 =	sshll.u32 s6, $0x4;
	[dreg:$0x5] =	wrdreg s25;
	s26 =	sadd.s32 s7, s11  }
0x11: {  	s10 =	sadd.s32 s8, s11;
	s11 =	sadd.s32 s7, s12;
	s12 =	sadd.s32 s8, s12  }
0x12: {  	s14 =	smax.u32 s2, $0x1;
	s17 =	sshrl.u32 s17, $0x3;
	s24 =	simm.s32 $0x1  }
0x13: {  	s25 =	simm.s32 $0x3;
	s2 =	simm.s32 $0x0;
	s0 =	sadd.s32 s6, s0  }
0x14: {  	s6 =	sor.u32 $0x1C05, s22;
	[dreg:$0x6] =	wrdreg s26;
	s22 =	simm.s32 $0x180  }
0x15: {  	v0 =	vmov s5;
	s26 =	simm.s32 $0x2;
	s13 =	sadd.s32 $0x6CE00, s0;
	s0 =	simm.s32 $0x8300  }
.LBB2_1:
0x16: {  	s5 =	rddreg [dreg:$0x3]  }
0x17: {  	[spmem:s17], [sflag:s6] =	dma.local [hbm:s5], $0x2800  }
0x18: {  	_ =	swait.ge [sflag:s18], $0x2800  }
0x19: {  	[sflag:s18] =	ssyncset.done $0x0  }
0x1a: {  	[sflag:s18] =	ssyncadd.s32 $0xFFFFD800  }
0x1b: {  	[bflag:$0x0] =	sbarrier.arrive $0xFFFF  }
0x1c: {  	s9 =	rddreg [dreg:$0x4]  }
0x1d: {  	[tilespmem:s3], [sflag:$0x5] =	stream.linear.gather [hbm4b:s9+s3], $0x80, $0x38;
	[tilespmem:$0x1D300] =	vst v63  }
0x1e: {  	_ =	swait.ge [sflag:s18], $0x80  }
0x1f: {  	[sflag:s18] =	ssyncset.done $0x0  }
0x20: {  	s7 =	rddreg [dreg:$0x5];
	[sflag:s18] =	ssyncadd.s32 $0xFFFFFF80  }
0x21: {  	[tilespmem:s19], [sflag:$0x5] =	stream.linear.gather [hbm4b:s7+s3], $0x80, $0x38;
	[tilespmem:$0x1D300] =	vst v63  }
0x22: {  	_ =	swait.ge [sflag:s18], $0x80  }
0x23: {  	[sflag:s18] =	ssyncset.done $0x0  }
0x24: {  	[sflag:s18] =	ssyncadd.s32 $0xFFFFFF80  }
0x25: {  	v1 =	vld [tilespmem:$0x0]  }
0x26: {  	v2 =	vld [tilespmem:$0x10]  }
0x27: {  	v3 =	vld [tilespmem:$0x20]  }
0x28: {  	v4 =	vld [tilespmem:$0x30]  }
0x29: {  	v5 =	vld [tilespmem:$0x40]  }
0x2a: {  	v6 =	vld [tilespmem:$0x50];
	v1 =	vadd.s32 v0, v1  }
0x2b: {  	[tilespmem:$0x0] =	vst v1;
	v1 =	vadd.s32 v0, v2;
	v2 =	vld [tilespmem:$0x60]  }
0x2c: {  	[tilespmem:$0x10] =	vst v1;
	v1 =	vadd.s32 v0, v3;
	v3 =	vld [tilespmem:$0x70]  }
0x2d: {  	[tilespmem:$0x20] =	vst v1;
	v1 =	vadd.s32 v0, v4  }
0x2e: {  	[tilespmem:$0x30] =	vst v1;
	v1 =	vadd.s32 v0, v5  }
0x2f: {  	[tilespmem:$0x40] =	vst v1;
	v1 =	vadd.s32 v0, v6  }
0x30: {  	[tilespmem:$0x50] =	vst v1;
	v1 =	vadd.s32 v0, v2  }
0x31: {  	[tilespmem:$0x60] =	vst v1;
	v1 =	vadd.s32 v0, v3  }
0x32: {  	[tilespmem:$0x70] =	vst v1  }
0x33: {  	[tilespmem:s21], [sflag:$0x1] =	stream.indirect.gather [hbm4b:s4+s20], $0x80, s3, s20, $0xb8;
	[tilespmem:$0x1D300] =	vst v63  }
0x34: {  	s8 =	rddreg [dreg:$0x6]  }
0x35: {  	[tilespmem:s20], [sflag:$0x5] =	stream.linear.gather [hbm4b:s8+s3], $0x80, $0x38;
	[tilespmem:$0x1D300] =	vst v63  }
0x36: {  	_ =	swait.ge [sflag:s18], $0x80  }
0x37: {  	[sflag:s18] =	ssyncset.done $0x0  }
0x38: {  	[sflag:s18] =	ssyncadd.s32 $0xFFFFFF80  }
0x39: {  	[tilespmem:s22], [sflag:$0x5] =	stream.linear.gather [hbm4b:s10+s3], $0x80, $0x38;
	[tilespmem:$0x1D300] =	vst v63  }
0x3a: {  	_ =	swait.ge [sflag:s18], $0x80  }
0x3b: {  	[sflag:s18] =	ssyncset.done $0x0  }
0x3c: {  	[sflag:s18] =	ssyncadd.s32 $0xFFFFFF80  }
0x3d: {  	v1 =	vld [tilespmem:$0x80]  }
0x3e: {  	v2 =	vld [tilespmem:$0x90]  }
0x3f: {  	v3 =	vld [tilespmem:$0xA0]  }
0x40: {  	v58 =	vld [tilespmem:$0xB0]  }
0x41: {  	v59 =	vld [tilespmem:$0xC0]  }
0x42: {  	v60 =	vld [tilespmem:$0xD0];
	v1 =	vadd.s32 v0, v1  }
0x43: {  	[tilespmem:$0x80] =	vst v1;
	v1 =	vadd.s32 v0, v2;
	v2 =	vld [tilespmem:$0xE0]  }
0x44: {  	[tilespmem:$0x90] =	vst v1;
	v1 =	vadd.s32 v0, v3;
	v3 =	vld [tilespmem:$0xF0]  }
0x45: {  	[tilespmem:$0xA0] =	vst v1;
	v1 =	vadd.s32 v0, v58  }
0x46: {  	[tilespmem:$0xB0] =	vst v1;
	v1 =	vadd.s32 v0, v59  }
0x47: {  	[tilespmem:$0xC0] =	vst v1;
	v1 =	vadd.s32 v0, v60  }
0x48: {  	[tilespmem:$0xD0] =	vst v1;
	v1 =	vadd.s32 v0, v2  }
0x49: {  	[tilespmem:$0xE0] =	vst v1;
	v1 =	vadd.s32 v0, v3  }
0x4a: {  	[tilespmem:$0xF0] =	vst v1  }
0x4b: {  	[tilespmem:s23], [sflag:$0x2] =	stream.indirect.gather [hbm4b:s4+s20], $0x80, s20, s20, $0xb8;
	[tilespmem:$0x1D300] =	vst v63  }
0x4c: {  	_ =	swait.ge [sflag:s24], $0x4000  }
0x4d: {  	[sflag:s24] =	ssyncset.done $0x0  }
0x4e: {  	[sflag:s24] =	ssyncadd.s32 $0xFFFFC000  }
0x4f: {  	[spmem:s1] =	stream.indirect.scatter.add.f32 [tilespmem:s21], [sflag:$0x3], $0x80, s19, s20, $0xb8;
	[tilespmem:$0x1D300] =	vst v63  }
0x50: {  	_ =	swait.ge [sflag:s25], $0x4000  }
0x51: {  	s5 =	sadd.s32 $0xFFFFF660, s16;
	[sflag:s25] =	ssyncset.done $0x0  }
0x52: {  	s7 =	sadd.s32 $0x9C0, s5;
	[sflag:s25] =	ssyncadd.s32 $0xFFFFC000  }
0x53: {  	[tilespmem:s3], [sflag:$0x5] =	stream.linear.gather [hbm4b:s7+s3], $0x80, $0x38;
	[tilespmem:$0x1D300] =	vst v63  }
0x54: {  	_ =	swait.ge [sflag:s18], $0x80  }
0x55: {  	s9 =	sadd.s32 $0xFFFFF660, s15;
	[sflag:s18] =	ssyncset.done $0x0  }
0x56: {  	s8 =	sadd.s32 $0x9C0, s9;
	[sflag:s18] =	ssyncadd.s32 $0xFFFFFF80  }
0x57: {  	[tilespmem:s19], [sflag:$0x5] =	stream.linear.gather [hbm4b:s8+s3], $0x80, $0x38;
	[tilespmem:$0x1D300] =	vst v63  }
0x58: {  	_ =	swait.ge [sflag:s18], $0x80  }
0x59: {  	[sflag:s18] =	ssyncset.done $0x0  }
0x5a: {  	[sflag:s18] =	ssyncadd.s32 $0xFFFFFF80  }
0x5b: {  	v1 =	vld [tilespmem:$0x30]  }
0x5c: {  	v2 =	vld [tilespmem:$0x70]  }
0x5d: {  	v3 =	vld [tilespmem:$0x60]  }
0x5e: {  	v61 =	vld [tilespmem:$0x10]  }
0x5f: {  	v62 =	vld [tilespmem:$0x50]  }
0x60: {  	v63 =	vld [tilespmem:$0x0];
	v1 =	vadd.s32 v0, v1  }
0x61: {  	v7 =	vld [tilespmem:$0x20];
	v2 =	vadd.s32 v0, v2;
	[tilespmem:$0x30] =	vst v1  }
0x62: {  	v3 =	vadd.s32 v0, v3;
	v1 =	vld [tilespmem:$0x40];
	[tilespmem:$0x70] =	vst v2  }
0x63: {  	v2 =	vadd.s32 v0, v61;
	[tilespmem:$0x60] =	vst v3  }
0x64: {  	v3 =	vadd.s32 v0, v62;
	[tilespmem:$0x10] =	vst v2  }
0x65: {  	v2 =	vadd.s32 v0, v63;
	[tilespmem:$0x50] =	vst v3  }
0x66: {  	[tilespmem:$0x0] =	vst v2;
	v2 =	vadd.s32 v0, v7  }
0x67: {  	[tilespmem:$0x20] =	vst v2;
	v1 =	vadd.s32 v0, v1  }
0x68: {  	[tilespmem:$0x40] =	vst v1  }
0x69: {  	[tilespmem:s21], [sflag:$0x1] =	stream.indirect.gather [hbm4b:s4+s20], $0x80, s3, s20, $0xb8;
	[tilespmem:$0x1D300] =	vst v63  }
0x6a: {  	_ =	swait.ge [sflag:s26], $0x4000  }
0x6b: {  	[sflag:s26] =	ssyncset.done $0x0  }
0x6c: {  	[sflag:s26] =	ssyncadd.s32 $0xFFFFC000  }
0x6d: {  	[spmem:s1] =	stream.indirect.scatter.add.f32 [tilespmem:s23], [sflag:$0x4], $0x80, s22, s20, $0xb8;
	[tilespmem:$0x1D300] =	vst v63  }
0x6e: {  	_ =	swait.ge [sflag:s28], $0x4000  }
0x6f: {  	[sflag:s28] =	ssyncset.done $0x0  }
0x70: {  	s5 =	sadd.s32 $0x9D0, s5;
	[sflag:s28] =	ssyncadd.s32 $0xFFFFC000  }
0x71: {  	[tilespmem:s20], [sflag:$0x5] =	stream.linear.gather [hbm4b:s5+s3], $0x80, $0x38;
	[tilespmem:$0x1D300] =	vst v63  }
0x72: {  	_ =	swait.ge [sflag:s18], $0x80  }
0x73: {  	[sflag:s18] =	ssyncset.done $0x0  }
0x74: {  	s9 =	sadd.s32 $0x9D0, s9;
	[sflag:s18] =	ssyncadd.s32 $0xFFFFFF80  }
0x75: {  	[tilespmem:s22], [sflag:$0x5] =	stream.linear.gather [hbm4b:s9+s3], $0x80, $0x38;
	[tilespmem:$0x1D300] =	vst v63  }
0x76: {  	_ =	swait.ge [sflag:s18], $0x80  }
0x77: {  	[sflag:s18] =	ssyncset.done $0x0  }
0x78: {  	s5 =	simm.s32 $0xFFFFF680;
	[sflag:s18] =	ssyncadd.s32 $0xFFFFFF80  }
.LBB2_2:
0x79: {  	p0 =	sne.s32 s5, $0xFFFFFFE0;
	s8 =	smov.u32 s5;
	s5 =	sadd.s32 $0x20, s5  }
0x7a: {  	v1 =	vld [tilespmem:$0xF0]  }
0x7b: {  	v2 =	vld [tilespmem:$0xE0]  }
0x7c: {  	v3 =	vld [tilespmem:$0xD0]  }
0x7d: {  	v4 =	vld [tilespmem:$0xC0]  }
0x7e: {  	v5 =	vld [tilespmem:$0xB0]  }
0x7f: {  	v6 =	vld [tilespmem:$0xA0];
	v1 =	vadd.s32 v0, v1  }
0x80: {  	v7 =	vld [tilespmem:$0x90];
	v2 =	vadd.s32 v0, v2;
	[tilespmem:$0xF0] =	vst v1  }
0x81: {  	v1 =	vld [tilespmem:$0x80];
	v3 =	vadd.s32 v0, v3;
	[tilespmem:$0xE0] =	vst v2  }
0x82: {  	v2 =	vadd.s32 v0, v4;
	[tilespmem:$0xD0] =	vst v3  }
0x83: {  	v3 =	vadd.s32 v0, v5;
	[tilespmem:$0xC0] =	vst v2  }
0x84: {  	v2 =	vadd.s32 v0, v6;
	[tilespmem:$0xB0] =	vst v3  }
0x85: {  	v3 =	vadd.s32 v0, v7;
	[tilespmem:$0xA0] =	vst v2  }
0x86: {  	v1 =	vadd.s32 v0, v1;
	[tilespmem:$0x90] =	vst v3  }
0x87: {  	[tilespmem:$0x80] =	vst v1  }
0x88: {  	[tilespmem:s23], [sflag:$0x2] =	stream.indirect.gather [hbm4b:s4+s20], $0x80, s20, s20, $0xb8;
	[tilespmem:$0x1D300] =	vst v63  }
0x89: {  	_ =	swait.ge [sflag:s24], $0x4000  }
0x8a: {  	[sflag:s24] =	ssyncset.done $0x0  }
0x8b: {  	[sflag:s24] =	ssyncadd.s32 $0xFFFFC000  }
0x8c: {  	[spmem:s1] =	stream.indirect.scatter.add.f32 [tilespmem:s21], [sflag:$0x3], $0x80, s19, s20, $0xb8;
	[tilespmem:$0x1D300] =	vst v63  }
0x8d: {  	_ =	swait.ge [sflag:s25], $0x4000  }
0x8e: {  	s7 =	sadd.s32 s8, s16;
	[sflag:s25] =	ssyncset.done $0x0  }
0x8f: {  	s9 =	sadd.s32 $0x9C0, s7;
	[sflag:s25] =	ssyncadd.s32 $0xFFFFC000  }
0x90: {  	[tilespmem:s3], [sflag:$0x5] =	stream.linear.gather [hbm4b:s9+s3], $0x80, $0x38;
	[tilespmem:$0x1D300] =	vst v63  }
0x91: {  	_ =	swait.ge [sflag:s18], $0x80  }
0x92: {  	s8 =	sadd.s32 s8, s15;
	[sflag:s18] =	ssyncset.done $0x0  }
0x93: {  	s9 =	sadd.s32 $0x9C0, s8;
	[sflag:s18] =	ssyncadd.s32 $0xFFFFFF80  }
0x94: {  	[tilespmem:s19], [sflag:$0x5] =	stream.linear.gather [hbm4b:s9+s3], $0x80, $0x38;
	[tilespmem:$0x1D300] =	vst v63  }
0x95: {  	_ =	swait.ge [sflag:s18], $0x80  }
0x96: {  	[sflag:s18] =	ssyncset.done $0x0  }
0x97: {  	[sflag:s18] =	ssyncadd.s32 $0xFFFFFF80  }
0x98: {  	v1 =	vld [tilespmem:$0x30]  }
0x99: {  	v2 =	vld [tilespmem:$0x70]  }
0x9a: {  	v3 =	vld [tilespmem:$0x50]  }
0x9b: {  	v4 =	vld [tilespmem:$0x60]  }
0x9c: {  	v5 =	vld [tilespmem:$0x10]  }
0x9d: {  	v6 =	vld [tilespmem:$0x20];
	v1 =	vadd.s32 v0, v1  }
0x9e: {  	v7 =	vld [tilespmem:$0x0];
	v2 =	vadd.s32 v0, v2  }
0x9f: {  	[tilespmem:$0x30] =	vst v1;
	v1 =	vld [tilespmem:$0x40];
	v3 =	vadd.s32 v0, v3  }
0xa0: {  	v4 =	vadd.s32 v0, v4;
	[tilespmem:$0x70] =	vst v2  }
0xa1: {  	v2 =	vadd.s32 v0, v5;
	[tilespmem:$0x60] =	vst v4  }
0xa2: {  	[tilespmem:$0x10] =	vst v2;
	v2 =	vadd.s32 v0, v6  }
0xa3: {  	v4 =	vadd.s32 v0, v7;
	[tilespmem:$0x50] =	vst v3  }
0xa4: {  	[tilespmem:$0x0] =	vst v4;
	v1 =	vadd.s32 v0, v1  }
0xa5: {  	[tilespmem:$0x40] =	vst v1  }
0xa6: {  	[tilespmem:$0x20] =	vst v2  }
0xa7: {  	[tilespmem:s21], [sflag:$0x1] =	stream.indirect.gather [hbm4b:s4+s20], $0x80, s3, s20, $0xb8;
	[tilespmem:$0x1D300] =	vst v63  }
0xa8: {  	_ =	swait.ge [sflag:s26], $0x4000  }
0xa9: {  	[sflag:s26] =	ssyncset.done $0x0  }
0xaa: {  	[sflag:s26] =	ssyncadd.s32 $0xFFFFC000  }
0xab: {  	[spmem:s1] =	stream.indirect.scatter.add.f32 [tilespmem:s23], [sflag:$0x4], $0x80, s22, s20, $0xb8;
	[tilespmem:$0x1D300] =	vst v63  }
0xac: {  	_ =	swait.ge [sflag:s28], $0x4000  }
0xad: {  	[sflag:s28] =	ssyncset.done $0x0  }
0xae: {  	s7 =	sadd.s32 $0x9D0, s7;
	[sflag:s28] =	ssyncadd.s32 $0xFFFFC000  }
0xaf: {  	[tilespmem:s20], [sflag:$0x5] =	stream.linear.gather [hbm4b:s7+s3], $0x80, $0x38;
	[tilespmem:$0x1D300] =	vst v63  }
0xb0: {  	_ =	swait.ge [sflag:s18], $0x80  }
0xb1: {  	[sflag:s18] =	ssyncset.done $0x0  }
.Ltmp0:
0xb2: {  	s7 =	sadd.s32 $0x9D0, s8;
	[sflag:s18] =	ssyncadd.s32 $0xFFFFFF80;
	(pc) =	sbr.rel @p0 .LBB2_2-.Ltmp0, $4  }
0xb3: {  	[tilespmem:s22], [sflag:$0x5] =	stream.linear.gather [hbm4b:s7+s3], $0x80, $0x38;
	[tilespmem:$0x1D300] =	vst v63  }
0xb4: {  	_ =	swait.ge [sflag:s18], $0x80  }
0xb5: {  	[sflag:s18] =	ssyncset.done $0x0  }
0xb6: {  	[sflag:s18] =	ssyncadd.s32 $0xFFFFFF80  }
0xb7: {  	v1 =	vld [tilespmem:$0xF0]  }
0xb8: {  	v2 =	vld [tilespmem:$0xE0]  }
0xb9: {  	v3 =	vld [tilespmem:$0xD0]  }
0xba: {  	v4 =	vld [tilespmem:$0xC0]  }
0xbb: {  	v5 =	vld [tilespmem:$0xB0]  }
0xbc: {  	v6 =	vld [tilespmem:$0xA0];
	v1 =	vadd.s32 v0, v1  }
0xbd: {  	v7 =	vld [tilespmem:$0x90];
	v2 =	vadd.s32 v0, v2;
	[tilespmem:$0xF0] =	vst v1  }
0xbe: {  	v3 =	vadd.s32 v0, v3;
	v1 =	vld [tilespmem:$0x80];
	[tilespmem:$0xE0] =	vst v2  }
0xbf: {  	v2 =	vadd.s32 v0, v4;
	[tilespmem:$0xD0] =	vst v3  }
0xc0: {  	v3 =	vadd.s32 v0, v5;
	[tilespmem:$0xC0] =	vst v2  }
0xc1: {  	v2 =	vadd.s32 v0, v6;
	[tilespmem:$0xB0] =	vst v3  }
0xc2: {  	v3 =	vadd.s32 v0, v7;
	[tilespmem:$0xA0] =	vst v2  }
0xc3: {  	[tilespmem:$0x90] =	vst v3;
	v1 =	vadd.s32 v0, v1  }
0xc4: {  	[tilespmem:$0x80] =	vst v1  }
0xc5: {  	[tilespmem:s23], [sflag:$0x2] =	stream.indirect.gather [hbm4b:s4+s20], $0x80, s20, s20, $0xb8;
	[tilespmem:$0x1D300] =	vst v63  }
0xc6: {  	_ =	swait.ge [sflag:s24], $0x4000  }
0xc7: {  	[sflag:s24] =	ssyncset.done $0x0  }
0xc8: {  	[sflag:s24] =	ssyncadd.s32 $0xFFFFC000  }
0xc9: {  	[spmem:s1] =	stream.indirect.scatter.add.f32 [tilespmem:s21], [sflag:$0x3], $0x80, s19, s20, $0xb8;
	[tilespmem:$0x1D300] =	vst v63  }
0xca: {  	_ =	swait.ge [sflag:s26], $0x4000  }
0xcb: {  	[sflag:s26] =	ssyncset.done $0x0  }
0xcc: {  	[sflag:s26] =	ssyncadd.s32 $0xFFFFC000  }
0xcd: {  	[spmem:s1] =	stream.indirect.scatter.add.f32 [tilespmem:s23], [sflag:$0x4], $0x80, s22, s20, $0xb8;
	[tilespmem:$0x1D300] =	vst v63  }
0xce: {  	_ = 	snop  }
0xcf: {  	[tilespmem:s29], [sflag:$0x5] =	stream.linear.gather [hbm4b:s11+s3], $0x20, $0x38;
	[tilespmem:$0x1D300] =	vst v63  }
0xd0: {  	_ =	swait.ge [sflag:s18], $0x20  }
0xd1: {  	[sflag:s18] =	ssyncset.done $0x0  }
0xd2: {  	[sflag:s18] =	ssyncadd.s32 $0xFFFFFFE0  }
0xd3: {  	[tilespmem:s30], [sflag:$0x5] =	stream.linear.gather [hbm4b:s12+s3], $0x20, $0x38;
	[tilespmem:$0x1D300] =	vst v63  }
0xd4: {  	_ =	swait.ge [sflag:s18], $0x20  }
0xd5: {  	[sflag:s18] =	ssyncset.done $0x0  }
0xd6: {  	[sflag:s18] =	ssyncadd.s32 $0xFFFFFFE0  }
0xd7: {  	v1 =	vld [tilespmem:$0x8200]  }
0xd8: {  	v2 =	vld [tilespmem:$0x8210];
	_ =	sdelay $0x3  }
0xd9: {  	v1 =	vadd.s32 v0, v1  }
0xda: {  	[tilespmem:$0x8200] =	vst v1;
	v1 =	vadd.s32 v0, v2  }
0xdb: {  	[tilespmem:$0x8210] =	vst v1  }
0xdc: {  	[tilespmem:s0], [sflag:$0x1] =	stream.indirect.gather [hbm4b:s4+s31], $0x80, s29, s31, $0xb8;
	[tilespmem:$0x1D300] =	vst v63  }
0xdd: {  	_ =	swait.ge [sflag:s24], $0x1000  }
0xde: {  	[sflag:s24] =	ssyncset.done $0x0  }
0xdf: {  	[sflag:s24] =	ssyncadd.s32 $0xFFFFF000  }
0xe0: {  	[spmem:s1] =	stream.indirect.scatter.add.f32 [tilespmem:s0], [sflag:$0x5], $0x80, s30, s31, $0xb8;
	[tilespmem:$0x1D300] =	vst v63  }
0xe1: {  	_ =	swait.ge [sflag:s18], $0x1000  }
0xe2: {  	[sflag:s18] =	ssyncset.done $0x0  }
0xe3: {  	[sflag:s18] =	ssyncadd.s32 $0xFFFFF000  }
0xe4: {  	_ =	swait.ge [sflag:s25], $0x4000  }
0xe5: {  	[sflag:s25] =	ssyncset.done $0x0  }
0xe6: {  	[sflag:s25] =	ssyncadd.s32 $0xFFFFC000  }
0xe7: {  	_ =	swait.ge [sflag:s28], $0x4000  }
0xe8: {  	s2 =	sadd.s32 $0x1, s2;
	[sflag:s28] =	ssyncset.done $0x0  }
0xe9: {  	p0 =	sne.s32 s2, s14;
	[sflag:s28] =	ssyncadd.s32 $0xFFFFC000  }
.Ltmp1:
0xea: {  	[bflag:$0x0] =	sbarrier.arrive $0xFFFF;
	(pc) =	sbr.rel @p0 .LBB2_1-.Ltmp1, $4  }
0xeb: {  	[hbm:s13], [sflag:s6] =	dma.local [spmem:s17], $0x2800  }
0xec: {  	_ =	swait.ge [sflag:s18], $0x2800  }
0xed: {  	[sflag:s18] =	ssyncset.done $0x0  }
0xee: {  	[sflag:s18] =	ssyncadd.s32 $0xFFFFD800  }
0xef: {  	_ =	sfence.sel $0x180000  }
0xf0: {  	[bflag:$0x0] =	sbarrier.arrive $0xFFFF  }
0xf1: {  	_ =	strace $0x9000004A  }
0xf2: {  	s0 =	stileid.u32;
	[bflag:$0x2] =	sbarrier.arrive $0xFFFF  }
0xf3: {  	p0 =	sne.s32 s0, $0x0;
	s0 =	rddreg [dreg:$0x2]  }
0xf4: {  	s0 =	sadd.s32 @!p0 $0x100000, s0  }
0xf5: {  	[sflag:s0] =	ssyncadd.tile.s32 @!p0 $0x1;
	_ =	shalt  }
.Lfunc_end2:
_tile_overlayer_lowered:
.L_overlay_start_2:
0xf6: {  	(tag) =	ssettag $0x2  }
0xf7: {  	s0 =	rddreg [dreg:$0x0];
	s2 =	stileid.u32  }
0xf8: {  	s1 =	rddreg [dreg:$0x1];
	p0 =	sne.s32 s2, $0x0  }
0xf9: {  	s3 =	rddreg [dreg:$0x2];
	[bflag:$0x3] =	sbarrier.arrive $0xFFFF;
	s2 =	simm.s32 @!p0 $0x1C05  }
0xfa: {  	[timem:s3], [sflag:s2] =	dma.local @!p0 [hbm:s0], s1  }
0xfb: {  	s0 =	simm.s32 @!p0 $0x5  }
0xfc: {  	_ =	swait.ge @!p0 [sflag:s0], s1  }
0xfd: {  	s1 =	ssub.s32 @!p0 $0x0, s1;
	[sflag:s0] =	ssyncset.done @!p0 $0x0  }
0xfe: {  	[sflag:s0] =	ssyncadd.s32 @!p0 s1  }
0xff: {  	[bflag:$0x3] =	sbarrier.arrive $0xFFFF  }
0x100: {  	_ =	shalt  }

// kernel: kernel.15.cloned.1.call-start
scs
__scs_entry_jumppad:
0x0: {  	(pc) =	sbr.rel $0x88, $3  }
0x1: {  	(tag) =	ssettag $0x0;
	lr =	simm.s32 $0x1  }
0x2: {  	[smem:$0x3F84] =	sst lr;
	_ =	strace $0xD0000000  }
0x3: {  	_ = 	snop  }
0x4: {  	_ = 	snop  }
0x5: {  	_ = 	snop  }
0x6: {  	_ = 	snop  }
0x7: {  	_ = 	snop  }
__scs_overlays_trampoline_lowered:
0x8: {  	[smem:$0x3F93] =	sst s0  }
0x9: {  	[smem:$0x3F94] =	sst s1  }
0xa: {  	[smem:$0x3F95] =	sst s2  }
0xb: {  	[smem:$0x3F96] =	sst s3  }
0xc: {  	[smem:$0x3F97] =	sst s4  }
0xd: {  	[smem:$0x3F98] =	sst s5  }
0xe: {  	[smem:$0x3F99] =	sst s6  }
0xf: {  	[smem:$0x3F9A] =	sst s7  }
0x10: {  	[smem:$0x3F9B] =	sst s8  }
0x11: {  	[smem:$0x3F9C] =	sst s9;
	s0 =	simm.s32 @!p0 $0x0  }
0x12: {  	s1 =	sld [smem:$0x3F82];
	s0 =	simm.s32 @p0 $0x1  }
0x13: {  	[smem:$0x3F9D] =	sst s0;
	s0 =	simm.s32 @!p1 $0x0  }
0x14: {  	s2 =	sld [smem:$0x3F81];
	s0 =	simm.s32 @p1 $0x1  }
0x15: {  	[smem:$0x3F9E] =	sst s0;
	s0 =	simm.s32 @!p2 $0x0  }
0x16: {  	s3 =	sld [smem:$0x3FDB];
	s0 =	simm.s32 @p2 $0x1  }
0x17: {  	s4 =	simm.s32 $0x1BF5;
	[smem:$0x3FA0] =	sst s0  }
0x18: {  	s0 =	sld [smem:$0x3F83];
	_ =	swait.ge [sflag:s4], $0x0  }
0x19: {  	s7 =	sld [smem:$0x3F84]  }
0x1a: {  	s8 =	sadd.s32 $0xFFFFE003, lr  }
0x1b: {  	s9 =	sadd.s32 $0xFFFFFEF7, lr;
	s5 =	simm.s32 $0xFFFFFFFF;
	p2 =	slt.u32 s8, $0xFFFFF086  }
0x1c: {  	p1 =	slt.u32 s9, $0xF7A;
	s5 =	simm.s32 @!p2 $0x0  }
0x1d: {  	s5 =	simm.s32 @p1 $0x1;
	p0 =	seq.s32 s7, s2  }
0x1e: {  	s7 =	smul.u32 @!p0 $0xF7A, s2;
	p2 =	seq.s32 @!p0 s5, $0x0  }
0x1f: {  	s9 =	smul.u32 $0xF7A, s1;
	s8 =	simm.s32 @!p0 $0x1BF5;
	p2 =	por !p2, p0  }
0x20: {  	[sflag:s8] =	ssyncset.s32 @!p0 $0xFFFFF086;
	s6 =	sadd.s32 @!p0 s3, s7;
	s7 =	simm.s32 @!p0 $0x108  }
0x21: {  	s3 =	sadd.s32 s3, s9;
	s6 =	sadd.s32 @!p0 $0x88, s6;
	s7 =	simm.s32 @p2 $0x1082  }
0x22: {  	[simem:s7], [sflag:s8] =	dma.local @!p0 [hbm:s6], $0xF7A  }
0x23: {  	s9 =	sor.u32 $0xD0000000, s2;
	s6 =	simm.s32 $0x108;
	_ =	swait.ge @!p0 [sflag:s8], $0x0  }
0x24: {  	s3 =	sadd.s32 $0x88, s3;
	s6 =	simm.s32 @!p1 $0x1082;
	[sflag:s4] =	ssyncset.s32 $0xFFFFF086  }
0x25: {  	[simem:s6], [sflag:s4] =	dma.local [hbm:s3], $0xF7A  }
0x26: {  	[smem:$0x3F84] =	sst s1;
	(tag) =	ssettag s2;
	_ =	strace s9  }
0x27: {  	s1 =	sld [smem:$0x3F94]  }
0x28: {  	s2 =	sld [smem:$0x3F95]  }
0x29: {  	s4 =	sld [smem:$0x3F97]  }
0x2a: {  	p0 =	seq.s32 s5, $0x0;
	s5 =	sld [smem:$0x3F98]  }
0x2b: {  	s6 =	sld [smem:$0x3F99]  }
0x2c: {  	s7 =	sld [smem:$0x3F9A]  }
0x2d: {  	s3 =	simm.s32 $0x108;
	s8 =	sld [smem:$0x3F9B]  }
0x2e: {  	s3 =	simm.s32 @!p0 $0x1082;
	s9 =	sld [smem:$0x3F9C]  }
0x2f: {  	lr =	sadd.s32 s0, s3;
	s0 =	sld [smem:$0x3F93]  }
0x30: {  	s3 =	sld [smem:$0x3F96]  }
0x31: {  	[smem:$0x3F9F] =	sst s10  }
0x32: {  	s10 =	sld [smem:$0x3F9D];
	_ =	sdelay $0x3  }
0x33: {  	p0 =	seq.s32 s10, $0x1;
	s10 =	sld [smem:$0x3F9F];
	_ =	sdelay $0x3  }
0x34: {  	[smem:$0x3F9F] =	sst s10  }
0x35: {  	s10 =	sld [smem:$0x3F9E];
	_ =	sdelay $0x3  }
0x36: {  	p1 =	seq.s32 s10, $0x1;
	s10 =	sld [smem:$0x3F9F];
	_ =	sdelay $0x3  }
0x37: {  	[smem:$0x3F9F] =	sst s10  }
0x38: {  	s10 =	sld [smem:$0x3FA0]  }
0x39: {  	_ = 	snop;
	(pc) =	sbr.ind lr, $3  }
0x3a: {  	_ = 	snop  }
0x3b: {  	_ = 	snop  }
0x3c: {  	p2 =	seq.s32 s10, $0x1;
	s10 =	sld [smem:$0x3F9F]  }
0x3d: {  	_ =	shalt  }
0x3e: {  	_ =	shalt  }
0x3f: {  	_ =	shalt  }
0x40: {  	_ =	shalt  }
0x41: {  	_ =	shalt  }
0x42: {  	_ =	shalt  }
0x43: {  	_ =	shalt  }
0x44: {  	_ =	shalt  }
0x45: {  	_ =	shalt  }
0x46: {  	_ =	shalt  }
0x47: {  	_ =	shalt  }
0x48: {  	_ =	shalt  }
0x49: {  	_ =	shalt  }
0x4a: {  	_ =	shalt  }
0x4b: {  	_ =	shalt  }
0x4c: {  	_ =	shalt  }
0x4d: {  	_ =	shalt  }
0x4e: {  	_ =	shalt  }
0x4f: {  	_ =	shalt  }
0x50: {  	_ =	shalt  }
0x51: {  	_ =	shalt  }
0x52: {  	_ =	shalt  }
0x53: {  	_ =	shalt  }
0x54: {  	_ =	shalt  }
0x55: {  	_ =	shalt  }
0x56: {  	_ =	shalt  }
0x57: {  	_ =	shalt  }
0x58: {  	_ =	shalt  }
0x59: {  	_ =	shalt  }
0x5a: {  	_ =	shalt  }
0x5b: {  	_ =	shalt  }
0x5c: {  	_ =	shalt  }
0x5d: {  	_ =	shalt  }
0x5e: {  	_ =	shalt  }
0x5f: {  	_ =	shalt  }
0x60: {  	_ =	shalt  }
0x61: {  	_ =	shalt  }
0x62: {  	_ =	shalt  }
0x63: {  	_ =	shalt  }
0x64: {  	_ =	shalt  }
0x65: {  	_ =	shalt  }
0x66: {  	_ =	shalt  }
0x67: {  	_ =	shalt  }
0x68: {  	_ =	shalt  }
0x69: {  	_ =	shalt  }
0x6a: {  	_ =	shalt  }
0x6b: {  	_ =	shalt  }
0x6c: {  	_ =	shalt  }
0x6d: {  	_ =	shalt  }
0x6e: {  	_ =	shalt  }
0x6f: {  	_ =	shalt  }
0x70: {  	_ =	shalt  }
0x71: {  	_ =	shalt  }
0x72: {  	_ =	shalt  }
0x73: {  	_ =	shalt  }
0x74: {  	_ =	shalt  }
0x75: {  	_ =	shalt  }
0x76: {  	_ =	shalt  }
0x77: {  	_ =	shalt  }
0x78: {  	_ =	shalt  }
0x79: {  	_ =	shalt  }
0x7a: {  	_ =	shalt  }
0x7b: {  	_ =	shalt  }
0x7c: {  	_ =	shalt  }
0x7d: {  	_ =	shalt  }
0x7e: {  	_ =	shalt  }
0x7f: {  	_ =	shalt  }
0x80: {  	_ =	shalt  }
0x81: {  	_ =	shalt  }
0x82: {  	_ =	shalt  }
0x83: {  	_ =	shalt  }
0x84: {  	_ =	shalt  }
0x85: {  	_ =	shalt  }
0x86: {  	_ =	shalt  }
0x87: {  	_ =	shalt  }
.Lfunc_end0:
.L_simem_size_0:
called_computation.2_lowered:
.L_overlay_start_0:
0x88: {  	s2 =	sld [smem:$0x3FD9]  }
0x89: {  	s3 =	sld [smem:$0x3FFE];
	_ =	sdelay $0x1  }
0x8a: {  	s1 =	srdreg.scid  }
0x8b: {  	s0 =	sand.u32 $0x1, s1  }
0x8c: {  	s16 =	sshll.u32 s0, $0xA;
	s2 =	sadd.s32 s3, s2  }
0x8d: {  	s2 =	sadd.s32 s2, s16  }
0x8e: {  	[smem:$0x3FAB] =	sst s2  }
0x8f: {  	_ = 	snop  }
0x90: {  	(tm) =	ssettm $0x1  }
0x91: {  	s17 =	sld [smem:$0x3FFB];
	_ =	sdelay $0x3  }
0x92: {  	_ =	strace s17  }
0x93: {  	s2 =	sld [smem:$0x3FFC];
	_ =	sdelay $0x3  }
0x94: {  	_ =	strace s2  }
0x95: {  	s2 =	sld [smem:$0x3FFD];
	_ =	sdelay $0x3  }
0x96: {  	_ =	strace s2  }
0x97: {  	_ =	strace $0x8FFFFFFF  }
0x98: {  	s18 =	sld [smem:$0x3FDB];
	_ =	sdelay $0x1  }
0x99: {  	s19 =	simm.s32 $_scs_section_size  }
0x9a: {  	s4 =	simm.s32 $_size__tile_overlayer_lowered;
	s5 =	simm.s32 $_tile_overlayer_lowered  }
0x9b: {  	s22 =	simm.s32 $0x1BFF;
	s21 =	sshll.u32 s5, $0x1;
	s2 =	sadd.s32 s19, s18  }
0x9c: {  	s6 =	simm.s32 $0x0;
	s20 =	sshll.u32 s4, $0x1;
	s4 =	sadd.s32 s21, s2  }
0x9d: {  	[timem:s6], [sflag:s22] =	dma.local [hbm:s4], s20  }
0x9e: {  	_ =	swait.ge [sflag:s22], s20  }
0x9f: {  	s3 =	ssub.s32 $0x0, s20;
	[sflag:s22] =	ssyncset.done $0x0  }
0xa0: {  	[sflag:s22] =	ssyncadd.s32 s3;
	_ =	sdelay $0x1  }
0xa1: {  	s23 =	simm.s32 $0x1B8B  }
0xa2: {  	_ =	swait.ge [sflag:s23], $0x1  }
0xa3: {  	[sflag:s23] =	ssyncset.done $0x0  }
0xa4: {  	s25 =	simm.s32 $0x1B8E;
	s24 =	sld [smem:$0x3FFE];
	[sflag:s23] =	ssyncadd.s32 $0xFFFFFFFF  }
0xa5: {  	s26 =	simm.s32 $execute0_lowered;
	[smem:$0x3FD2] =	sst s25  }
0xa6: {  	s4 =	sshll.u32 s26, $0x1;
	_ =	strace $0x8000004C;
	[dreg:$0x1] =	wrdreg $0xFFFFFFFF  }
0xa7: {  	s28 =	simm.s32 $_size_execute0_lowered;
	s2 =	sadd.s32 s2, s4;
	[dreg:$0x0] =	wrdreg $0x0  }
0xa8: {  	s4 =	sshll.u32 s28, $0x1;
	[dreg:$0x2] =	wrdreg s2  }
0xa9: {  	[dreg:$0x3] =	wrdreg s4  }
0xaa: {  	[dreg:$0x4] =	wrdreg $0xC0  }
0xab: {  	_ =	task [dreg:s6], $0x5FFFF  }
0xac: {  	[dreg:$0x1] =	wrdreg $0xFFFFFFFF  }
0xad: {  	[dreg:$0x0] =	wrdreg $0x60  }
0xae: {  	[dreg:$0x2] =	wrdreg s24  }
0xaf: {  	[dreg:$0x3] =	wrdreg $0x93000  }
0xb0: {  	[dreg:$0x4] =	wrdreg $0x9  }
0xb1: {  	_ =	task.clear_ibuf [dreg:s6], $0x5FFFF;
	_ =	strace $0x9000004C  }
0xb2: {  	s29 =	simm.s32 $0x9;
	_ =	strace $0x8000004E  }
0xb3: {  	_ =	swait.ge [sflag:s29], $0x1  }
0xb4: {  	[sflag:s29] =	ssyncadd.s32 $0xFFFFFFFF  }
0xb5: {  	_ =	strace $0x9000004E  }
0xb6: {  	_ =	sfence  }
0xb7: {  	s30 =	sld [smem:$0x0];
	_ =	sdelay $0x2  }
0xb8: {  	s31 =	sshll.u32 s1, $0xD;
	s1 =	sshrl.u32 s1, $0x2  }
0xb9: {  	s3 =	sand.u32 $0x4000, s31;
	s1 =	sadd.s32 s1, s30  }
0xba: {  	s0 =	sor.u32 s3, s0;
	s1 =	sshll.u32 s1, $0x11  }
0xbb: {  	s0 =	sor.u32 s1, s0  }
0xbc: {  	s0 =	sadd.s32 $0x8F2B, s0  }
0xbd: {  	[sflag:s0] =	ssyncadd.remote.s32 $0x1  }
0xbe: {  	_ =	sfence.sel $0xFFFF  }
0xbf: {  	[dreg:$0x0] =	wrdreg $0xFFFFFFFF;
	(pc) =	sbr.abs _section_cstart, $3  }
0xc0: {  	[dreg:$0x1] =	wrdreg $0xFFFFFFFF  }
0xc1: {  	_ =	task.clear_ibuf [dreg:s6], $0x2FFFF;
	_ =	strace $0x9FFFFFFF  }
0xc2: {  	(tm) =	ssettm $0x7FFFFFFF  }
0xc3: {  	_ =	shalt  }
tec
execute0_lowered:
.L_overlay_start_1:
0x0: {  	(tag) =	ssettag $0x1  }
0x1: {  	s0 =	rddreg [dreg:$0x0]  }
0x2: {  	s1 =	rddreg [dreg:$0x1];
	s3 =	simm.s32 $0x0  }
0x3: {  	s2 =	srdreg.scid;
	s13 =	stileid.u32;
	s18 =	simm.s32 $0x5  }
0x4: {  	s19 =	simm.s32 $0x100;
	s28 =	simm.s32 $0x4;
	s29 =	simm.s32 $0x8200  }
0x5: {  	s30 =	simm.s32 $0x8280;
	s31 =	simm.s32 $0x20;
	s6 =	smul.u32 $0x280, s13  }
0x6: {  	[smem:$0x7FF] =	sst s3;
	s2 =	sand.u32 $0x1, s2;
	s20 =	smul.u32 $0x50000, s13  }
0x7: {  	s4 =	sadd.s32 $0x1CE00, s0;
	s7 =	sadd.s32 $0x10800, s0;
	s11 =	smul.u32 $0x4E20, s13  }
0x8: {  	s8 =	sadd.s32 $0x6A00, s0;
	s9 =	sadd.s32 $0x1A600, s0;
	s16 =	smul.u32 $0x9C4, s13  }
0x9: {  	s22 =	sshll.u32 s13, $0x6;
	s5 =	smul.u32 $0x2800, s2;
	s2 =	ssub.s32 $0x2, s2  }
0xa: {  	_ =	strace $0x8000004D;
	[dreg:$0x3] =	wrdreg s9;
	s10 =	sshrl.u32 s2, $0x1  }
0xb: {  	s21 =	sshrl.u32 s20, $0x2;
	s23 =	sshrl.u32 s11, $0x3;
	s15 =	sadd.s32 s16, s8  }
0xc: {  	s16 =	sadd.s32 s16, s7;
	s20 =	simm.s32 $0x80;
	s6 =	sadd.s32 s6, s5  }
0xd: {  	s2 =	ssub.s32 s2, s10;
	s17 =	sadd.s32 s21, s1;
	s24 =	sadd.s32 s7, s23  }
0xe: {  	s11 =	sadd.s32 $0x10, s23;
	s25 =	sadd.s32 s8, s23;
	s12 =	sadd.s32 $0x9C0, s23  }
0xf: {  	s21 =	simm.s32 $0x200;
	s23 =	simm.s32 $0x4200;
	[dreg:$0x4] =	wrdreg s24  }
0x10: {  	s6 =	sshll.u32 s6, $0x4;
	[dreg:$0x5] =	wrdreg s25;
	s26 =	sadd.s32 s7, s11  }
0x11: {  	s10 =	sadd.s32 s8, s11;
	s11 =	sadd.s32 s7, s12;
	s12 =	sadd.s32 s8, s12  }
0x12: {  	s14 =	smax.u32 s2, $0x1;
	s17 =	sshrl.u32 s17, $0x3;
	s24 =	simm.s32 $0x1  }
0x13: {  	s25 =	simm.s32 $0x3;
	s2 =	simm.s32 $0x0;
	s0 =	sadd.s32 s6, s0  }
0x14: {  	s6 =	sor.u32 $0x1C05, s22;
	[dreg:$0x6] =	wrdreg s26;
	s22 =	simm.s32 $0x180  }
0x15: {  	v0 =	vmov s5;
	s26 =	simm.s32 $0x2;
	s13 =	sadd.s32 $0x6CE00, s0;
	s0 =	simm.s32 $0x8300  }
.LBB2_1:
0x16: {  	s5 =	rddreg [dreg:$0x3]  }
0x17: {  	[spmem:s17], [sflag:s6] =	dma.local [hbm:s5], $0x2800  }
0x18: {  	_ =	swait.ge [sflag:s18], $0x2800  }
0x19: {  	[sflag:s18] =	ssyncset.done $0x0  }
0x1a: {  	[sflag:s18] =	ssyncadd.s32 $0xFFFFD800  }
0x1b: {  	[bflag:$0x0] =	sbarrier.arrive $0xFFFF  }
0x1c: {  	s9 =	rddreg [dreg:$0x4]  }
0x1d: {  	[tilespmem:s3], [sflag:$0x5] =	stream.linear.gather [hbm4b:s9+s3], $0x80, $0x38;
	[tilespmem:$0x1D300] =	vst v63  }
0x1e: {  	_ =	swait.ge [sflag:s18], $0x80  }
0x1f: {  	[sflag:s18] =	ssyncset.done $0x0  }
0x20: {  	s7 =	rddreg [dreg:$0x5];
	[sflag:s18] =	ssyncadd.s32 $0xFFFFFF80  }
0x21: {  	[tilespmem:s19], [sflag:$0x5] =	stream.linear.gather [hbm4b:s7+s3], $0x80, $0x38;
	[tilespmem:$0x1D300] =	vst v63  }
0x22: {  	_ =	swait.ge [sflag:s18], $0x80  }
0x23: {  	[sflag:s18] =	ssyncset.done $0x0  }
0x24: {  	[sflag:s18] =	ssyncadd.s32 $0xFFFFFF80  }
0x25: {  	v1 =	vld [tilespmem:$0x0]  }
0x26: {  	v2 =	vld [tilespmem:$0x10]  }
0x27: {  	v3 =	vld [tilespmem:$0x20]  }
0x28: {  	v4 =	vld [tilespmem:$0x30]  }
0x29: {  	v5 =	vld [tilespmem:$0x40]  }
0x2a: {  	v6 =	vld [tilespmem:$0x50];
	v1 =	vadd.s32 v0, v1  }
0x2b: {  	[tilespmem:$0x0] =	vst v1;
	v1 =	vadd.s32 v0, v2;
	v2 =	vld [tilespmem:$0x60]  }
0x2c: {  	[tilespmem:$0x10] =	vst v1;
	v1 =	vadd.s32 v0, v3;
	v3 =	vld [tilespmem:$0x70]  }
0x2d: {  	[tilespmem:$0x20] =	vst v1;
	v1 =	vadd.s32 v0, v4  }
0x2e: {  	[tilespmem:$0x30] =	vst v1;
	v1 =	vadd.s32 v0, v5  }
0x2f: {  	[tilespmem:$0x40] =	vst v1;
	v1 =	vadd.s32 v0, v6  }
0x30: {  	[tilespmem:$0x50] =	vst v1;
	v1 =	vadd.s32 v0, v2  }
0x31: {  	[tilespmem:$0x60] =	vst v1;
	v1 =	vadd.s32 v0, v3  }
0x32: {  	[tilespmem:$0x70] =	vst v1  }
0x33: {  	[tilespmem:s21], [sflag:$0x1] =	stream.indirect.gather [hbm4b:s4+s20], $0x80, s3, s20, $0xb8;
	[tilespmem:$0x1D300] =	vst v63  }
0x34: {  	s8 =	rddreg [dreg:$0x6]  }
0x35: {  	[tilespmem:s20], [sflag:$0x5] =	stream.linear.gather [hbm4b:s8+s3], $0x80, $0x38;
	[tilespmem:$0x1D300] =	vst v63  }
0x36: {  	_ =	swait.ge [sflag:s18], $0x80  }
0x37: {  	[sflag:s18] =	ssyncset.done $0x0  }
0x38: {  	[sflag:s18] =	ssyncadd.s32 $0xFFFFFF80  }
0x39: {  	[tilespmem:s22], [sflag:$0x5] =	stream.linear.gather [hbm4b:s10+s3], $0x80, $0x38;
	[tilespmem:$0x1D300] =	vst v63  }
0x3a: {  	_ =	swait.ge [sflag:s18], $0x80  }
0x3b: {  	[sflag:s18] =	ssyncset.done $0x0  }
0x3c: {  	[sflag:s18] =	ssyncadd.s32 $0xFFFFFF80  }
0x3d: {  	v1 =	vld [tilespmem:$0x80]  }
0x3e: {  	v2 =	vld [tilespmem:$0x90]  }
0x3f: {  	v3 =	vld [tilespmem:$0xA0]  }
0x40: {  	v58 =	vld [tilespmem:$0xB0]  }
0x41: {  	v59 =	vld [tilespmem:$0xC0]  }
0x42: {  	v60 =	vld [tilespmem:$0xD0];
	v1 =	vadd.s32 v0, v1  }
0x43: {  	[tilespmem:$0x80] =	vst v1;
	v1 =	vadd.s32 v0, v2;
	v2 =	vld [tilespmem:$0xE0]  }
0x44: {  	[tilespmem:$0x90] =	vst v1;
	v1 =	vadd.s32 v0, v3;
	v3 =	vld [tilespmem:$0xF0]  }
0x45: {  	[tilespmem:$0xA0] =	vst v1;
	v1 =	vadd.s32 v0, v58  }
0x46: {  	[tilespmem:$0xB0] =	vst v1;
	v1 =	vadd.s32 v0, v59  }
0x47: {  	[tilespmem:$0xC0] =	vst v1;
	v1 =	vadd.s32 v0, v60  }
0x48: {  	[tilespmem:$0xD0] =	vst v1;
	v1 =	vadd.s32 v0, v2  }
0x49: {  	[tilespmem:$0xE0] =	vst v1;
	v1 =	vadd.s32 v0, v3  }
0x4a: {  	[tilespmem:$0xF0] =	vst v1  }
0x4b: {  	[tilespmem:s23], [sflag:$0x2] =	stream.indirect.gather [hbm4b:s4+s20], $0x80, s20, s20, $0xb8;
	[tilespmem:$0x1D300] =	vst v63  }
0x4c: {  	_ =	swait.ge [sflag:s24], $0x4000  }
0x4d: {  	[sflag:s24] =	ssyncset.done $0x0  }
0x4e: {  	[sflag:s24] =	ssyncadd.s32 $0xFFFFC000  }
0x4f: {  	[spmem:s1] =	stream.indirect.scatter.add.f32 [tilespmem:s21], [sflag:$0x3], $0x80, s19, s20, $0xb8;
	[tilespmem:$0x1D300] =	vst v63  }
0x50: {  	_ =	swait.ge [sflag:s25], $0x4000  }
0x51: {  	s5 =	sadd.s32 $0xFFFFF660, s16;
	[sflag:s25] =	ssyncset.done $0x0  }
0x52: {  	s7 =	sadd.s32 $0x9C0, s5;
	[sflag:s25] =	ssyncadd.s32 $0xFFFFC000  }
0x53: {  	[tilespmem:s3], [sflag:$0x5] =	stream.linear.gather [hbm4b:s7+s3], $0x80, $0x38;
	[tilespmem:$0x1D300] =	vst v63  }
0x54: {  	_ =	swait.ge [sflag:s18], $0x80  }
0x55: {  	s9 =	sadd.s32 $0xFFFFF660, s15;
	[sflag:s18] =	ssyncset.done $0x0  }
0x56: {  	s8 =	sadd.s32 $0x9C0, s9;
	[sflag:s18] =	ssyncadd.s32 $0xFFFFFF80  }
0x57: {  	[tilespmem:s19], [sflag:$0x5] =	stream.linear.gather [hbm4b:s8+s3], $0x80, $0x38;
	[tilespmem:$0x1D300] =	vst v63  }
0x58: {  	_ =	swait.ge [sflag:s18], $0x80  }
0x59: {  	[sflag:s18] =	ssyncset.done $0x0  }
0x5a: {  	[sflag:s18] =	ssyncadd.s32 $0xFFFFFF80  }
0x5b: {  	v1 =	vld [tilespmem:$0x30]  }
0x5c: {  	v2 =	vld [tilespmem:$0x70]  }
0x5d: {  	v3 =	vld [tilespmem:$0x60]  }
0x5e: {  	v61 =	vld [tilespmem:$0x10]  }
0x5f: {  	v62 =	vld [tilespmem:$0x50]  }
0x60: {  	v63 =	vld [tilespmem:$0x0];
	v1 =	vadd.s32 v0, v1  }
0x61: {  	v7 =	vld [tilespmem:$0x20];
	v2 =	vadd.s32 v0, v2;
	[tilespmem:$0x30] =	vst v1  }
0x62: {  	v3 =	vadd.s32 v0, v3;
	v1 =	vld [tilespmem:$0x40];
	[tilespmem:$0x70] =	vst v2  }
0x63: {  	v2 =	vadd.s32 v0, v61;
	[tilespmem:$0x60] =	vst v3  }
0x64: {  	v3 =	vadd.s32 v0, v62;
	[tilespmem:$0x10] =	vst v2  }
0x65: {  	v2 =	vadd.s32 v0, v63;
	[tilespmem:$0x50] =	vst v3  }
0x66: {  	[tilespmem:$0x0] =	vst v2;
	v2 =	vadd.s32 v0, v7  }
0x67: {  	[tilespmem:$0x20] =	vst v2;
	v1 =	vadd.s32 v0, v1  }
0x68: {  	[tilespmem:$0x40] =	vst v1  }
0x69: {  	[tilespmem:s21], [sflag:$0x1] =	stream.indirect.gather [hbm4b:s4+s20], $0x80, s3, s20, $0xb8;
	[tilespmem:$0x1D300] =	vst v63  }
0x6a: {  	_ =	swait.ge [sflag:s26], $0x4000  }
0x6b: {  	[sflag:s26] =	ssyncset.done $0x0  }
0x6c: {  	[sflag:s26] =	ssyncadd.s32 $0xFFFFC000  }
0x6d: {  	[spmem:s1] =	stream.indirect.scatter.add.f32 [tilespmem:s23], [sflag:$0x4], $0x80, s22, s20, $0xb8;
	[tilespmem:$0x1D300] =	vst v63  }
0x6e: {  	_ =	swait.ge [sflag:s28], $0x4000  }
0x6f: {  	[sflag:s28] =	ssyncset.done $0x0  }
0x70: {  	s5 =	sadd.s32 $0x9D0, s5;
	[sflag:s28] =	ssyncadd.s32 $0xFFFFC000  }
0x71: {  	[tilespmem:s20], [sflag:$0x5] =	stream.linear.gather [hbm4b:s5+s3], $0x80, $0x38;
	[tilespmem:$0x1D300] =	vst v63  }
0x72: {  	_ =	swait.ge [sflag:s18], $0x80  }
0x73: {  	[sflag:s18] =	ssyncset.done $0x0  }
0x74: {  	s9 =	sadd.s32 $0x9D0, s9;
	[sflag:s18] =	ssyncadd.s32 $0xFFFFFF80  }
0x75: {  	[tilespmem:s22], [sflag:$0x5] =	stream.linear.gather [hbm4b:s9+s3], $0x80, $0x38;
	[tilespmem:$0x1D300] =	vst v63  }
0x76: {  	_ =	swait.ge [sflag:s18], $0x80  }
0x77: {  	[sflag:s18] =	ssyncset.done $0x0  }
0x78: {  	s5 =	simm.s32 $0xFFFFF680;
	[sflag:s18] =	ssyncadd.s32 $0xFFFFFF80  }
.LBB2_2:
0x79: {  	p0 =	sne.s32 s5, $0xFFFFFFE0;
	s8 =	smov.u32 s5;
	s5 =	sadd.s32 $0x20, s5  }
0x7a: {  	v1 =	vld [tilespmem:$0xF0]  }
0x7b: {  	v2 =	vld [tilespmem:$0xE0]  }
0x7c: {  	v3 =	vld [tilespmem:$0xD0]  }
0x7d: {  	v4 =	vld [tilespmem:$0xC0]  }
0x7e: {  	v5 =	vld [tilespmem:$0xB0]  }
0x7f: {  	v6 =	vld [tilespmem:$0xA0];
	v1 =	vadd.s32 v0, v1  }
0x80: {  	v7 =	vld [tilespmem:$0x90];
	v2 =	vadd.s32 v0, v2;
	[tilespmem:$0xF0] =	vst v1  }
0x81: {  	v1 =	vld [tilespmem:$0x80];
	v3 =	vadd.s32 v0, v3;
	[tilespmem:$0xE0] =	vst v2  }
0x82: {  	v2 =	vadd.s32 v0, v4;
	[tilespmem:$0xD0] =	vst v3  }
0x83: {  	v3 =	vadd.s32 v0, v5;
	[tilespmem:$0xC0] =	vst v2  }
0x84: {  	v2 =	vadd.s32 v0, v6;
	[tilespmem:$0xB0] =	vst v3  }
0x85: {  	v3 =	vadd.s32 v0, v7;
	[tilespmem:$0xA0] =	vst v2  }
0x86: {  	v1 =	vadd.s32 v0, v1;
	[tilespmem:$0x90] =	vst v3  }
0x87: {  	[tilespmem:$0x80] =	vst v1  }
0x88: {  	[tilespmem:s23], [sflag:$0x2] =	stream.indirect.gather [hbm4b:s4+s20], $0x80, s20, s20, $0xb8;
	[tilespmem:$0x1D300] =	vst v63  }
0x89: {  	_ =	swait.ge [sflag:s24], $0x4000  }
0x8a: {  	[sflag:s24] =	ssyncset.done $0x0  }
0x8b: {  	[sflag:s24] =	ssyncadd.s32 $0xFFFFC000  }
0x8c: {  	[spmem:s1] =	stream.indirect.scatter.add.f32 [tilespmem:s21], [sflag:$0x3], $0x80, s19, s20, $0xb8;
	[tilespmem:$0x1D300] =	vst v63  }
0x8d: {  	_ =	swait.ge [sflag:s25], $0x4000  }
0x8e: {  	s7 =	sadd.s32 s8, s16;
	[sflag:s25] =	ssyncset.done $0x0  }
0x8f: {  	s9 =	sadd.s32 $0x9C0, s7;
	[sflag:s25] =	ssyncadd.s32 $0xFFFFC000  }
0x90: {  	[tilespmem:s3], [sflag:$0x5] =	stream.linear.gather [hbm4b:s9+s3], $0x80, $0x38;
	[tilespmem:$0x1D300] =	vst v63  }
0x91: {  	_ =	swait.ge [sflag:s18], $0x80  }
0x92: {  	s8 =	sadd.s32 s8, s15;
	[sflag:s18] =	ssyncset.done $0x0  }
0x93: {  	s9 =	sadd.s32 $0x9C0, s8;
	[sflag:s18] =	ssyncadd.s32 $0xFFFFFF80  }
0x94: {  	[tilespmem:s19], [sflag:$0x5] =	stream.linear.gather [hbm4b:s9+s3], $0x80, $0x38;
	[tilespmem:$0x1D300] =	vst v63  }
0x95: {  	_ =	swait.ge [sflag:s18], $0x80  }
0x96: {  	[sflag:s18] =	ssyncset.done $0x0  }
0x97: {  	[sflag:s18] =	ssyncadd.s32 $0xFFFFFF80  }
0x98: {  	v1 =	vld [tilespmem:$0x30]  }
0x99: {  	v2 =	vld [tilespmem:$0x70]  }
0x9a: {  	v3 =	vld [tilespmem:$0x50]  }
0x9b: {  	v4 =	vld [tilespmem:$0x60]  }
0x9c: {  	v5 =	vld [tilespmem:$0x10]  }
0x9d: {  	v6 =	vld [tilespmem:$0x20];
	v1 =	vadd.s32 v0, v1  }
0x9e: {  	v7 =	vld [tilespmem:$0x0];
	v2 =	vadd.s32 v0, v2  }
0x9f: {  	[tilespmem:$0x30] =	vst v1;
	v1 =	vld [tilespmem:$0x40];
	v3 =	vadd.s32 v0, v3  }
0xa0: {  	v4 =	vadd.s32 v0, v4;
	[tilespmem:$0x70] =	vst v2  }
0xa1: {  	v2 =	vadd.s32 v0, v5;
	[tilespmem:$0x60] =	vst v4  }
0xa2: {  	[tilespmem:$0x10] =	vst v2;
	v2 =	vadd.s32 v0, v6  }
0xa3: {  	v4 =	vadd.s32 v0, v7;
	[tilespmem:$0x50] =	vst v3  }
0xa4: {  	[tilespmem:$0x0] =	vst v4;
	v1 =	vadd.s32 v0, v1  }
0xa5: {  	[tilespmem:$0x40] =	vst v1  }
0xa6: {  	[tilespmem:$0x20] =	vst v2  }
0xa7: {  	[tilespmem:s21], [sflag:$0x1] =	stream.indirect.gather [hbm4b:s4+s20], $0x80, s3, s20, $0xb8;
	[tilespmem:$0x1D300] =	vst v63  }
0xa8: {  	_ =	swait.ge [sflag:s26], $0x4000  }
0xa9: {  	[sflag:s26] =	ssyncset.done $0x0  }
0xaa: {  	[sflag:s26] =	ssyncadd.s32 $0xFFFFC000  }
0xab: {  	[spmem:s1] =	stream.indirect.scatter.add.f32 [tilespmem:s23], [sflag:$0x4], $0x80, s22, s20, $0xb8;
	[tilespmem:$0x1D300] =	vst v63  }
0xac: {  	_ =	swait.ge [sflag:s28], $0x4000  }
0xad: {  	[sflag:s28] =	ssyncset.done $0x0  }
0xae: {  	s7 =	sadd.s32 $0x9D0, s7;
	[sflag:s28] =	ssyncadd.s32 $0xFFFFC000  }
0xaf: {  	[tilespmem:s20], [sflag:$0x5] =	stream.linear.gather [hbm4b:s7+s3], $0x80, $0x38;
	[tilespmem:$0x1D300] =	vst v63  }
0xb0: {  	_ =	swait.ge [sflag:s18], $0x80  }
0xb1: {  	[sflag:s18] =	ssyncset.done $0x0  }
.Ltmp0:
0xb2: {  	s7 =	sadd.s32 $0x9D0, s8;
	[sflag:s18] =	ssyncadd.s32 $0xFFFFFF80;
	(pc) =	sbr.rel @p0 .LBB2_2-.Ltmp0, $4  }
0xb3: {  	[tilespmem:s22], [sflag:$0x5] =	stream.linear.gather [hbm4b:s7+s3], $0x80, $0x38;
	[tilespmem:$0x1D300] =	vst v63  }
0xb4: {  	_ =	swait.ge [sflag:s18], $0x80  }
0xb5: {  	[sflag:s18] =	ssyncset.done $0x0  }
0xb6: {  	[sflag:s18] =	ssyncadd.s32 $0xFFFFFF80  }
0xb7: {  	v1 =	vld [tilespmem:$0xF0]  }
0xb8: {  	v2 =	vld [tilespmem:$0xE0]  }
0xb9: {  	v3 =	vld [tilespmem:$0xD0]  }
0xba: {  	v4 =	vld [tilespmem:$0xC0]  }
0xbb: {  	v5 =	vld [tilespmem:$0xB0]  }
0xbc: {  	v6 =	vld [tilespmem:$0xA0];
	v1 =	vadd.s32 v0, v1  }
0xbd: {  	v7 =	vld [tilespmem:$0x90];
	v2 =	vadd.s32 v0, v2;
	[tilespmem:$0xF0] =	vst v1  }
0xbe: {  	v3 =	vadd.s32 v0, v3;
	v1 =	vld [tilespmem:$0x80];
	[tilespmem:$0xE0] =	vst v2  }
0xbf: {  	v2 =	vadd.s32 v0, v4;
	[tilespmem:$0xD0] =	vst v3  }
0xc0: {  	v3 =	vadd.s32 v0, v5;
	[tilespmem:$0xC0] =	vst v2  }
0xc1: {  	v2 =	vadd.s32 v0, v6;
	[tilespmem:$0xB0] =	vst v3  }
0xc2: {  	v3 =	vadd.s32 v0, v7;
	[tilespmem:$0xA0] =	vst v2  }
0xc3: {  	[tilespmem:$0x90] =	vst v3;
	v1 =	vadd.s32 v0, v1  }
0xc4: {  	[tilespmem:$0x80] =	vst v1  }
0xc5: {  	[tilespmem:s23], [sflag:$0x2] =	stream.indirect.gather [hbm4b:s4+s20], $0x80, s20, s20, $0xb8;
	[tilespmem:$0x1D300] =	vst v63  }
0xc6: {  	_ =	swait.ge [sflag:s24], $0x4000  }
0xc7: {  	[sflag:s24] =	ssyncset.done $0x0  }
0xc8: {  	[sflag:s24] =	ssyncadd.s32 $0xFFFFC000  }
0xc9: {  	[spmem:s1] =	stream.indirect.scatter.add.f32 [tilespmem:s21], [sflag:$0x3], $0x80, s19, s20, $0xb8;
	[tilespmem:$0x1D300] =	vst v63  }
0xca: {  	_ =	swait.ge [sflag:s26], $0x4000  }
0xcb: {  	[sflag:s26] =	ssyncset.done $0x0  }
0xcc: {  	[sflag:s26] =	ssyncadd.s32 $0xFFFFC000  }
0xcd: {  	[spmem:s1] =	stream.indirect.scatter.add.f32 [tilespmem:s23], [sflag:$0x4], $0x80, s22, s20, $0xb8;
	[tilespmem:$0x1D300] =	vst v63  }
0xce: {  	_ = 	snop  }
0xcf: {  	[tilespmem:s29], [sflag:$0x5] =	stream.linear.gather [hbm4b:s11+s3], $0x20, $0x38;
	[tilespmem:$0x1D300] =	vst v63  }
0xd0: {  	_ =	swait.ge [sflag:s18], $0x20  }
0xd1: {  	[sflag:s18] =	ssyncset.done $0x0  }
0xd2: {  	[sflag:s18] =	ssyncadd.s32 $0xFFFFFFE0  }
0xd3: {  	[tilespmem:s30], [sflag:$0x5] =	stream.linear.gather [hbm4b:s12+s3], $0x20, $0x38;
	[tilespmem:$0x1D300] =	vst v63  }
0xd4: {  	_ =	swait.ge [sflag:s18], $0x20  }
0xd5: {  	[sflag:s18] =	ssyncset.done $0x0  }
0xd6: {  	[sflag:s18] =	ssyncadd.s32 $0xFFFFFFE0  }
0xd7: {  	v1 =	vld [tilespmem:$0x8200]  }
0xd8: {  	v2 =	vld [tilespmem:$0x8210];
	_ =	sdelay $0x3  }
0xd9: {  	v1 =	vadd.s32 v0, v1  }
0xda: {  	[tilespmem:$0x8200] =	vst v1;
	v1 =	vadd.s32 v0, v2  }
0xdb: {  	[tilespmem:$0x8210] =	vst v1  }
0xdc: {  	[tilespmem:s0], [sflag:$0x1] =	stream.indirect.gather [hbm4b:s4+s31], $0x80, s29, s31, $0xb8;
	[tilespmem:$0x1D300] =	vst v63  }
0xdd: {  	_ =	swait.ge [sflag:s24], $0x1000  }
0xde: {  	[sflag:s24] =	ssyncset.done $0x0  }
0xdf: {  	[sflag:s24] =	ssyncadd.s32 $0xFFFFF000  }
0xe0: {  	[spmem:s1] =	stream.indirect.scatter.add.f32 [tilespmem:s0], [sflag:$0x5], $0x80, s30, s31, $0xb8;
	[tilespmem:$0x1D300] =	vst v63  }
0xe1: {  	_ =	swait.ge [sflag:s18], $0x1000  }
0xe2: {  	[sflag:s18] =	ssyncset.done $0x0  }
0xe3: {  	[sflag:s18] =	ssyncadd.s32 $0xFFFFF000  }
0xe4: {  	_ =	swait.ge [sflag:s25], $0x4000  }
0xe5: {  	[sflag:s25] =	ssyncset.done $0x0  }
0xe6: {  	[sflag:s25] =	ssyncadd.s32 $0xFFFFC000  }
0xe7: {  	_ =	swait.ge [sflag:s28], $0x4000  }
0xe8: {  	s2 =	sadd.s32 $0x1, s2;
	[sflag:s28] =	ssyncset.done $0x0  }
0xe9: {  	p0 =	sne.s32 s2, s14;
	[sflag:s28] =	ssyncadd.s32 $0xFFFFC000  }
.Ltmp1:
0xea: {  	[bflag:$0x0] =	sbarrier.arrive $0xFFFF;
	(pc) =	sbr.rel @p0 .LBB2_1-.Ltmp1, $4  }
0xeb: {  	[hbm:s13], [sflag:s6] =	dma.local [spmem:s17], $0x2800  }
0xec: {  	_ =	swait.ge [sflag:s18], $0x2800  }
0xed: {  	[sflag:s18] =	ssyncset.done $0x0  }
0xee: {  	[sflag:s18] =	ssyncadd.s32 $0xFFFFD800  }
0xef: {  	_ =	sfence.sel $0x180000  }
0xf0: {  	[bflag:$0x0] =	sbarrier.arrive $0xFFFF  }
0xf1: {  	_ =	strace $0x9000004D  }
0xf2: {  	s0 =	stileid.u32;
	[bflag:$0x2] =	sbarrier.arrive $0xFFFF  }
0xf3: {  	p0 =	sne.s32 s0, $0x0;
	s0 =	rddreg [dreg:$0x2]  }
0xf4: {  	s0 =	sadd.s32 @!p0 $0x100000, s0  }
0xf5: {  	[sflag:s0] =	ssyncadd.tile.s32 @!p0 $0x1;
	_ =	shalt  }
.Lfunc_end2:
_tile_overlayer_lowered:
.L_overlay_start_2:
0xf6: {  	(tag) =	ssettag $0x2  }
0xf7: {  	s0 =	rddreg [dreg:$0x0];
	s2 =	stileid.u32  }
0xf8: {  	s1 =	rddreg [dreg:$0x1];
	p0 =	sne.s32 s2, $0x0  }
0xf9: {  	s3 =	rddreg [dreg:$0x2];
	[bflag:$0x3] =	sbarrier.arrive $0xFFFF;
	s2 =	simm.s32 @!p0 $0x1C05  }
0xfa: {  	[timem:s3], [sflag:s2] =	dma.local @!p0 [hbm:s0], s1  }
0xfb: {  	s0 =	simm.s32 @!p0 $0x5  }
0xfc: {  	_ =	swait.ge @!p0 [sflag:s0], s1  }
0xfd: {  	s1 =	ssub.s32 @!p0 $0x0, s1;
	[sflag:s0] =	ssyncset.done @!p0 $0x0  }
0xfe: {  	[sflag:s0] =	ssyncadd.s32 @!p0 s1  }
0xff: {  	[bflag:$0x3] =	sbarrier.arrive $0xFFFF  }
0x100: {  	_ =	shalt  }

// kernel: kernel.9.cloned.1.call-start
scs
__scs_entry_jumppad:
0x0: {  	(pc) =	sbr.rel $0x88, $3  }
0x1: {  	(tag) =	ssettag $0x0;
	lr =	simm.s32 $0x1  }
0x2: {  	[smem:$0x3F84] =	sst lr;
	_ =	strace $0xD0000000  }
0x3: {  	_ = 	snop  }
0x4: {  	_ = 	snop  }
0x5: {  	_ = 	snop  }
0x6: {  	_ = 	snop  }
0x7: {  	_ = 	snop  }
__scs_overlays_trampoline_lowered:
0x8: {  	[smem:$0x3F93] =	sst s0  }
0x9: {  	[smem:$0x3F94] =	sst s1  }
0xa: {  	[smem:$0x3F95] =	sst s2  }
0xb: {  	[smem:$0x3F96] =	sst s3  }
0xc: {  	[smem:$0x3F97] =	sst s4  }
0xd: {  	[smem:$0x3F98] =	sst s5  }
0xe: {  	[smem:$0x3F99] =	sst s6  }
0xf: {  	[smem:$0x3F9A] =	sst s7  }
0x10: {  	[smem:$0x3F9B] =	sst s8  }
0x11: {  	[smem:$0x3F9C] =	sst s9;
	s0 =	simm.s32 @!p0 $0x0  }
0x12: {  	s1 =	sld [smem:$0x3F82];
	s0 =	simm.s32 @p0 $0x1  }
0x13: {  	[smem:$0x3F9D] =	sst s0;
	s0 =	simm.s32 @!p1 $0x0  }
0x14: {  	s2 =	sld [smem:$0x3F81];
	s0 =	simm.s32 @p1 $0x1  }
0x15: {  	[smem:$0x3F9E] =	sst s0;
	s0 =	simm.s32 @!p2 $0x0  }
0x16: {  	s3 =	sld [smem:$0x3FDB];
	s0 =	simm.s32 @p2 $0x1  }
0x17: {  	s4 =	simm.s32 $0x1BF5;
	[smem:$0x3FA0] =	sst s0  }
0x18: {  	s0 =	sld [smem:$0x3F83];
	_ =	swait.ge [sflag:s4], $0x0  }
0x19: {  	s7 =	sld [smem:$0x3F84]  }
0x1a: {  	s8 =	sadd.s32 $0xFFFFE003, lr  }
0x1b: {  	s9 =	sadd.s32 $0xFFFFFEF7, lr;
	s5 =	simm.s32 $0xFFFFFFFF;
	p2 =	slt.u32 s8, $0xFFFFF086  }
0x1c: {  	p1 =	slt.u32 s9, $0xF7A;
	s5 =	simm.s32 @!p2 $0x0  }
0x1d: {  	s5 =	simm.s32 @p1 $0x1;
	p0 =	seq.s32 s7, s2  }
0x1e: {  	s7 =	smul.u32 @!p0 $0xF7A, s2;
	p2 =	seq.s32 @!p0 s5, $0x0  }
0x1f: {  	s9 =	smul.u32 $0xF7A, s1;
	s8 =	simm.s32 @!p0 $0x1BF5;
	p2 =	por !p2, p0  }
0x20: {  	[sflag:s8] =	ssyncset.s32 @!p0 $0xFFFFF086;
	s6 =	sadd.s32 @!p0 s3, s7;
	s7 =	simm.s32 @!p0 $0x108  }
0x21: {  	s3 =	sadd.s32 s3, s9;
	s6 =	sadd.s32 @!p0 $0x88, s6;
	s7 =	simm.s32 @p2 $0x1082  }
0x22: {  	[simem:s7], [sflag:s8] =	dma.local @!p0 [hbm:s6], $0xF7A  }
0x23: {  	s9 =	sor.u32 $0xD0000000, s2;
	s6 =	simm.s32 $0x108;
	_ =	swait.ge @!p0 [sflag:s8], $0x0  }
0x24: {  	s3 =	sadd.s32 $0x88, s3;
	s6 =	simm.s32 @!p1 $0x1082;
	[sflag:s4] =	ssyncset.s32 $0xFFFFF086  }
0x25: {  	[simem:s6], [sflag:s4] =	dma.local [hbm:s3], $0xF7A  }
0x26: {  	[smem:$0x3F84] =	sst s1;
	(tag) =	ssettag s2;
	_ =	strace s9  }
0x27: {  	s1 =	sld [smem:$0x3F94]  }
0x28: {  	s2 =	sld [smem:$0x3F95]  }
0x29: {  	s4 =	sld [smem:$0x3F97]  }
0x2a: {  	p0 =	seq.s32 s5, $0x0;
	s5 =	sld [smem:$0x3F98]  }
0x2b: {  	s6 =	sld [smem:$0x3F99]  }
0x2c: {  	s7 =	sld [smem:$0x3F9A]  }
0x2d: {  	s3 =	simm.s32 $0x108;
	s8 =	sld [smem:$0x3F9B]  }
0x2e: {  	s3 =	simm.s32 @!p0 $0x1082;
	s9 =	sld [smem:$0x3F9C]  }
0x2f: {  	lr =	sadd.s32 s0, s3;
	s0 =	sld [smem:$0x3F93]  }
0x30: {  	s3 =	sld [smem:$0x3F96]  }
0x31: {  	[smem:$0x3F9F] =	sst s10  }
0x32: {  	s10 =	sld [smem:$0x3F9D];
	_ =	sdelay $0x3  }
0x33: {  	p0 =	seq.s32 s10, $0x1;
	s10 =	sld [smem:$0x3F9F];
	_ =	sdelay $0x3  }
0x34: {  	[smem:$0x3F9F] =	sst s10  }
0x35: {  	s10 =	sld [smem:$0x3F9E];
	_ =	sdelay $0x3  }
0x36: {  	p1 =	seq.s32 s10, $0x1;
	s10 =	sld [smem:$0x3F9F];
	_ =	sdelay $0x3  }
0x37: {  	[smem:$0x3F9F] =	sst s10  }
0x38: {  	s10 =	sld [smem:$0x3FA0]  }
0x39: {  	_ = 	snop;
	(pc) =	sbr.ind lr, $3  }
0x3a: {  	_ = 	snop  }
0x3b: {  	_ = 	snop  }
0x3c: {  	p2 =	seq.s32 s10, $0x1;
	s10 =	sld [smem:$0x3F9F]  }
0x3d: {  	_ =	shalt  }
0x3e: {  	_ =	shalt  }
0x3f: {  	_ =	shalt  }
0x40: {  	_ =	shalt  }
0x41: {  	_ =	shalt  }
0x42: {  	_ =	shalt  }
0x43: {  	_ =	shalt  }
0x44: {  	_ =	shalt  }
0x45: {  	_ =	shalt  }
0x46: {  	_ =	shalt  }
0x47: {  	_ =	shalt  }
0x48: {  	_ =	shalt  }
0x49: {  	_ =	shalt  }
0x4a: {  	_ =	shalt  }
0x4b: {  	_ =	shalt  }
0x4c: {  	_ =	shalt  }
0x4d: {  	_ =	shalt  }
0x4e: {  	_ =	shalt  }
0x4f: {  	_ =	shalt  }
0x50: {  	_ =	shalt  }
0x51: {  	_ =	shalt  }
0x52: {  	_ =	shalt  }
0x53: {  	_ =	shalt  }
0x54: {  	_ =	shalt  }
0x55: {  	_ =	shalt  }
0x56: {  	_ =	shalt  }
0x57: {  	_ =	shalt  }
0x58: {  	_ =	shalt  }
0x59: {  	_ =	shalt  }
0x5a: {  	_ =	shalt  }
0x5b: {  	_ =	shalt  }
0x5c: {  	_ =	shalt  }
0x5d: {  	_ =	shalt  }
0x5e: {  	_ =	shalt  }
0x5f: {  	_ =	shalt  }
0x60: {  	_ =	shalt  }
0x61: {  	_ =	shalt  }
0x62: {  	_ =	shalt  }
0x63: {  	_ =	shalt  }
0x64: {  	_ =	shalt  }
0x65: {  	_ =	shalt  }
0x66: {  	_ =	shalt  }
0x67: {  	_ =	shalt  }
0x68: {  	_ =	shalt  }
0x69: {  	_ =	shalt  }
0x6a: {  	_ =	shalt  }
0x6b: {  	_ =	shalt  }
0x6c: {  	_ =	shalt  }
0x6d: {  	_ =	shalt  }
0x6e: {  	_ =	shalt  }
0x6f: {  	_ =	shalt  }
0x70: {  	_ =	shalt  }
0x71: {  	_ =	shalt  }
0x72: {  	_ =	shalt  }
0x73: {  	_ =	shalt  }
0x74: {  	_ =	shalt  }
0x75: {  	_ =	shalt  }
0x76: {  	_ =	shalt  }
0x77: {  	_ =	shalt  }
0x78: {  	_ =	shalt  }
0x79: {  	_ =	shalt  }
0x7a: {  	_ =	shalt  }
0x7b: {  	_ =	shalt  }
0x7c: {  	_ =	shalt  }
0x7d: {  	_ =	shalt  }
0x7e: {  	_ =	shalt  }
0x7f: {  	_ =	shalt  }
0x80: {  	_ =	shalt  }
0x81: {  	_ =	shalt  }
0x82: {  	_ =	shalt  }
0x83: {  	_ =	shalt  }
0x84: {  	_ =	shalt  }
0x85: {  	_ =	shalt  }
0x86: {  	_ =	shalt  }
0x87: {  	_ =	shalt  }
.Lfunc_end0:
.L_simem_size_0:
called_computation_lowered:
.L_overlay_start_0:
0x88: {  	s2 =	sld [smem:$0x3FD9]  }
0x89: {  	s3 =	sld [smem:$0x3FFE];
	_ =	sdelay $0x1  }
0x8a: {  	s1 =	srdreg.scid  }
0x8b: {  	s0 =	sand.u32 $0x1, s1  }
0x8c: {  	s17 =	sshll.u32 s0, $0xA;
	s2 =	sadd.s32 s3, s2  }
0x8d: {  	s2 =	sadd.s32 s2, s17  }
0x8e: {  	[smem:$0x3FAB] =	sst s2  }
0x8f: {  	_ = 	snop  }
0x90: {  	s2 =	sld [smem:$0x3FC9];
	(tm) =	ssettm $0x1  }
0x91: {  	s18 =	sld [smem:$0x3FFB];
	_ =	sdelay $0x3  }
0x92: {  	_ =	strace s18  }
0x93: {  	s3 =	sld [smem:$0x3FFC];
	_ =	sdelay $0x3  }
0x94: {  	_ =	strace s3  }
0x95: {  	s3 =	sld [smem:$0x3FFD];
	_ =	sdelay $0x3  }
0x96: {  	_ =	strace s3  }
0x97: {  	_ =	strace $0x8FFFFFFF  }
0x98: {  	s19 =	sld [smem:$0x3FDB];
	_ =	sdelay $0x1  }
0x99: {  	s4 =	simm.s32 $_scs_section_size  }
0x9a: {  	s5 =	simm.s32 $_size__tile_overlayer_lowered;
	s6 =	simm.s32 $_tile_overlayer_lowered  }
0x9b: {  	s22 =	simm.s32 $0x1BFF;
	s21 =	sshll.u32 s6, $0x1;
	s3 =	sadd.s32 s4, s19  }
0x9c: {  	s7 =	simm.s32 $0x0;
	s20 =	sshll.u32 s5, $0x1;
	s5 =	sadd.s32 s21, s3  }
0x9d: {  	[timem:s7], [sflag:s22] =	dma.local [hbm:s5], s20  }
0x9e: {  	_ =	swait.ge [sflag:s22], s20  }
0x9f: {  	s4 =	ssub.s32 $0x0, s20;
	[sflag:s22] =	ssyncset.done $0x0  }
0xa0: {  	[sflag:s22] =	ssyncadd.s32 s4;
	_ =	sdelay $0x1  }
0xa1: {  	s23 =	simm.s32 $0x1B8B  }
0xa2: {  	_ =	swait.ge [sflag:s23], $0x1  }
0xa3: {  	[sflag:s23] =	ssyncset.done $0x0  }
0xa4: {  	s25 =	simm.s32 $0x1B8E;
	s24 =	sld [smem:$0x3FFE];
	[sflag:s23] =	ssyncadd.s32 $0xFFFFFFFF  }
0xa5: {  	s26 =	simm.s32 $execute0_lowered;
	[smem:$0x3FD2] =	sst s25  }
0xa6: {  	s5 =	sshll.u32 s26, $0x1;
	_ =	strace $0x80000046;
	[dreg:$0x1] =	wrdreg $0xFFFFFFFF  }
0xa7: {  	s28 =	simm.s32 $_size_execute0_lowered;
	s3 =	sadd.s32 s3, s5;
	[dreg:$0x0] =	wrdreg $0x0  }
0xa8: {  	s5 =	sshll.u32 s28, $0x1;
	[dreg:$0x2] =	wrdreg s3  }
0xa9: {  	[dreg:$0x3] =	wrdreg s5  }
0xaa: {  	[dreg:$0x4] =	wrdreg $0xC0  }
0xab: {  	_ =	task [dreg:s7], $0x5FFFF  }
0xac: {  	[dreg:$0x1] =	wrdreg $0xFFFFFFFF  }
0xad: {  	[dreg:$0x0] =	wrdreg $0x60  }
0xae: {  	[dreg:$0x2] =	wrdreg s2  }
0xaf: {  	[dreg:$0x3] =	wrdreg s24  }
0xb0: {  	[dreg:$0x4] =	wrdreg $0x8E000  }
0xb1: {  	[dreg:$0x5] =	wrdreg $0x1CE000  }
0xb2: {  	[dreg:$0x6] =	wrdreg $0x9  }
0xb3: {  	_ =	task.clear_ibuf [dreg:s7], $0x7FFFF;
	_ =	strace $0x90000046  }
0xb4: {  	s29 =	simm.s32 $0x9;
	_ =	strace $0x80000048  }
0xb5: {  	_ =	swait.ge [sflag:s29], $0x1  }
0xb6: {  	[sflag:s29] =	ssyncadd.s32 $0xFFFFFFFF  }
0xb7: {  	_ =	strace $0x90000048  }
0xb8: {  	_ =	sfence  }
0xb9: {  	s30 =	sld [smem:$0x0];
	_ =	sdelay $0x2  }
0xba: {  	s31 =	sshll.u32 s1, $0xD;
	s1 =	sshrl.u32 s1, $0x2  }
0xbb: {  	s3 =	sand.u32 $0x4000, s31;
	s1 =	sadd.s32 s1, s30  }
0xbc: {  	s0 =	sor.u32 s3, s0;
	s1 =	sshll.u32 s1, $0x11  }
0xbd: {  	s0 =	sor.u32 s1, s0  }
0xbe: {  	s0 =	sadd.s32 $0x8F2B, s0  }
0xbf: {  	[sflag:s0] =	ssyncadd.remote.s32 $0x1  }
0xc0: {  	_ =	sfence.sel $0xFFFF  }
0xc1: {  	[dreg:$0x0] =	wrdreg $0xFFFFFFFF;
	(pc) =	sbr.abs _section_cstart, $3  }
0xc2: {  	[dreg:$0x1] =	wrdreg $0xFFFFFFFF  }
0xc3: {  	_ =	task.clear_ibuf [dreg:s7], $0x2FFFF;
	_ =	strace $0x9FFFFFFF  }
0xc4: {  	(tm) =	ssettm $0x7FFFFFFF  }
0xc5: {  	_ =	shalt  }
tec
execute0_lowered:
.L_overlay_start_1:
0x0: {  	(tag) =	ssettag $0x1  }
0x1: {  	s1 =	rddreg [dreg:$0x0]  }
0x2: {  	s0 =	rddreg [dreg:$0x1]  }
0x3: {  	s3 =	rddreg [dreg:$0x2]  }
0x4: {  	s2 =	srdreg.scid;
	s15 =	stileid.u32  }
0x5: {  	s4 =	rddreg [dreg:$0x3];
	s5 =	simm.s32 $0x0;
	s28 =	simm.s32 $0x80  }
0x6: {  	s29 =	simm.s32 $0x200;
	s30 =	simm.s32 $0x180;
	s8 =	smul.u32 $0x280, s15  }
0x7: {  	s31 =	simm.s32 $0x4200;
	s2 =	sand.u32 $0x1, s2;
	s14 =	smul.u32 $0x50000, s15  }
0x8: {  	[smem:$0x7FF] =	sst s5;
	s6 =	sadd.s32 $0x10800, s0;
	s17 =	smul.u32 $0x2710, s15  }
0x9: {  	s10 =	sadd.s32 $0x1A600, s0;
	s25 =	sshll.u32 s15, $0x6;
	s7 =	smul.u32 $0x2800, s2  }
0xa: {  	_ =	strace $0x80000047;
	[dreg:$0x5] =	wrdreg s10;
	s22 =	ssub.s32 $0x2, s2  }
0xb: {  	s13 =	sshll.u32 s2, $0x4;
	s10 =	sor.u32 $0x1C07, s25;
	s2 =	smul.u32 $0x27100, s2  }
0xc: {  	s11 =	sshrl.u32 s22, $0x1;
	s23 =	sor.u32 s15, s13;
	s24 =	sshrl.u32 s14, $0x2  }
0xd: {  	s13 =	simm.s32 $0x4;
	s9 =	sadd.s32 s8, s7;
	s7 =	sadd.s32 $0x6A00, s0  }
0xe: {  	s26 =	smul.u32 $0x2710, s23;
	s2 =	sadd.s32 s17, s2;
	s21 =	sshll.u32 s9, $0x4  }
0xf: {  	s9 =	sshrl.u32 s9, $0x3;
	s23 =	sadd.s32 $0x180, s2;
	s12 =	sadd.s32 s21, s0  }
0x10: {  	s0 =	sadd.s32 s9, s0;
	s9 =	ssub.s32 s22, s11;
	s11 =	sadd.s32 s24, s3  }
0x11: {  	s16 =	sshrl.u32 s26, $0x3;
	s25 =	sshrl.u32 s23, $0x3;
	s23 =	sadd.s32 $0x100, s2  }
0x12: {  	s2 =	simm.s32 $0x1;
	[dreg:$0x6] =	wrdreg s11;
	s14 =	sadd.s32 s6, s16  }
0x13: {  	s11 =	sadd.s32 s8, s4;
	s18 =	sadd.s32 s7, s16;
	[dreg:$0x7] =	wrdreg s14  }
0x14: {  	s19 =	sadd.s32 $0x10, s16;
	s24 =	sadd.s32 $0x1D800, s12;
	[dreg:$0x8] =	wrdreg s18  }
0x15: {  	s8 =	sadd.s32 $0x4E0, s16;
	s0 =	sadd.s32 $0x1CE00, s0;
	[dreg:$0xd] =	wrdreg s24  }
0x16: {  	s26 =	smax.u32 s9, $0x1;
	s9 =	simm.s32 $0x2;
	[dreg:$0xe] =	wrdreg s0  }
0x17: {  	s12 =	simm.s32 $0x6;
	s20 =	sadd.s32 s6, s19;
	[dreg:$0xf] =	wrdreg s26  }
0x18: {  	s21 =	sadd.s32 s7, s19;
	s22 =	sadd.s32 s6, s8;
	[dreg:$0x9] =	wrdreg s20  }
0x19: {  	s8 =	sadd.s32 s7, s8;
	s24 =	simm.s32 $0x7;
	[dreg:$0xa] =	wrdreg s21  }
0x1a: {  	s26 =	simm.s32 $0x100;
	s0 =	simm.s32 $0x8B00;
	[dreg:$0xb] =	wrdreg s22  }
0x1b: {  	s18 =	simm.s32 $0x0;
	[dreg:$0xc] =	wrdreg s8;
	s21 =	sadd.s32 s25, s7  }
0x1c: {  	v0 =	vimm.f32 $1.000000000e+00;
	v1 =	vimm.f32 $0.0e+00;
	s22 =	sadd.s32 s25, s6;
	s25 =	simm.s32 $0x5;
	s8 =	simm.s32 $0x3  }
.LBB2_1:
0x1d: {  	[tilespmem:$0x8B00] =	vst v0  }
0x1e: {  	[tilespmem:$0x8B10] =	vst v0  }
0x1f: {  	[tilespmem:$0x8B20] =	vst v0  }
0x20: {  	[tilespmem:$0x8B30] =	vst v0  }
0x21: {  	[tilespmem:$0x8B40] =	vst v0  }
0x22: {  	[tilespmem:$0x8B50] =	vst v0  }
0x23: {  	[tilespmem:$0x8B60] =	vst v0  }
0x24: {  	[tilespmem:$0x8B70] =	vst v0  }
0x25: {  	[tilespmem:$0x8B80] =	vst v1  }
0x26: {  	[tilespmem:$0x8B90] =	vst v1  }
0x27: {  	[tilespmem:$0x8BA0] =	vst v1  }
0x28: {  	[tilespmem:$0x8BB0] =	vst v1  }
0x29: {  	[tilespmem:$0x8BC0] =	vst v1  }
0x2a: {  	[tilespmem:$0x8BD0] =	vst v1  }
0x2b: {  	[tilespmem:$0x8BE0] =	vst v1  }
0x2c: {  	[tilespmem:$0x8BF0] =	vst v1  }
0x2d: {  	[tilespmem:$0x8C00] =	vst v1  }
0x2e: {  	[tilespmem:$0x8C10] =	vst v1  }
0x2f: {  	[tilespmem:$0x8C20] =	vst v1  }
0x30: {  	[tilespmem:$0x8C30] =	vst v1  }
0x31: {  	[tilespmem:$0x8C40] =	vst v1  }
0x32: {  	[tilespmem:$0x8C50] =	vst v1  }
0x33: {  	[tilespmem:$0x8C60] =	vst v1  }
0x34: {  	[tilespmem:$0x8C70] =	vst v1  }
0x35: {  	[tilespmem:$0x8C80] =	vst v1  }
0x36: {  	[tilespmem:$0x8C90] =	vst v1  }
0x37: {  	[tilespmem:$0x8CA0] =	vst v1  }
0x38: {  	[tilespmem:$0x8CB0] =	vst v1  }
0x39: {  	[tilespmem:$0x8CC0] =	vst v1  }
0x3a: {  	[tilespmem:$0x8CD0] =	vst v1  }
0x3b: {  	[tilespmem:$0x8CE0] =	vst v1  }
0x3c: {  	[tilespmem:$0x8CF0] =	vst v1  }
0x3d: {  	[tilespmem:$0x8D00] =	vst v1  }
0x3e: {  	[tilespmem:$0x8D10] =	vst v1  }
0x3f: {  	[tilespmem:$0x8D20] =	vst v1  }
0x40: {  	[tilespmem:$0x8D30] =	vst v1  }
0x41: {  	[tilespmem:$0x8D40] =	vst v1  }
0x42: {  	[tilespmem:$0x8D50] =	vst v1  }
0x43: {  	[tilespmem:$0x8D60] =	vst v1  }
0x44: {  	[tilespmem:$0x8D70] =	vst v1  }
0x45: {  	[tilespmem:$0x8D80] =	vst v1  }
0x46: {  	[tilespmem:$0x8D90] =	vst v1  }
0x47: {  	[tilespmem:$0x8DA0] =	vst v1  }
0x48: {  	[tilespmem:$0x8DB0] =	vst v1  }
0x49: {  	[tilespmem:$0x8DC0] =	vst v1  }
0x4a: {  	[tilespmem:$0x8DD0] =	vst v1  }
0x4b: {  	[tilespmem:$0x8DE0] =	vst v1;
	s14 =	rddreg [dreg:$0x6]  }
0x4c: {  	[tilespmem:$0x8DF0] =	vst v1;
	s20 =	rddreg [dreg:$0x5];
	s19 =	sshrl.u32 s14, $0x3  }
0x4d: {  	[spmem:s19], [sflag:s10] =	dma.local [hbm:s20], $0x2800  }
0x4e: {  	_ =	swait.ge [sflag:s24], $0x2800  }
0x4f: {  	[sflag:s24] =	ssyncset.done $0x0  }
0x50: {  	s15 =	simm.s32 $0x8B80;
	[sflag:s24] =	ssyncadd.s32 $0xFFFFD800  }
0x51: {  	[spmem:s11] =	stream.linear.scatter [tilespmem:s15], [sflag:$0x7], $0x280, $0x38;
	[tilespmem:$0x1D080] =	vst v63  }
0x52: {  	_ =	swait.ge [sflag:s24], $0x280  }
0x53: {  	[sflag:s24] =	ssyncset.done $0x0  }
0x54: {  	[sflag:s24] =	ssyncadd.s32 $0xFFFFFD80  }
0x55: {  	[bflag:$0x0] =	sbarrier.arrive $0xFFFF  }
0x56: {  	s16 =	rddreg [dreg:$0x7]  }
0x57: {  	[tilespmem:s5], [sflag:$0x7] =	stream.linear.gather [hbm4b:s16+s5], $0x80, $0x38;
	[tilespmem:$0x1D080] =	vst v63  }
0x58: {  	_ =	swait.ge [sflag:s24], $0x80  }
0x59: {  	[sflag:s24] =	ssyncset.done $0x0  }
0x5a: {  	s17 =	rddreg [dreg:$0x8];
	[sflag:s24] =	ssyncadd.s32 $0xFFFFFF80  }
0x5b: {  	[tilespmem:s26], [sflag:$0x7] =	stream.linear.gather [hbm4b:s17+s5], $0x80, $0x38;
	[tilespmem:$0x1D080] =	vst v63  }
0x5c: {  	_ =	swait.ge [sflag:s24], $0x80  }
0x5d: {  	[sflag:s24] =	ssyncset.done $0x0  }
0x5e: {  	[sflag:s24] =	ssyncadd.s32 $0xFFFFFF80  }
0x5f: {  	[tilespmem:s29], [sflag:$0x1] =	stream.indirect.gather [hbm4b:s1+s28], $0x80, s5, s28, $0xb8;
	[tilespmem:$0x1D080] =	vst v63  }
0x60: {  	s20 =	rddreg [dreg:$0x9]  }
0x61: {  	[tilespmem:s28], [sflag:$0x7] =	stream.linear.gather [hbm4b:s20+s5], $0x80, $0x38;
	[tilespmem:$0x1D080] =	vst v63  }
0x62: {  	_ =	swait.ge [sflag:s24], $0x80  }
0x63: {  	[sflag:s24] =	ssyncset.done $0x0  }
0x64: {  	s15 =	rddreg [dreg:$0xa];
	[sflag:s24] =	ssyncadd.s32 $0xFFFFFF80  }
0x65: {  	[tilespmem:s30], [sflag:$0x7] =	stream.linear.gather [hbm4b:s15+s5], $0x80, $0x38;
	[tilespmem:$0x1D080] =	vst v63  }
0x66: {  	_ =	swait.ge [sflag:s24], $0x80  }
0x67: {  	[sflag:s24] =	ssyncset.done $0x0  }
0x68: {  	[sflag:s24] =	ssyncadd.s32 $0xFFFFFF80  }
0x69: {  	[tilespmem:s31], [sflag:$0x2] =	stream.indirect.gather [hbm4b:s1+s28], $0x80, s28, s28, $0xb8;
	[tilespmem:$0x1D080] =	vst v63  }
0x6a: {  	_ =	swait.ge [sflag:s2], $0x4000  }
0x6b: {  	[sflag:s2] =	ssyncset.done $0x0  }
0x6c: {  	[sflag:s2] =	ssyncadd.s32 $0xFFFFC000  }
0x6d: {  	[spmem:s3] =	stream.indirect.scatter.add.f32 [tilespmem:s29], [sflag:$0x3], $0x80, s26, s28, $0xb8;
	[tilespmem:$0x1D080] =	vst v63  }
0x6e: {  	_ = 	snop  }
0x6f: {  	[spmem:s4] =	stream.indirect.scatter.add.f32 [tilespmem:s0], [sflag:$0x5], $0x1, s26, s28, $0xb8;
	[tilespmem:$0x1D080] =	vst v63  }
0x70: {  	_ =	swait.ge [sflag:s25], $0x80  }
0x71: {  	[sflag:s25] =	ssyncset.done $0x0  }
0x72: {  	[sflag:s25] =	ssyncadd.s32 $0xFFFFFF80  }
0x73: {  	_ =	swait.ge [sflag:s8], $0x4000  }
0x74: {  	s16 =	sshrl.u32 s23, $0x3;
	[sflag:s8] =	ssyncset.done $0x0  }
0x75: {  	s17 =	sadd.s32 s6, s16;
	[sflag:s8] =	ssyncadd.s32 $0xFFFFC000  }
0x76: {  	[tilespmem:s5], [sflag:$0x7] =	stream.linear.gather [hbm4b:s17+s5], $0x80, $0x38;
	[tilespmem:$0x1D080] =	vst v63  }
0x77: {  	_ =	swait.ge [sflag:s24], $0x80  }
0x78: {  	[sflag:s24] =	ssyncset.done $0x0  }
0x79: {  	s14 =	sadd.s32 s7, s16;
	[sflag:s24] =	ssyncadd.s32 $0xFFFFFF80  }
0x7a: {  	[tilespmem:s26], [sflag:$0x7] =	stream.linear.gather [hbm4b:s14+s5], $0x80, $0x38;
	[tilespmem:$0x1D080] =	vst v63  }
0x7b: {  	_ =	swait.ge [sflag:s24], $0x80  }
0x7c: {  	[sflag:s24] =	ssyncset.done $0x0  }
0x7d: {  	[sflag:s24] =	ssyncadd.s32 $0xFFFFFF80  }
0x7e: {  	[tilespmem:s29], [sflag:$0x1] =	stream.indirect.gather [hbm4b:s1+s28], $0x80, s5, s28, $0xb8;
	[tilespmem:$0x1D080] =	vst v63  }
0x7f: {  	_ =	swait.ge [sflag:s9], $0x4000  }
0x80: {  	[sflag:s9] =	ssyncset.done $0x0  }
0x81: {  	[sflag:s9] =	ssyncadd.s32 $0xFFFFC000  }
0x82: {  	[spmem:s3] =	stream.indirect.scatter.add.f32 [tilespmem:s31], [sflag:$0x4], $0x80, s30, s28, $0xb8;
	[tilespmem:$0x1D080] =	vst v63  }
0x83: {  	_ = 	snop  }
0x84: {  	[spmem:s4] =	stream.indirect.scatter.add.f32 [tilespmem:s0], [sflag:$0x6], $0x1, s30, s28, $0xb8;
	[tilespmem:$0x1D080] =	vst v63  }
0x85: {  	_ =	swait.ge [sflag:s12], $0x80  }
0x86: {  	[sflag:s12] =	ssyncset.done $0x0  }
0x87: {  	[sflag:s12] =	ssyncadd.s32 $0xFFFFFF80  }
0x88: {  	_ =	swait.ge [sflag:s13], $0x4000  }
0x89: {  	[sflag:s13] =	ssyncset.done $0x0  }
0x8a: {  	s17 =	sadd.s32 $0x0, s22;
	[sflag:s13] =	ssyncadd.s32 $0xFFFFC000  }
0x8b: {  	[tilespmem:s28], [sflag:$0x7] =	stream.linear.gather [hbm4b:s17+s5], $0x80, $0x38;
	[tilespmem:$0x1D080] =	vst v63  }
0x8c: {  	_ =	swait.ge [sflag:s24], $0x80  }
0x8d: {  	[sflag:s24] =	ssyncset.done $0x0  }
0x8e: {  	s20 =	sadd.s32 $0x0, s21;
	[sflag:s24] =	ssyncadd.s32 $0xFFFFFF80  }
0x8f: {  	[tilespmem:s30], [sflag:$0x7] =	stream.linear.gather [hbm4b:s20+s5], $0x80, $0x38;
	[tilespmem:$0x1D080] =	vst v63  }
0x90: {  	_ =	swait.ge [sflag:s24], $0x80  }
0x91: {  	[sflag:s24] =	ssyncset.done $0x0  }
0x92: {  	s14 =	sadd.s32 $0x100, s23;
	s20 =	simm.s32 $0x20;
	[sflag:s24] =	ssyncadd.s32 $0xFFFFFF80  }
.LBB2_2:
0x93: {  	[tilespmem:s31], [sflag:$0x2] =	stream.indirect.gather [hbm4b:s1+s28], $0x80, s28, s28, $0xb8;
	[tilespmem:$0x1D080] =	vst v63  }
0x94: {  	s17 =	smov.u32 s20  }
0x95: {  	p0 =	sne.s32 s20, $0x4A0;
	s20 =	sadd.s32 $0x20, s20;
	_ =	swait.ge [sflag:s2], $0x4000  }
0x96: {  	[sflag:s2] =	ssyncset.done $0x0  }
0x97: {  	[sflag:s2] =	ssyncadd.s32 $0xFFFFC000  }
0x98: {  	[spmem:s3] =	stream.indirect.scatter.add.f32 [tilespmem:s29], [sflag:$0x3], $0x80, s26, s28, $0xb8;
	[tilespmem:$0x1D080] =	vst v63  }
0x99: {  	_ = 	snop  }
0x9a: {  	[spmem:s4] =	stream.indirect.scatter.add.f32 [tilespmem:s0], [sflag:$0x5], $0x1, s26, s28, $0xb8;
	[tilespmem:$0x1D080] =	vst v63  }
0x9b: {  	_ =	swait.ge [sflag:s25], $0x80  }
0x9c: {  	[sflag:s25] =	ssyncset.done $0x0  }
0x9d: {  	[sflag:s25] =	ssyncadd.s32 $0xFFFFFF80  }
0x9e: {  	_ =	swait.ge [sflag:s8], $0x4000  }
0x9f: {  	s15 =	sshrl.u32 s14, $0x3;
	[sflag:s8] =	ssyncset.done $0x0  }
0xa0: {  	s16 =	sadd.s32 s6, s15;
	[sflag:s8] =	ssyncadd.s32 $0xFFFFC000  }
0xa1: {  	[tilespmem:s5], [sflag:$0x7] =	stream.linear.gather [hbm4b:s16+s5], $0x80, $0x38;
	[tilespmem:$0x1D080] =	vst v63  }
0xa2: {  	_ =	swait.ge [sflag:s24], $0x80  }
0xa3: {  	[sflag:s24] =	ssyncset.done $0x0  }
0xa4: {  	s15 =	sadd.s32 s7, s15;
	[sflag:s24] =	ssyncadd.s32 $0xFFFFFF80  }
0xa5: {  	[tilespmem:s26], [sflag:$0x7] =	stream.linear.gather [hbm4b:s15+s5], $0x80, $0x38;
	[tilespmem:$0x1D080] =	vst v63  }
0xa6: {  	_ =	swait.ge [sflag:s24], $0x80  }
0xa7: {  	[sflag:s24] =	ssyncset.done $0x0  }
0xa8: {  	[sflag:s24] =	ssyncadd.s32 $0xFFFFFF80  }
0xa9: {  	[tilespmem:s29], [sflag:$0x1] =	stream.indirect.gather [hbm4b:s1+s28], $0x80, s5, s28, $0xb8;
	[tilespmem:$0x1D080] =	vst v63  }
0xaa: {  	_ =	swait.ge [sflag:s9], $0x4000  }
0xab: {  	[sflag:s9] =	ssyncset.done $0x0  }
0xac: {  	[sflag:s9] =	ssyncadd.s32 $0xFFFFC000  }
0xad: {  	[spmem:s3] =	stream.indirect.scatter.add.f32 [tilespmem:s31], [sflag:$0x4], $0x80, s30, s28, $0xb8;
	[tilespmem:$0x1D080] =	vst v63  }
0xae: {  	_ = 	snop  }
0xaf: {  	[spmem:s4] =	stream.indirect.scatter.add.f32 [tilespmem:s0], [sflag:$0x6], $0x1, s30, s28, $0xb8;
	[tilespmem:$0x1D080] =	vst v63  }
0xb0: {  	_ =	swait.ge [sflag:s12], $0x80  }
0xb1: {  	[sflag:s12] =	ssyncset.done $0x0  }
0xb2: {  	[sflag:s12] =	ssyncadd.s32 $0xFFFFFF80  }
0xb3: {  	_ =	swait.ge [sflag:s13], $0x4000  }
0xb4: {  	[sflag:s13] =	ssyncset.done $0x0  }
0xb5: {  	s15 =	sadd.s32 s17, s22;
	[sflag:s13] =	ssyncadd.s32 $0xFFFFC000  }
0xb6: {  	[tilespmem:s28], [sflag:$0x7] =	stream.linear.gather [hbm4b:s15+s5], $0x80, $0x38;
	[tilespmem:$0x1D080] =	vst v63  }
0xb7: {  	_ =	swait.ge [sflag:s24], $0x80  }
0xb8: {  	[sflag:s24] =	ssyncset.done $0x0  }
.Ltmp0:
0xb9: {  	s15 =	sadd.s32 s17, s21;
	[sflag:s24] =	ssyncadd.s32 $0xFFFFFF80;
	(pc) =	sbr.rel @p0 .LBB2_2-.Ltmp0, $4  }
0xba: {  	[tilespmem:s30], [sflag:$0x7] =	stream.linear.gather [hbm4b:s15+s5], $0x80, $0x38;
	[tilespmem:$0x1D080] =	vst v63  }
0xbb: {  	_ =	swait.ge [sflag:s24], $0x80  }
0xbc: {  	[sflag:s24] =	ssyncset.done $0x0  }
0xbd: {  	s14 =	sadd.s32 $0x100, s14;
	[sflag:s24] =	ssyncadd.s32 $0xFFFFFF80  }
0xbe: {  	[tilespmem:s31], [sflag:$0x2] =	stream.indirect.gather [hbm4b:s1+s28], $0x80, s28, s28, $0xb8;
	[tilespmem:$0x1D080] =	vst v63  }
0xbf: {  	_ =	swait.ge [sflag:s2], $0x4000  }
0xc0: {  	[sflag:s2] =	ssyncset.done $0x0  }
0xc1: {  	[sflag:s2] =	ssyncadd.s32 $0xFFFFC000  }
0xc2: {  	[spmem:s3] =	stream.indirect.scatter.add.f32 [tilespmem:s29], [sflag:$0x3], $0x80, s26, s28, $0xb8;
	[tilespmem:$0x1D080] =	vst v63  }
0xc3: {  	_ = 	snop  }
0xc4: {  	[spmem:s4] =	stream.indirect.scatter.add.f32 [tilespmem:s0], [sflag:$0x5], $0x1, s26, s28, $0xb8;
	[tilespmem:$0x1D080] =	vst v63  }
0xc5: {  	_ =	swait.ge [sflag:s9], $0x4000  }
0xc6: {  	[sflag:s9] =	ssyncset.done $0x0  }
0xc7: {  	[sflag:s9] =	ssyncadd.s32 $0xFFFFC000  }
0xc8: {  	[spmem:s3] =	stream.indirect.scatter.add.f32 [tilespmem:s31], [sflag:$0x4], $0x80, s30, s28, $0xb8;
	[tilespmem:$0x1D080] =	vst v63  }
0xc9: {  	_ = 	snop  }
0xca: {  	[spmem:s4] =	stream.indirect.scatter.add.f32 [tilespmem:s0], [sflag:$0x6], $0x1, s30, s28, $0xb8;
	[tilespmem:$0x1D080] =	vst v63  }
0xcb: {  	s15 =	simm.s32 $0x8200;
	s14 =	rddreg [dreg:$0xb]  }
0xcc: {  	[tilespmem:s15], [sflag:$0x7] =	stream.linear.gather [hbm4b:s14+s5], $0x10, $0x38;
	[tilespmem:$0x1D080] =	vst v63  }
0xcd: {  	_ =	swait.ge [sflag:s24], $0x10  }
0xce: {  	[sflag:s24] =	ssyncset.done $0x0  }
0xcf: {  	s16 =	simm.s32 $0x8280;
	s17 =	rddreg [dreg:$0xc];
	[sflag:s24] =	ssyncadd.s32 $0xFFFFFFF0  }
0xd0: {  	[tilespmem:s16], [sflag:$0x7] =	stream.linear.gather [hbm4b:s17+s5], $0x10, $0x38;
	[tilespmem:$0x1D080] =	vst v63  }
0xd1: {  	_ =	swait.ge [sflag:s24], $0x10  }
0xd2: {  	[sflag:s24] =	ssyncset.done $0x0  }
0xd3: {  	s20 =	simm.s32 $0x10;
	s17 =	simm.s32 $0x8300;
	[sflag:s24] =	ssyncadd.s32 $0xFFFFFFF0  }
0xd4: {  	[tilespmem:s17], [sflag:$0x1] =	stream.indirect.gather [hbm4b:s1+s20], $0x80, s15, s20, $0xb8;
	[tilespmem:$0x1D080] =	vst v63  }
0xd5: {  	_ =	swait.ge [sflag:s2], $0x800  }
0xd6: {  	[sflag:s2] =	ssyncset.done $0x0  }
0xd7: {  	[sflag:s2] =	ssyncadd.s32 $0xFFFFF800  }
0xd8: {  	[spmem:s3] =	stream.indirect.scatter.add.f32 [tilespmem:s17], [sflag:$0x7], $0x80, s16, s20, $0xb8;
	[tilespmem:$0x1D080] =	vst v63  }
0xd9: {  	_ =	swait.ge [sflag:s24], $0x800  }
0xda: {  	[sflag:s24] =	ssyncset.done $0x0  }
0xdb: {  	[sflag:s24] =	ssyncadd.s32 $0xFFFFF800  }
0xdc: {  	[spmem:s4] =	stream.indirect.scatter.add.f32 [tilespmem:s0], [sflag:$0x7], $0x1, s16, s20, $0xb8;
	[tilespmem:$0x1D080] =	vst v63  }
0xdd: {  	_ =	swait.ge [sflag:s24], $0x10  }
0xde: {  	[sflag:s24] =	ssyncset.done $0x0  }
0xdf: {  	[sflag:s24] =	ssyncadd.s32 $0xFFFFFFF0  }
0xe0: {  	_ =	swait.ge [sflag:s25], $0x80  }
0xe1: {  	[sflag:s25] =	ssyncset.done $0x0  }
0xe2: {  	[sflag:s25] =	ssyncadd.s32 $0xFFFFFF80  }
0xe3: {  	_ =	swait.ge [sflag:s8], $0x4000  }
0xe4: {  	[sflag:s8] =	ssyncset.done $0x0  }
0xe5: {  	[sflag:s8] =	ssyncadd.s32 $0xFFFFC000  }
0xe6: {  	_ =	swait.ge [sflag:s12], $0x80  }
0xe7: {  	[sflag:s12] =	ssyncset.done $0x0  }
0xe8: {  	[sflag:s12] =	ssyncadd.s32 $0xFFFFFF80  }
0xe9: {  	_ =	swait.ge [sflag:s13], $0x4000  }
0xea: {  	[sflag:s13] =	ssyncset.done $0x0  }
0xeb: {  	[sflag:s13] =	ssyncadd.s32 $0xFFFFC000  }
0xec: {  	[bflag:$0x0] =	sbarrier.arrive $0xFFFF  }
0xed: {  	s16 =	rddreg [dreg:$0xd]  }
0xee: {  	[hbm:s16], [sflag:s10] =	dma.local [spmem:s19], $0x2800  }
0xef: {  	_ =	swait.ge [sflag:s24], $0x2800  }
0xf0: {  	[sflag:s24] =	ssyncset.done $0x0  }
0xf1: {  	s17 =	sshrl.u32 s11, $0x3;
	s19 =	rddreg [dreg:$0xe];
	[sflag:s24] =	ssyncadd.s32 $0xFFFFD800  }
0xf2: {  	[hbm:s19], [sflag:s10] =	dma.local [spmem:s17], $0x50  }
0xf3: {  	_ =	swait.ge [sflag:s24], $0x50  }
0xf4: {  	s18 =	sadd.s32 $0x1, s18;
	s20 =	rddreg [dreg:$0xf]  }
0xf5: {  	p0 =	sne.s32 s18, s20  }
.Ltmp1:
0xf6: {  	_ = 	snop;
	(pc) =	sbr.rel @p0 .LBB2_1-.Ltmp1, $3  }
0xf7: {  	_ =	sdelay $0x1  }
0xf8: {  	[sflag:s24] =	ssyncset.done $0x0  }
0xf9: {  	[sflag:s24] =	ssyncadd.s32 $0xFFFFFFB0  }
0xfa: {  	_ =	sfence.sel $0x180000  }
0xfb: {  	[bflag:$0x0] =	sbarrier.arrive $0xFFFF  }
0xfc: {  	_ =	strace $0x90000047  }
0xfd: {  	s0 =	stileid.u32;
	[bflag:$0x2] =	sbarrier.arrive $0xFFFF  }
0xfe: {  	p0 =	sne.s32 s0, $0x0;
	s0 =	rddreg [dreg:$0x4]  }
0xff: {  	s0 =	sadd.s32 @!p0 $0x100000, s0  }
0x100: {  	[sflag:s0] =	ssyncadd.tile.s32 @!p0 $0x1;
	_ =	shalt  }
.Lfunc_end2:
_tile_overlayer_lowered:
.L_overlay_start_2:
0x101: {  	(tag) =	ssettag $0x2  }
0x102: {  	s0 =	rddreg [dreg:$0x0];
	s2 =	stileid.u32  }
0x103: {  	s1 =	rddreg [dreg:$0x1];
	p0 =	sne.s32 s2, $0x0  }
0x104: {  	s3 =	rddreg [dreg:$0x2];
	[bflag:$0x3] =	sbarrier.arrive $0xFFFF;
	s2 =	simm.s32 @!p0 $0x1C07  }
0x105: {  	[timem:s3], [sflag:s2] =	dma.local @!p0 [hbm:s0], s1  }
0x106: {  	s0 =	simm.s32 @!p0 $0x7  }
0x107: {  	_ =	swait.ge @!p0 [sflag:s0], s1  }
0x108: {  	s1 =	ssub.s32 @!p0 $0x0, s1;
	[sflag:s0] =	ssyncset.done @!p0 $0x0  }
0x109: {  	[sflag:s0] =	ssyncadd.s32 @!p0 s1  }
0x10a: {  	[bflag:$0x3] =	sbarrier.arrive $0xFFFF  }
0x10b: {  	_ =	shalt  }

</sc_bundles>
